<compile_context>
chip_gen: v7x
topology: tpu7x:2x2x1
jax: 0.10.2.dev20260603
libtpu: 0.0.44.dev20260713+nightly
codegen_flags: <defaults>
</compile_context>

<pallas_src>
import jax
import jax.numpy as jnp
from jax import lax
from jax.experimental import pallas as pl
from jax.experimental.pallas import tpu as pltpu
from jax.experimental.pallas import tpu_sc as plsc

N_PREFIX = 10000
N_ITEM = 10000
D = 128
NC, NS = 2, 16
NW = NC * NS
CHUNK = 128
ROWS_PER_TILE = 632
NPAD = NS * ROWS_PER_TILE
DUMMY_ROW = NPAD - 1


def _prep_body(h_ref, w_ref, a_ref, hw_ref, item_ref):
    h = h_ref[...]
    a2 = a_ref[:, D:]
    v = jnp.dot(a2, w_ref[...])
    s = jnp.sum(h * v, axis=1, keepdims=True)
    m = jnp.max(s)
    wexp = jnp.exp(s - m)
    hw_ref[...] = wexp * h
    nrm = jnp.sqrt(jnp.sum(h * h, axis=1, keepdims=True))
    item_ref[...] = h / jnp.maximum(nrm, 1e-12)


def _finish_body(acc2_ref, out_ref):
    acc = acc2_ref[0, :N_PREFIX, :] + acc2_ref[1, :N_PREFIX, :]
    nrm = jnp.sqrt(jnp.sum(acc * acc, axis=1, keepdims=True))
    out_ref[...] = acc / jnp.maximum(nrm, 1e-12)


NBUF = 2
B = 8
C0 = 80
C1 = 80
TOTCH = NS * (C0 + C1)


def _make_scatter():
    def _scatter_body(evc_hbm, euc_hbm, hw_hbm, zeros_hbm, out_hbm,
                      ubv0, ubv1, ubu0, ubu1, rows0, rows1, acc_sh,
                      g0, g1, ri0, ri1, zsem):
        ubv = (ubv0, ubv1)
        ubu = (ubu0, ubu1)
        rows = (rows0, rows1)
        g = (g0, g1)
        ri = (ri0, ri1)
        cid = lax.axis_index("c")
        sid = lax.axis_index("s")
        r0 = sid * ROWS_PER_TILE
        c_tile = jnp.where(cid == 0, C0, C1)
        start = jnp.where(cid == 0, sid * C0, NS * C0 + sid * C1)
        nblk = c_tile // B

        zc = pltpu.async_copy(zeros_hbm, acc_sh.at[pl.ds(r0, ROWS_PER_TILE)],
                              zsem)
        for t in range(2):
            pltpu.async_copy(evc_hbm.at[pl.ds(start + t * B, B)], ubv[t],
                             ri[t])
            pltpu.async_copy(euc_hbm.at[pl.ds(start + t * B, B)], ubu[t],
                             ri[t])
        pltpu.make_async_copy(evc_hbm.at[pl.ds(start, B)], ubv0, ri0).wait()
        pltpu.make_async_copy(euc_hbm.at[pl.ds(start, B)], ubu0, ri0).wait()
        for t in range(2):
            pltpu.async_copy(hw_hbm.at[ubv0.at[t]], rows[t], g[t])
        zc.wait()
        plsc.subcore_barrier()

        @pl.loop(0, nblk, step=2)
        def _blocks(j):
            for blk in range(2):
                base = (j + blk) * B
                for k in range(B):
                    b = k % NBUF
                    cur = base + k
                    pltpu.make_async_copy(hw_hbm.at[ubv[blk].at[k]], rows[b],
                                          g[b]).wait()
                    pltpu.sync_copy(rows[b], acc_sh.at[ubu[blk].at[k]],
                                    add=True)
                    if k == B - 2:
                        @pl.when(base + B < c_tile)
                        def _():
                            pltpu.make_async_copy(
                                evc_hbm.at[pl.ds(start, B)], ubv[1 - blk],
                                ri[1 - blk]).wait()
                            pltpu.make_async_copy(
                                euc_hbm.at[pl.ds(start, B)], ubu[1 - blk],
                                ri[1 - blk]).wait()
                    if k < B - 2:
                        @pl.when(cur + NBUF < c_tile)
                        def _():
                            pltpu.async_copy(hw_hbm.at[ubv[blk].at[k + 2]],
                                             rows[b], g[b])
                    else:
                        @pl.when(cur + NBUF < c_tile)
                        def _():
                            pltpu.async_copy(
                                hw_hbm.at[ubv[1 - blk].at[k + 2 - B]],
                                rows[b], g[b])
                @pl.when(base + 2 * B < c_tile)
                def _():
                    off = start + base + 2 * B
                    pltpu.async_copy(evc_hbm.at[pl.ds(off, B)], ubv[blk],
                                     ri[blk])
                    pltpu.async_copy(euc_hbm.at[pl.ds(off, B)], ubu[blk],
                                     ri[blk])

        plsc.subcore_barrier()
        pltpu.sync_copy(acc_sh.at[pl.ds(r0, ROWS_PER_TILE)],
                        out_hbm.at[cid, pl.ds(r0, ROWS_PER_TILE)])

    return pl.kernel(
        _scatter_body,
        out_type=jax.ShapeDtypeStruct((NC, NPAD, D), jnp.float32),
        mesh=plsc.VectorSubcoreMesh(core_axis_name="c", subcore_axis_name="s"),
        scratch_types=[
            pltpu.VMEM((B, CHUNK), jnp.int32),
            pltpu.VMEM((B, CHUNK), jnp.int32),
            pltpu.VMEM((B, CHUNK), jnp.int32),
            pltpu.VMEM((B, CHUNK), jnp.int32),
            pltpu.VMEM((CHUNK, D), jnp.float32),
            pltpu.VMEM((CHUNK, D), jnp.float32),
            pltpu.VMEM_SHARED((NPAD, D), jnp.float32),
            pltpu.SemaphoreType.DMA,
            pltpu.SemaphoreType.DMA,
            pltpu.SemaphoreType.DMA,
            pltpu.SemaphoreType.DMA,
            pltpu.SemaphoreType.DMA,
        ],
    )


def kernel(h_prefix, h_item, edge_u, edge_v, W_w, W_b, a_w, a_b):
    eu = edge_u.astype(jnp.int32)
    ev = edge_v.astype(jnp.int32)
    e = eu.shape[0]
    epad = TOTCH * CHUNK
    pad = epad - e
    spare = NPAD - N_PREFIX
    dummy_u = N_PREFIX + jnp.arange(pad, dtype=jnp.int32) % spare
    eu_p = jnp.concatenate([eu, dummy_u])
    dummy_v = jnp.arange(pad, dtype=jnp.int32) % N_ITEM
    ev_p = jnp.concatenate([ev, dummy_v])
    evc = ev_p.reshape(TOTCH, CHUNK)
    euc = eu_p.reshape(TOTCH, CHUNK)
    zeros = jnp.zeros((ROWS_PER_TILE, D), jnp.float32)

    hw, item_out = pl.pallas_call(
        _prep_body,
        out_shape=[
            jax.ShapeDtypeStruct((N_ITEM, D), jnp.float32),
            jax.ShapeDtypeStruct((N_ITEM, D), jnp.float32),
        ],
    )(h_item, W_w, a_w)

    acc2 = _make_scatter()(evc, euc, hw, zeros)

    prefix_out = pl.pallas_call(
        _finish_body,
        out_shape=jax.ShapeDtypeStruct((N_PREFIX, D), jnp.float32),
    )(acc2)
    return prefix_out, item_out

# --- scband reference (transcript-rebuilt; emitter-appended) ---
"""Pipeline reference for scband-node-level-attention-56495999812298 (READ-ONLY COPY).

The authoritative reference and input builder live on the scoring server;
editing this copy changes nothing except your own understanding.
"""

import jax, jax.numpy as jnp
import numpy as np

N_PREFIX = 10000
N_ITEM = 10000
E = 320000
D = 128

def setup_inputs(seed: int = 0) -> dict:
    key = jax.random.key(seed)
    k1, k2, k3, k4, k5, k6, k7, k8 = jax.random.split(key, 8)
    h_prefix = jax.random.normal(k1, (N_PREFIX, D), dtype=jnp.float32)
    h_item = jax.random.normal(k2, (N_ITEM, D), dtype=jnp.float32)
    edge_u = jax.random.randint(k3, (E,), 0, N_PREFIX, dtype=jnp.int64)
    edge_v = jax.random.randint(k4, (E,), 0, N_ITEM, dtype=jnp.int64)
    # nn.Linear default init: U(-1/sqrt(fan_in), 1/sqrt(fan_in))
    lim_w = 1.0 / np.sqrt(D)
    W_w = jax.random.uniform(k5, (D, D), dtype=jnp.float32, minval=-lim_w, maxval=lim_w)
    W_b = jax.random.uniform(k6, (D,), dtype=jnp.float32, minval=-lim_w, maxval=lim_w)
    lim_a = 1.0 / np.sqrt(2 * D)
    a_w = jax.random.uniform(k7, (1, 2 * D), dtype=jnp.float32, minval=-lim_a, maxval=lim_a)
    a_b = jax.random.uniform(k8, (1,), dtype=jnp.float32, minval=-lim_a, maxval=lim_a)
    return {"h_prefix": h_prefix, "h_item": h_item, "edge_u": edge_u, "edge_v": edge_v,
            "W_w": W_w, "W_b": W_b, "a_w": a_w, "a_b": a_b}

def _l2_normalize(x, eps=1e-12):
    # matches F.normalize(x, p=2, dim=-1): x / max(||x||, eps)
    nrm = jnp.sqrt(jnp.sum(x * x, axis=-1, keepdims=True))
    return x / jnp.maximum(nrm, eps)

def reference(h_prefix, h_item, edge_u, edge_v, W_w, W_b, a_w, a_b):
    N = h_prefix.shape[0]
    # gather endpoint features (single canonical etype Prefix -> Item)
    h_src = jnp.take(h_prefix, edge_u, axis=0)
    h_dst = jnp.take(h_item, edge_v, axis=0)
    # calc_attention_score
    h_src_proj = h_src @ W_w.T + W_b
    h_dst_proj = h_dst @ W_w.T + W_b
    concat_feat = jnp.concatenate([h_src_proj, h_dst_proj], axis=-1)
    e_ij = (concat_feat @ a_w.T + a_b).squeeze(-1)  # [E]
    # per-source-node softmax over incident edges (numerically stable, as torch softmax)
    seg_max = jax.ops.segment_max(e_ij, edge_u, num_segments=N)
    seg_max = jnp.where(jnp.isfinite(seg_max), seg_max, 0.0)
    exp_e = jnp.exp(e_ij - jnp.take(seg_max, edge_u, axis=0))
    denom = jax.ops.segment_sum(exp_e, edge_u, num_segments=N)
    alpha = exp_e / jnp.take(jnp.maximum(denom, 1e-38), edge_u, axis=0)
    # weighted aggregation of raw h_dst into prefix nodes
    msg = alpha[:, None] * h_dst
    prefix_embed_new = jax.ops.segment_sum(msg, edge_u, num_segments=N)
    prefix_out = _l2_normalize(prefix_embed_new)
    item_out = _l2_normalize(h_item)
    return prefix_out, item_out

if __name__ == "__main__":
    import jax
    _d = setup_inputs()
    print(jax.jit(kernel)(*tuple(_d.values())))

</pallas_src>

<mosaic_0001>
#map = affine_map<(d0, d1) -> (0, 0)>
#map1 = affine_map<(d0, d1) -> (0, 0, 0)>
module attributes {stable_mosaic.version = 14 : i64} {
  func.func @_scatter_body(%arg0: i32, %arg1: i32, %arg2: memref<2560x128xi32, #tpu.memory_space<hbm>>, %arg3: memref<2560x128xi32, #tpu.memory_space<hbm>>, %arg4: memref<10000x128xf32, #tpu.memory_space<hbm>>, %arg5: memref<632x128xf32, #tpu.memory_space<hbm>>, %arg6: memref<2x10112x128xf32, #tpu.memory_space<hbm>>, %arg7: memref<8x128xi32, #tpu.memory_space<vmem>>, %arg8: memref<8x128xi32, #tpu.memory_space<vmem>>, %arg9: memref<8x128xi32, #tpu.memory_space<vmem>>, %arg10: memref<8x128xi32, #tpu.memory_space<vmem>>, %arg11: memref<128x128xf32, #tpu.memory_space<vmem>>, %arg12: memref<128x128xf32, #tpu.memory_space<vmem>>, %arg13: memref<10112x128xf32, #tpu.memory_space<vmem_shared>>, %arg14: memref<!tpu.dma_semaphore, #tpu.memory_space<semaphore_mem>>, %arg15: memref<!tpu.dma_semaphore, #tpu.memory_space<semaphore_mem>>, %arg16: memref<!tpu.dma_semaphore, #tpu.memory_space<semaphore_mem>>, %arg17: memref<!tpu.dma_semaphore, #tpu.memory_space<semaphore_mem>>, %arg18: memref<!tpu.dma_semaphore, #tpu.memory_space<semaphore_mem>>) attributes {dimension_semantics = [#tpu.dimension_semantics<core_parallel>, #tpu.dimension_semantics<subcore_parallel>], iteration_bounds = array<i64: 2, 16>, scalar_prefetch = 0 : i64, scratch_operands = 12 : i64, tpu.core_type = #tpu.core_type<sc_vector_subcore>, window_params = [{transform_indices = #map}, {transform_indices = #map}, {transform_indices = #map}, {transform_indices = #map}, {transform_indices = #map1}]} {
    %mul3A = arith.constant 632 : i32
    %mul3A_0 = arith.muli %arg1, %mul3A : i32
    %eq3A = arith.constant 0 : i32
    %eq3A_1 = arith.cmpi eq, %arg0, %eq3A : i32
    %jit3A = arith.constant 80 : i32
    %jit3A_2 = arith.constant 80 : i32
    %select_n3A = arith.select %eq3A_1, %jit3A, %jit3A_2 : i32
    %eq3A_3 = arith.constant 0 : i32
    %eq3A_4 = arith.cmpi eq, %arg0, %eq3A_3 : i32
    %mul3A_5 = arith.constant 80 : i32
    %mul3A_6 = arith.muli %arg1, %mul3A_5 : i32
    %mul3A_7 = arith.constant 80 : i32
    %mul3A_8 = arith.muli %arg1, %mul3A_7 : i32
    %add3A = arith.constant 1280 : i32
    %add3A_9 = arith.addi %add3A, %mul3A_8 : i32
    %select_n3A_10 = arith.select %eq3A_4, %mul3A_6, %add3A_9 : i32
    %jit3A_11 = arith.constant 8 : i32
    %div3A = arith.divsi %select_n3A, %jit3A_11 : i32
    %sign3A = arith.constant 0 : i32
    %sign3A_12 = arith.cmpi sgt, %select_n3A, %sign3A : i32
    %sign3A_13 = arith.extui %sign3A_12 : i1 to i32
    %sign3A_14 = arith.constant 0 : i32
    %sign3A_15 = arith.cmpi slt, %select_n3A, %sign3A_14 : i32
    %sign3A_16 = arith.extui %sign3A_15 : i1 to i32
    %sign3A_17 = arith.subi %sign3A_13, %sign3A_16 : i32
    %sign3A_18 = arith.constant 0 : i32
    %sign3A_19 = arith.cmpi sgt, %jit3A_11, %sign3A_18 : i32
    %sign3A_20 = arith.extui %sign3A_19 : i1 to i32
    %sign3A_21 = arith.constant 0 : i32
    %sign3A_22 = arith.cmpi slt, %jit3A_11, %sign3A_21 : i32
    %sign3A_23 = arith.extui %sign3A_22 : i1 to i32
    %sign3A_24 = arith.subi %sign3A_20, %sign3A_23 : i32
    %ne3A = arith.cmpi ne, %sign3A_17, %sign3A_24 : i32
    %rem3A = arith.remsi %select_n3A, %jit3A_11 : i32
    %ne3A_25 = arith.constant 0 : i32
    %ne3A_26 = arith.cmpi ne, %rem3A, %ne3A_25 : i32
    %and3A = arith.andi %ne3A, %ne3A_26 : i1
    %sub3A = arith.constant 1 : i32
    %sub3A_27 = arith.subi %div3A, %sub3A : i32
    %select_n3A_28 = arith.select %and3A, %sub3A_27, %div3A : i32
    %dma_start3A = arith.constant 0 : i32
    %dma_start3A_29 = tpu.memref_slice %arg13[%mul3A_0, %dma_start3A] : memref<10112x128xf32, #tpu.memory_space<vmem_shared>> -> memref<632x128xf32, #tpu.memory_space<vmem_shared>>
    tpu.enqueue_dma source(%arg5 : memref<632x128xf32, #tpu.memory_space<hbm>>) target(%dma_start3A_29 : memref<632x128xf32, #tpu.memory_space<vmem_shared>>) target_semaphore(%arg18 : memref<!tpu.dma_semaphore, #tpu.memory_space<semaphore_mem>>)
    %add3A_30 = arith.constant 0 : i32
    %add3A_31 = arith.addi %select_n3A_10, %add3A_30 : i32
    %dma_start3A_32 = arith.constant 0 : i32
    %dma_start3A_33 = tpu.memref_slice %arg2[%add3A_31, %dma_start3A_32] : memref<2560x128xi32, #tpu.memory_space<hbm>> -> memref<8x128xi32, #tpu.memory_space<hbm>>
    %dma_start3A_34 = arith.constant 0 : i32
    %dma_start3A_35 = tpu.memref_slice %arg2[%add3A_31, %dma_start3A_34] : memref<2560x128xi32, #tpu.memory_space<hbm>> -> memref<8x128xi32, #tpu.memory_space<hbm>>
    tpu.enqueue_dma source(%dma_start3A_35 : memref<8x128xi32, #tpu.memory_space<hbm>>) target(%arg7 : memref<8x128xi32, #tpu.memory_space<vmem>>) target_semaphore(%arg16 : memref<!tpu.dma_semaphore, #tpu.memory_space<semaphore_mem>>)
    %add3A_36 = arith.constant 0 : i32
    %add3A_37 = arith.addi %select_n3A_10, %add3A_36 : i32
    %dma_start3A_38 = arith.constant 0 : i32
    %dma_start3A_39 = tpu.memref_slice %arg3[%add3A_37, %dma_start3A_38] : memref<2560x128xi32, #tpu.memory_space<hbm>> -> memref<8x128xi32, #tpu.memory_space<hbm>>
    %dma_start3A_40 = arith.constant 0 : i32
    %dma_start3A_41 = tpu.memref_slice %arg3[%add3A_37, %dma_start3A_40] : memref<2560x128xi32, #tpu.memory_space<hbm>> -> memref<8x128xi32, #tpu.memory_space<hbm>>
    tpu.enqueue_dma source(%dma_start3A_41 : memref<8x128xi32, #tpu.memory_space<hbm>>) target(%arg9 : memref<8x128xi32, #tpu.memory_space<vmem>>) target_semaphore(%arg16 : memref<!tpu.dma_semaphore, #tpu.memory_space<semaphore_mem>>)
    %add3A_42 = arith.constant 8 : i32
    %add3A_43 = arith.addi %select_n3A_10, %add3A_42 : i32
    %dma_start3A_44 = arith.constant 0 : i32
    %dma_start3A_45 = tpu.memref_slice %arg2[%add3A_43, %dma_start3A_44] : memref<2560x128xi32, #tpu.memory_space<hbm>> -> memref<8x128xi32, #tpu.memory_space<hbm>>
    %dma_start3A_46 = arith.constant 0 : i32
    %dma_start3A_47 = tpu.memref_slice %arg2[%add3A_43, %dma_start3A_46] : memref<2560x128xi32, #tpu.memory_space<hbm>> -> memref<8x128xi32, #tpu.memory_space<hbm>>
    tpu.enqueue_dma source(%dma_start3A_47 : memref<8x128xi32, #tpu.memory_space<hbm>>) target(%arg8 : memref<8x128xi32, #tpu.memory_space<vmem>>) target_semaphore(%arg17 : memref<!tpu.dma_semaphore, #tpu.memory_space<semaphore_mem>>)
    %add3A_48 = arith.constant 8 : i32
    %add3A_49 = arith.addi %select_n3A_10, %add3A_48 : i32
    %dma_start3A_50 = arith.constant 0 : i32
    %dma_start3A_51 = tpu.memref_slice %arg3[%add3A_49, %dma_start3A_50] : memref<2560x128xi32, #tpu.memory_space<hbm>> -> memref<8x128xi32, #tpu.memory_space<hbm>>
    %dma_start3A_52 = arith.constant 0 : i32
    %dma_start3A_53 = tpu.memref_slice %arg3[%add3A_49, %dma_start3A_52] : memref<2560x128xi32, #tpu.memory_space<hbm>> -> memref<8x128xi32, #tpu.memory_space<hbm>>
    tpu.enqueue_dma source(%dma_start3A_53 : memref<8x128xi32, #tpu.memory_space<hbm>>) target(%arg10 : memref<8x128xi32, #tpu.memory_space<vmem>>) target_semaphore(%arg17 : memref<!tpu.dma_semaphore, #tpu.memory_space<semaphore_mem>>)
    %dma_wait3A = arith.constant 0 : i32
    %dma_wait3A_54 = tpu.memref_slice %arg2[%select_n3A_10, %dma_wait3A] : memref<2560x128xi32, #tpu.memory_space<hbm>> -> memref<8x128xi32, #tpu.memory_space<hbm>>
    %dma_wait3A_55 = arith.constant 0 : i32
    %dma_wait3A_56 = tpu.memref_slice %arg2[%select_n3A_10, %dma_wait3A_55] : memref<2560x128xi32, #tpu.memory_space<hbm>> -> memref<8x128xi32, #tpu.memory_space<hbm>>
    tpu.wait_dma2 semaphore(%arg16 : memref<!tpu.dma_semaphore, #tpu.memory_space<semaphore_mem>>) src(%dma_wait3A_56 : memref<8x128xi32, #tpu.memory_space<hbm>>) dst(%arg7 : memref<8x128xi32, #tpu.memory_space<vmem>>)
    %dma_wait3A_57 = arith.constant 0 : i32
    %dma_wait3A_58 = tpu.memref_slice %arg3[%select_n3A_10, %dma_wait3A_57] : memref<2560x128xi32, #tpu.memory_space<hbm>> -> memref<8x128xi32, #tpu.memory_space<hbm>>
    %dma_wait3A_59 = arith.constant 0 : i32
    %dma_wait3A_60 = tpu.memref_slice %arg3[%select_n3A_10, %dma_wait3A_59] : memref<2560x128xi32, #tpu.memory_space<hbm>> -> memref<8x128xi32, #tpu.memory_space<hbm>>
    tpu.wait_dma2 semaphore(%arg16 : memref<!tpu.dma_semaphore, #tpu.memory_space<semaphore_mem>>) src(%dma_wait3A_60 : memref<8x128xi32, #tpu.memory_space<hbm>>) dst(%arg9 : memref<8x128xi32, #tpu.memory_space<vmem>>)
    %dma_start3A_61 = arith.constant 0 : i32
    %dma_start3A_62 = arith.constant 0 : i32
    %dma_start3A_63 = tpu.memref_slice %arg7[%dma_start3A_61, %dma_start3A_62] : memref<8x128xi32, #tpu.memory_space<vmem>> -> memref<1x128xi32, #tpu.memory_space<vmem>>
    %dma_start3A_64 = tpu.memref_squeeze %dma_start3A_63 : memref<1x128xi32, #tpu.memory_space<vmem>> -> memref<128xi32, #tpu.memory_space<vmem>>
    %dma_start3A_65 = arith.constant 0 : i32
    %dma_start3A_66 = arith.constant 0 : i32
    %dma_start3A_67 = tpu.memref_slice %arg4[%dma_start3A_65, %dma_start3A_66] : memref<10000x128xf32, #tpu.memory_space<hbm>> -> memref<10000x128xf32, #tpu.memory_space<hbm>>
    tpu.enqueue_indirect_dma source(%dma_start3A_67 : memref<10000x128xf32, #tpu.memory_space<hbm>>) target(%arg11 : memref<128x128xf32, #tpu.memory_space<vmem>>) offsets(%dma_start3A_64 : memref<128xi32, #tpu.memory_space<vmem>>) semaphore(%arg14 : memref<!tpu.dma_semaphore, #tpu.memory_space<semaphore_mem>>)
    %dma_start3A_68 = arith.constant 1 : i32
    %dma_start3A_69 = arith.constant 0 : i32
    %dma_start3A_70 = tpu.memref_slice %arg7[%dma_start3A_68, %dma_start3A_69] : memref<8x128xi32, #tpu.memory_space<vmem>> -> memref<1x128xi32, #tpu.memory_space<vmem>>
    %dma_start3A_71 = tpu.memref_squeeze %dma_start3A_70 : memref<1x128xi32, #tpu.memory_space<vmem>> -> memref<128xi32, #tpu.memory_space<vmem>>
    %dma_start3A_72 = arith.constant 0 : i32
    %dma_start3A_73 = arith.constant 0 : i32
    %dma_start3A_74 = tpu.memref_slice %arg4[%dma_start3A_72, %dma_start3A_73] : memref<10000x128xf32, #tpu.memory_space<hbm>> -> memref<10000x128xf32, #tpu.memory_space<hbm>>
    tpu.enqueue_indirect_dma source(%dma_start3A_74 : memref<10000x128xf32, #tpu.memory_space<hbm>>) target(%arg12 : memref<128x128xf32, #tpu.memory_space<vmem>>) offsets(%dma_start3A_71 : memref<128xi32, #tpu.memory_space<vmem>>) semaphore(%arg15 : memref<!tpu.dma_semaphore, #tpu.memory_space<semaphore_mem>>)
    %dma_wait3A_75 = arith.constant 0 : i32
    %dma_wait3A_76 = tpu.memref_slice %arg13[%mul3A_0, %dma_wait3A_75] : memref<10112x128xf32, #tpu.memory_space<vmem_shared>> -> memref<632x128xf32, #tpu.memory_space<vmem_shared>>
    tpu.wait_dma2 semaphore(%arg18 : memref<!tpu.dma_semaphore, #tpu.memory_space<semaphore_mem>>) src(%arg5 : memref<632x128xf32, #tpu.memory_space<hbm>>) dst(%dma_wait3A_76 : memref<632x128xf32, #tpu.memory_space<vmem_shared>>)
    %barrier3A = arith.constant 0 : index
    tpu.barrier barrier_id(%barrier3A)
    %sub3A_77 = arith.constant 0 : i32
    %sub3A_78 = arith.subi %select_n3A_28, %sub3A_77 : i32
    %sub3A_79 = arith.constant 2 : i32
    %sub3A_80 = arith.constant 1 : i32
    %sub3A_81 = arith.subi %sub3A_79, %sub3A_80 : i32
    %add3A_82 = arith.addi %sub3A_78, %sub3A_81 : i32
    %div3A_83 = arith.constant 2 : i32
    %div3A_84 = arith.divsi %add3A_82, %div3A_83 : i32
    %while3A = arith.constant 2 : i32
    %while3A_85 = arith.constant 0 : i32
    %while3A_86 = arith.constant 0 : i32
    %while3A_87 = arith.subi %div3A_84, %while3A_86 : i32
    %while3A_88 = arith.addi %while3A_86, %while3A_87 : i32
    %while3A_89 = arith.constant 1 : i32
    %while3A_90 = arith.divsi %while3A_87, %while3A_89 : i32
    %while3A_91 = arith.muli %while3A_90, %while3A_89 : i32
    %while3A_92 = arith.addi %while3A_86, %while3A_91 : i32
    %while3A_93 = arith.constant 1 : i32
    scf.for %while3A_96 = %while3A_86 to %while3A_92 step %while3A_93  : i32 {
      %mul3A_97 = arith.muli %while3A_96, %while3A : i32
      %add3A_98 = arith.addi %while3A_85, %mul3A_97 : i32
      %add3A_99 = arith.constant 0 : i32
      %add3A_100 = arith.addi %add3A_98, %add3A_99 : i32
      %mul3A_101 = arith.constant 8 : i32
      %mul3A_102 = arith.muli %add3A_100, %mul3A_101 : i32
      %add3A_103 = arith.constant 0 : i32
      %add3A_104 = arith.addi %mul3A_102, %add3A_103 : i32
      %dma_wait3A_105 = arith.constant 0 : i32
      %dma_wait3A_106 = arith.constant 0 : i32
      %dma_wait3A_107 = tpu.memref_slice %arg7[%dma_wait3A_105, %dma_wait3A_106] : memref<8x128xi32, #tpu.memory_space<vmem>> -> memref<1x128xi32, #tpu.memory_space<vmem>>
      %dma_wait3A_108 = tpu.memref_squeeze %dma_wait3A_107 : memref<1x128xi32, #tpu.memory_space<vmem>> -> memref<128xi32, #tpu.memory_space<vmem>>
      %dma_wait3A_109 = arith.constant 0 : i32
      %dma_wait3A_110 = arith.constant 0 : i32
      %dma_wait3A_111 = tpu.memref_slice %arg4[%dma_wait3A_109, %dma_wait3A_110] : memref<10000x128xf32, #tpu.memory_space<hbm>> -> memref<10000x128xf32, #tpu.memory_space<hbm>>
      tpu.wait_indirect_dma semaphore(%arg14 : memref<!tpu.dma_semaphore, #tpu.memory_space<semaphore_mem>>) src(%dma_wait3A_111 : memref<10000x128xf32, #tpu.memory_space<hbm>>) dst(%arg11 : memref<128x128xf32, #tpu.memory_space<vmem>>)
      %run_scoped3A = arith.constant 0 : i32
      "tpu.region"() ({
        %run_scoped3A_383 = tpu.sem_alloc : memref<!tpu.dma_semaphore, #tpu.memory_space<semaphore_mem>>
        %dma_start3A_384 = arith.constant 0 : i32
        %dma_start3A_385 = tpu.memref_slice %arg9[%run_scoped3A, %dma_start3A_384] : memref<8x128xi32, #tpu.memory_space<vmem>> -> memref<1x128xi32, #tpu.memory_space<vmem>>
        %dma_start3A_386 = tpu.memref_squeeze %dma_start3A_385 : memref<1x128xi32, #tpu.memory_space<vmem>> -> memref<128xi32, #tpu.memory_space<vmem>>
        %dma_start3A_387 = arith.constant 0 : i32
        %dma_start3A_388 = arith.constant 0 : i32
        %dma_start3A_389 = tpu.memref_slice %arg13[%dma_start3A_387, %dma_start3A_388] : memref<10112x128xf32, #tpu.memory_space<vmem_shared>> -> memref<10112x128xf32, #tpu.memory_space<vmem_shared>>
        tpu.enqueue_indirect_dma source(%arg11 : memref<128x128xf32, #tpu.memory_space<vmem>>) target(%dma_start3A_389 : memref<10112x128xf32, #tpu.memory_space<vmem_shared>>) offsets(%dma_start3A_386 : memref<128xi32, #tpu.memory_space<vmem>>) semaphore(%run_scoped3A_383 : memref<!tpu.dma_semaphore, #tpu.memory_space<semaphore_mem>>) {add = true}
        %dma_wait3A_390 = arith.constant 0 : i32
        %dma_wait3A_391 = tpu.memref_slice %arg9[%run_scoped3A, %dma_wait3A_390] : memref<8x128xi32, #tpu.memory_space<vmem>> -> memref<1x128xi32, #tpu.memory_space<vmem>>
        %dma_wait3A_392 = tpu.memref_squeeze %dma_wait3A_391 : memref<1x128xi32, #tpu.memory_space<vmem>> -> memref<128xi32, #tpu.memory_space<vmem>>
        %dma_wait3A_393 = arith.constant 0 : i32
        %dma_wait3A_394 = arith.constant 0 : i32
        %dma_wait3A_395 = tpu.memref_slice %arg13[%dma_wait3A_393, %dma_wait3A_394] : memref<10112x128xf32, #tpu.memory_space<vmem_shared>> -> memref<10112x128xf32, #tpu.memory_space<vmem_shared>>
        tpu.wait_indirect_dma semaphore(%run_scoped3A_383 : memref<!tpu.dma_semaphore, #tpu.memory_space<semaphore_mem>>) src(%arg11 : memref<128x128xf32, #tpu.memory_space<vmem>>) dst(%dma_wait3A_395 : memref<10112x128xf32, #tpu.memory_space<vmem_shared>>)
        tpu.yield
      }) : () -> ()
      %add3A_112 = arith.constant 2 : i32
      %add3A_113 = arith.addi %add3A_104, %add3A_112 : i32
      %lt3A = arith.cmpi slt, %add3A_113, %select_n3A : i32
      %convert_element_type3A = arith.extui %lt3A : i1 to i32
      %cond3A = arith.constant 0 : i32
      %cond3A_114 = arith.cmpi ne, %convert_element_type3A, %cond3A : i32
      scf.if %cond3A_114 {
        %dma_start3A_383 = arith.constant 2 : i32
        %dma_start3A_384 = arith.constant 0 : i32
        %dma_start3A_385 = tpu.memref_slice %arg7[%dma_start3A_383, %dma_start3A_384] : memref<8x128xi32, #tpu.memory_space<vmem>> -> memref<1x128xi32, #tpu.memory_space<vmem>>
        %dma_start3A_386 = tpu.memref_squeeze %dma_start3A_385 : memref<1x128xi32, #tpu.memory_space<vmem>> -> memref<128xi32, #tpu.memory_space<vmem>>
        %dma_start3A_387 = arith.constant 0 : i32
        %dma_start3A_388 = arith.constant 0 : i32
        %dma_start3A_389 = tpu.memref_slice %arg4[%dma_start3A_387, %dma_start3A_388] : memref<10000x128xf32, #tpu.memory_space<hbm>> -> memref<10000x128xf32, #tpu.memory_space<hbm>>
        tpu.enqueue_indirect_dma source(%dma_start3A_389 : memref<10000x128xf32, #tpu.memory_space<hbm>>) target(%arg11 : memref<128x128xf32, #tpu.memory_space<vmem>>) offsets(%dma_start3A_386 : memref<128xi32, #tpu.memory_space<vmem>>) semaphore(%arg14 : memref<!tpu.dma_semaphore, #tpu.memory_space<semaphore_mem>>)
      } else {
      }
      %add3A_115 = arith.constant 1 : i32
      %add3A_116 = arith.addi %mul3A_102, %add3A_115 : i32
      %dma_wait3A_117 = arith.constant 1 : i32
      %dma_wait3A_118 = arith.constant 0 : i32
      %dma_wait3A_119 = tpu.memref_slice %arg7[%dma_wait3A_117, %dma_wait3A_118] : memref<8x128xi32, #tpu.memory_space<vmem>> -> memref<1x128xi32, #tpu.memory_space<vmem>>
      %dma_wait3A_120 = tpu.memref_squeeze %dma_wait3A_119 : memref<1x128xi32, #tpu.memory_space<vmem>> -> memref<128xi32, #tpu.memory_space<vmem>>
      %dma_wait3A_121 = arith.constant 0 : i32
      %dma_wait3A_122 = arith.constant 0 : i32
      %dma_wait3A_123 = tpu.memref_slice %arg4[%dma_wait3A_121, %dma_wait3A_122] : memref<10000x128xf32, #tpu.memory_space<hbm>> -> memref<10000x128xf32, #tpu.memory_space<hbm>>
      tpu.wait_indirect_dma semaphore(%arg15 : memref<!tpu.dma_semaphore, #tpu.memory_space<semaphore_mem>>) src(%dma_wait3A_123 : memref<10000x128xf32, #tpu.memory_space<hbm>>) dst(%arg12 : memref<128x128xf32, #tpu.memory_space<vmem>>)
      %run_scoped3A_124 = arith.constant 1 : i32
      "tpu.region"() ({
        %run_scoped3A_383 = tpu.sem_alloc : memref<!tpu.dma_semaphore, #tpu.memory_space<semaphore_mem>>
        %dma_start3A_384 = arith.constant 0 : i32
        %dma_start3A_385 = tpu.memref_slice %arg9[%run_scoped3A_124, %dma_start3A_384] : memref<8x128xi32, #tpu.memory_space<vmem>> -> memref<1x128xi32, #tpu.memory_space<vmem>>
        %dma_start3A_386 = tpu.memref_squeeze %dma_start3A_385 : memref<1x128xi32, #tpu.memory_space<vmem>> -> memref<128xi32, #tpu.memory_space<vmem>>
        %dma_start3A_387 = arith.constant 0 : i32
        %dma_start3A_388 = arith.constant 0 : i32
        %dma_start3A_389 = tpu.memref_slice %arg13[%dma_start3A_387, %dma_start3A_388] : memref<10112x128xf32, #tpu.memory_space<vmem_shared>> -> memref<10112x128xf32, #tpu.memory_space<vmem_shared>>
        tpu.enqueue_indirect_dma source(%arg12 : memref<128x128xf32, #tpu.memory_space<vmem>>) target(%dma_start3A_389 : memref<10112x128xf32, #tpu.memory_space<vmem_shared>>) offsets(%dma_start3A_386 : memref<128xi32, #tpu.memory_space<vmem>>) semaphore(%run_scoped3A_383 : memref<!tpu.dma_semaphore, #tpu.memory_space<semaphore_mem>>) {add = true}
        %dma_wait3A_390 = arith.constant 0 : i32
        %dma_wait3A_391 = tpu.memref_slice %arg9[%run_scoped3A_124, %dma_wait3A_390] : memref<8x128xi32, #tpu.memory_space<vmem>> -> memref<1x128xi32, #tpu.memory_space<vmem>>
        %dma_wait3A_392 = tpu.memref_squeeze %dma_wait3A_391 : memref<1x128xi32, #tpu.memory_space<vmem>> -> memref<128xi32, #tpu.memory_space<vmem>>
        %dma_wait3A_393 = arith.constant 0 : i32
        %dma_wait3A_394 = arith.constant 0 : i32
        %dma_wait3A_395 = tpu.memref_slice %arg13[%dma_wait3A_393, %dma_wait3A_394] : memref<10112x128xf32, #tpu.memory_space<vmem_shared>> -> memref<10112x128xf32, #tpu.memory_space<vmem_shared>>
        tpu.wait_indirect_dma semaphore(%run_scoped3A_383 : memref<!tpu.dma_semaphore, #tpu.memory_space<semaphore_mem>>) src(%arg12 : memref<128x128xf32, #tpu.memory_space<vmem>>) dst(%dma_wait3A_395 : memref<10112x128xf32, #tpu.memory_space<vmem_shared>>)
        tpu.yield
      }) : () -> ()
      %add3A_125 = arith.constant 2 : i32
      %add3A_126 = arith.addi %add3A_116, %add3A_125 : i32
      %lt3A_127 = arith.cmpi slt, %add3A_126, %select_n3A : i32
      %convert_element_type3A_128 = arith.extui %lt3A_127 : i1 to i32
      %cond3A_129 = arith.constant 0 : i32
      %cond3A_130 = arith.cmpi ne, %convert_element_type3A_128, %cond3A_129 : i32
      scf.if %cond3A_130 {
        %dma_start3A_383 = arith.constant 3 : i32
        %dma_start3A_384 = arith.constant 0 : i32
        %dma_start3A_385 = tpu.memref_slice %arg7[%dma_start3A_383, %dma_start3A_384] : memref<8x128xi32, #tpu.memory_space<vmem>> -> memref<1x128xi32, #tpu.memory_space<vmem>>
        %dma_start3A_386 = tpu.memref_squeeze %dma_start3A_385 : memref<1x128xi32, #tpu.memory_space<vmem>> -> memref<128xi32, #tpu.memory_space<vmem>>
        %dma_start3A_387 = arith.constant 0 : i32
        %dma_start3A_388 = arith.constant 0 : i32
        %dma_start3A_389 = tpu.memref_slice %arg4[%dma_start3A_387, %dma_start3A_388] : memref<10000x128xf32, #tpu.memory_space<hbm>> -> memref<10000x128xf32, #tpu.memory_space<hbm>>
        tpu.enqueue_indirect_dma source(%dma_start3A_389 : memref<10000x128xf32, #tpu.memory_space<hbm>>) target(%arg12 : memref<128x128xf32, #tpu.memory_space<vmem>>) offsets(%dma_start3A_386 : memref<128xi32, #tpu.memory_space<vmem>>) semaphore(%arg15 : memref<!tpu.dma_semaphore, #tpu.memory_space<semaphore_mem>>)
      } else {
      }
      %add3A_131 = arith.constant 2 : i32
      %add3A_132 = arith.addi %mul3A_102, %add3A_131 : i32
      %dma_wait3A_133 = arith.constant 2 : i32
      %dma_wait3A_134 = arith.constant 0 : i32
      %dma_wait3A_135 = tpu.memref_slice %arg7[%dma_wait3A_133, %dma_wait3A_134] : memref<8x128xi32, #tpu.memory_space<vmem>> -> memref<1x128xi32, #tpu.memory_space<vmem>>
      %dma_wait3A_136 = tpu.memref_squeeze %dma_wait3A_135 : memref<1x128xi32, #tpu.memory_space<vmem>> -> memref<128xi32, #tpu.memory_space<vmem>>
      %dma_wait3A_137 = arith.constant 0 : i32
      %dma_wait3A_138 = arith.constant 0 : i32
      %dma_wait3A_139 = tpu.memref_slice %arg4[%dma_wait3A_137, %dma_wait3A_138] : memref<10000x128xf32, #tpu.memory_space<hbm>> -> memref<10000x128xf32, #tpu.memory_space<hbm>>
      tpu.wait_indirect_dma semaphore(%arg14 : memref<!tpu.dma_semaphore, #tpu.memory_space<semaphore_mem>>) src(%dma_wait3A_139 : memref<10000x128xf32, #tpu.memory_space<hbm>>) dst(%arg11 : memref<128x128xf32, #tpu.memory_space<vmem>>)
      %run_scoped3A_140 = arith.constant 2 : i32
      "tpu.region"() ({
        %run_scoped3A_383 = tpu.sem_alloc : memref<!tpu.dma_semaphore, #tpu.memory_space<semaphore_mem>>
        %dma_start3A_384 = arith.constant 0 : i32
        %dma_start3A_385 = tpu.memref_slice %arg9[%run_scoped3A_140, %dma_start3A_384] : memref<8x128xi32, #tpu.memory_space<vmem>> -> memref<1x128xi32, #tpu.memory_space<vmem>>
        %dma_start3A_386 = tpu.memref_squeeze %dma_start3A_385 : memref<1x128xi32, #tpu.memory_space<vmem>> -> memref<128xi32, #tpu.memory_space<vmem>>
        %dma_start3A_387 = arith.constant 0 : i32
        %dma_start3A_388 = arith.constant 0 : i32
        %dma_start3A_389 = tpu.memref_slice %arg13[%dma_start3A_387, %dma_start3A_388] : memref<10112x128xf32, #tpu.memory_space<vmem_shared>> -> memref<10112x128xf32, #tpu.memory_space<vmem_shared>>
        tpu.enqueue_indirect_dma source(%arg11 : memref<128x128xf32, #tpu.memory_space<vmem>>) target(%dma_start3A_389 : memref<10112x128xf32, #tpu.memory_space<vmem_shared>>) offsets(%dma_start3A_386 : memref<128xi32, #tpu.memory_space<vmem>>) semaphore(%run_scoped3A_383 : memref<!tpu.dma_semaphore, #tpu.memory_space<semaphore_mem>>) {add = true}
        %dma_wait3A_390 = arith.constant 0 : i32
        %dma_wait3A_391 = tpu.memref_slice %arg9[%run_scoped3A_140, %dma_wait3A_390] : memref<8x128xi32, #tpu.memory_space<vmem>> -> memref<1x128xi32, #tpu.memory_space<vmem>>
        %dma_wait3A_392 = tpu.memref_squeeze %dma_wait3A_391 : memref<1x128xi32, #tpu.memory_space<vmem>> -> memref<128xi32, #tpu.memory_space<vmem>>
        %dma_wait3A_393 = arith.constant 0 : i32
        %dma_wait3A_394 = arith.constant 0 : i32
        %dma_wait3A_395 = tpu.memref_slice %arg13[%dma_wait3A_393, %dma_wait3A_394] : memref<10112x128xf32, #tpu.memory_space<vmem_shared>> -> memref<10112x128xf32, #tpu.memory_space<vmem_shared>>
        tpu.wait_indirect_dma semaphore(%run_scoped3A_383 : memref<!tpu.dma_semaphore, #tpu.memory_space<semaphore_mem>>) src(%arg11 : memref<128x128xf32, #tpu.memory_space<vmem>>) dst(%dma_wait3A_395 : memref<10112x128xf32, #tpu.memory_space<vmem_shared>>)
        tpu.yield
      }) : () -> ()
      %add3A_141 = arith.constant 2 : i32
      %add3A_142 = arith.addi %add3A_132, %add3A_141 : i32
      %lt3A_143 = arith.cmpi slt, %add3A_142, %select_n3A : i32
      %convert_element_type3A_144 = arith.extui %lt3A_143 : i1 to i32
      %cond3A_145 = arith.constant 0 : i32
      %cond3A_146 = arith.cmpi ne, %convert_element_type3A_144, %cond3A_145 : i32
      scf.if %cond3A_146 {
        %dma_start3A_383 = arith.constant 4 : i32
        %dma_start3A_384 = arith.constant 0 : i32
        %dma_start3A_385 = tpu.memref_slice %arg7[%dma_start3A_383, %dma_start3A_384] : memref<8x128xi32, #tpu.memory_space<vmem>> -> memref<1x128xi32, #tpu.memory_space<vmem>>
        %dma_start3A_386 = tpu.memref_squeeze %dma_start3A_385 : memref<1x128xi32, #tpu.memory_space<vmem>> -> memref<128xi32, #tpu.memory_space<vmem>>
        %dma_start3A_387 = arith.constant 0 : i32
        %dma_start3A_388 = arith.constant 0 : i32
        %dma_start3A_389 = tpu.memref_slice %arg4[%dma_start3A_387, %dma_start3A_388] : memref<10000x128xf32, #tpu.memory_space<hbm>> -> memref<10000x128xf32, #tpu.memory_space<hbm>>
        tpu.enqueue_indirect_dma source(%dma_start3A_389 : memref<10000x128xf32, #tpu.memory_space<hbm>>) target(%arg11 : memref<128x128xf32, #tpu.memory_space<vmem>>) offsets(%dma_start3A_386 : memref<128xi32, #tpu.memory_space<vmem>>) semaphore(%arg14 : memref<!tpu.dma_semaphore, #tpu.memory_space<semaphore_mem>>)
      } else {
      }
      %add3A_147 = arith.constant 3 : i32
      %add3A_148 = arith.addi %mul3A_102, %add3A_147 : i32
      %dma_wait3A_149 = arith.constant 3 : i32
      %dma_wait3A_150 = arith.constant 0 : i32
      %dma_wait3A_151 = tpu.memref_slice %arg7[%dma_wait3A_149, %dma_wait3A_150] : memref<8x128xi32, #tpu.memory_space<vmem>> -> memref<1x128xi32, #tpu.memory_space<vmem>>
      %dma_wait3A_152 = tpu.memref_squeeze %dma_wait3A_151 : memref<1x128xi32, #tpu.memory_space<vmem>> -> memref<128xi32, #tpu.memory_space<vmem>>
      %dma_wait3A_153 = arith.constant 0 : i32
      %dma_wait3A_154 = arith.constant 0 : i32
      %dma_wait3A_155 = tpu.memref_slice %arg4[%dma_wait3A_153, %dma_wait3A_154] : memref<10000x128xf32, #tpu.memory_space<hbm>> -> memref<10000x128xf32, #tpu.memory_space<hbm>>
      tpu.wait_indirect_dma semaphore(%arg15 : memref<!tpu.dma_semaphore, #tpu.memory_space<semaphore_mem>>) src(%dma_wait3A_155 : memref<10000x128xf32, #tpu.memory_space<hbm>>) dst(%arg12 : memref<128x128xf32, #tpu.memory_space<vmem>>)
      %run_scoped3A_156 = arith.constant 3 : i32
      "tpu.region"() ({
        %run_scoped3A_383 = tpu.sem_alloc : memref<!tpu.dma_semaphore, #tpu.memory_space<semaphore_mem>>
        %dma_start3A_384 = arith.constant 0 : i32
        %dma_start3A_385 = tpu.memref_slice %arg9[%run_scoped3A_156, %dma_start3A_384] : memref<8x128xi32, #tpu.memory_space<vmem>> -> memref<1x128xi32, #tpu.memory_space<vmem>>
        %dma_start3A_386 = tpu.memref_squeeze %dma_start3A_385 : memref<1x128xi32, #tpu.memory_space<vmem>> -> memref<128xi32, #tpu.memory_space<vmem>>
        %dma_start3A_387 = arith.constant 0 : i32
        %dma_start3A_388 = arith.constant 0 : i32
        %dma_start3A_389 = tpu.memref_slice %arg13[%dma_start3A_387, %dma_start3A_388] : memref<10112x128xf32, #tpu.memory_space<vmem_shared>> -> memref<10112x128xf32, #tpu.memory_space<vmem_shared>>
        tpu.enqueue_indirect_dma source(%arg12 : memref<128x128xf32, #tpu.memory_space<vmem>>) target(%dma_start3A_389 : memref<10112x128xf32, #tpu.memory_space<vmem_shared>>) offsets(%dma_start3A_386 : memref<128xi32, #tpu.memory_space<vmem>>) semaphore(%run_scoped3A_383 : memref<!tpu.dma_semaphore, #tpu.memory_space<semaphore_mem>>) {add = true}
        %dma_wait3A_390 = arith.constant 0 : i32
        %dma_wait3A_391 = tpu.memref_slice %arg9[%run_scoped3A_156, %dma_wait3A_390] : memref<8x128xi32, #tpu.memory_space<vmem>> -> memref<1x128xi32, #tpu.memory_space<vmem>>
        %dma_wait3A_392 = tpu.memref_squeeze %dma_wait3A_391 : memref<1x128xi32, #tpu.memory_space<vmem>> -> memref<128xi32, #tpu.memory_space<vmem>>
        %dma_wait3A_393 = arith.constant 0 : i32
        %dma_wait3A_394 = arith.constant 0 : i32
        %dma_wait3A_395 = tpu.memref_slice %arg13[%dma_wait3A_393, %dma_wait3A_394] : memref<10112x128xf32, #tpu.memory_space<vmem_shared>> -> memref<10112x128xf32, #tpu.memory_space<vmem_shared>>
        tpu.wait_indirect_dma semaphore(%run_scoped3A_383 : memref<!tpu.dma_semaphore, #tpu.memory_space<semaphore_mem>>) src(%arg12 : memref<128x128xf32, #tpu.memory_space<vmem>>) dst(%dma_wait3A_395 : memref<10112x128xf32, #tpu.memory_space<vmem_shared>>)
        tpu.yield
      }) : () -> ()
      %add3A_157 = arith.constant 2 : i32
      %add3A_158 = arith.addi %add3A_148, %add3A_157 : i32
      %lt3A_159 = arith.cmpi slt, %add3A_158, %select_n3A : i32
      %convert_element_type3A_160 = arith.extui %lt3A_159 : i1 to i32
      %cond3A_161 = arith.constant 0 : i32
      %cond3A_162 = arith.cmpi ne, %convert_element_type3A_160, %cond3A_161 : i32
      scf.if %cond3A_162 {
        %dma_start3A_383 = arith.constant 5 : i32
        %dma_start3A_384 = arith.constant 0 : i32
        %dma_start3A_385 = tpu.memref_slice %arg7[%dma_start3A_383, %dma_start3A_384] : memref<8x128xi32, #tpu.memory_space<vmem>> -> memref<1x128xi32, #tpu.memory_space<vmem>>
        %dma_start3A_386 = tpu.memref_squeeze %dma_start3A_385 : memref<1x128xi32, #tpu.memory_space<vmem>> -> memref<128xi32, #tpu.memory_space<vmem>>
        %dma_start3A_387 = arith.constant 0 : i32
        %dma_start3A_388 = arith.constant 0 : i32
        %dma_start3A_389 = tpu.memref_slice %arg4[%dma_start3A_387, %dma_start3A_388] : memref<10000x128xf32, #tpu.memory_space<hbm>> -> memref<10000x128xf32, #tpu.memory_space<hbm>>
        tpu.enqueue_indirect_dma source(%dma_start3A_389 : memref<10000x128xf32, #tpu.memory_space<hbm>>) target(%arg12 : memref<128x128xf32, #tpu.memory_space<vmem>>) offsets(%dma_start3A_386 : memref<128xi32, #tpu.memory_space<vmem>>) semaphore(%arg15 : memref<!tpu.dma_semaphore, #tpu.memory_space<semaphore_mem>>)
      } else {
      }
      %add3A_163 = arith.constant 4 : i32
      %add3A_164 = arith.addi %mul3A_102, %add3A_163 : i32
      %dma_wait3A_165 = arith.constant 4 : i32
      %dma_wait3A_166 = arith.constant 0 : i32
      %dma_wait3A_167 = tpu.memref_slice %arg7[%dma_wait3A_165, %dma_wait3A_166] : memref<8x128xi32, #tpu.memory_space<vmem>> -> memref<1x128xi32, #tpu.memory_space<vmem>>
      %dma_wait3A_168 = tpu.memref_squeeze %dma_wait3A_167 : memref<1x128xi32, #tpu.memory_space<vmem>> -> memref<128xi32, #tpu.memory_space<vmem>>
      %dma_wait3A_169 = arith.constant 0 : i32
      %dma_wait3A_170 = arith.constant 0 : i32
      %dma_wait3A_171 = tpu.memref_slice %arg4[%dma_wait3A_169, %dma_wait3A_170] : memref<10000x128xf32, #tpu.memory_space<hbm>> -> memref<10000x128xf32, #tpu.memory_space<hbm>>
      tpu.wait_indirect_dma semaphore(%arg14 : memref<!tpu.dma_semaphore, #tpu.memory_space<semaphore_mem>>) src(%dma_wait3A_171 : memref<10000x128xf32, #tpu.memory_space<hbm>>) dst(%arg11 : memref<128x128xf32, #tpu.memory_space<vmem>>)
      %run_scoped3A_172 = arith.constant 4 : i32
      "tpu.region"() ({
        %run_scoped3A_383 = tpu.sem_alloc : memref<!tpu.dma_semaphore, #tpu.memory_space<semaphore_mem>>
        %dma_start3A_384 = arith.constant 0 : i32
        %dma_start3A_385 = tpu.memref_slice %arg9[%run_scoped3A_172, %dma_start3A_384] : memref<8x128xi32, #tpu.memory_space<vmem>> -> memref<1x128xi32, #tpu.memory_space<vmem>>
        %dma_start3A_386 = tpu.memref_squeeze %dma_start3A_385 : memref<1x128xi32, #tpu.memory_space<vmem>> -> memref<128xi32, #tpu.memory_space<vmem>>
        %dma_start3A_387 = arith.constant 0 : i32
        %dma_start3A_388 = arith.constant 0 : i32
        %dma_start3A_389 = tpu.memref_slice %arg13[%dma_start3A_387, %dma_start3A_388] : memref<10112x128xf32, #tpu.memory_space<vmem_shared>> -> memref<10112x128xf32, #tpu.memory_space<vmem_shared>>
        tpu.enqueue_indirect_dma source(%arg11 : memref<128x128xf32, #tpu.memory_space<vmem>>) target(%dma_start3A_389 : memref<10112x128xf32, #tpu.memory_space<vmem_shared>>) offsets(%dma_start3A_386 : memref<128xi32, #tpu.memory_space<vmem>>) semaphore(%run_scoped3A_383 : memref<!tpu.dma_semaphore, #tpu.memory_space<semaphore_mem>>) {add = true}
        %dma_wait3A_390 = arith.constant 0 : i32
        %dma_wait3A_391 = tpu.memref_slice %arg9[%run_scoped3A_172, %dma_wait3A_390] : memref<8x128xi32, #tpu.memory_space<vmem>> -> memref<1x128xi32, #tpu.memory_space<vmem>>
        %dma_wait3A_392 = tpu.memref_squeeze %dma_wait3A_391 : memref<1x128xi32, #tpu.memory_space<vmem>> -> memref<128xi32, #tpu.memory_space<vmem>>
        %dma_wait3A_393 = arith.constant 0 : i32
        %dma_wait3A_394 = arith.constant 0 : i32
        %dma_wait3A_395 = tpu.memref_slice %arg13[%dma_wait3A_393, %dma_wait3A_394] : memref<10112x128xf32, #tpu.memory_space<vmem_shared>> -> memref<10112x128xf32, #tpu.memory_space<vmem_shared>>
        tpu.wait_indirect_dma semaphore(%run_scoped3A_383 : memref<!tpu.dma_semaphore, #tpu.memory_space<semaphore_mem>>) src(%arg11 : memref<128x128xf32, #tpu.memory_space<vmem>>) dst(%dma_wait3A_395 : memref<10112x128xf32, #tpu.memory_space<vmem_shared>>)
        tpu.yield
      }) : () -> ()
      %add3A_173 = arith.constant 2 : i32
      %add3A_174 = arith.addi %add3A_164, %add3A_173 : i32
      %lt3A_175 = arith.cmpi slt, %add3A_174, %select_n3A : i32
      %convert_element_type3A_176 = arith.extui %lt3A_175 : i1 to i32
      %cond3A_177 = arith.constant 0 : i32
      %cond3A_178 = arith.cmpi ne, %convert_element_type3A_176, %cond3A_177 : i32
      scf.if %cond3A_178 {
        %dma_start3A_383 = arith.constant 6 : i32
        %dma_start3A_384 = arith.constant 0 : i32
        %dma_start3A_385 = tpu.memref_slice %arg7[%dma_start3A_383, %dma_start3A_384] : memref<8x128xi32, #tpu.memory_space<vmem>> -> memref<1x128xi32, #tpu.memory_space<vmem>>
        %dma_start3A_386 = tpu.memref_squeeze %dma_start3A_385 : memref<1x128xi32, #tpu.memory_space<vmem>> -> memref<128xi32, #tpu.memory_space<vmem>>
        %dma_start3A_387 = arith.constant 0 : i32
        %dma_start3A_388 = arith.constant 0 : i32
        %dma_start3A_389 = tpu.memref_slice %arg4[%dma_start3A_387, %dma_start3A_388] : memref<10000x128xf32, #tpu.memory_space<hbm>> -> memref<10000x128xf32, #tpu.memory_space<hbm>>
        tpu.enqueue_indirect_dma source(%dma_start3A_389 : memref<10000x128xf32, #tpu.memory_space<hbm>>) target(%arg11 : memref<128x128xf32, #tpu.memory_space<vmem>>) offsets(%dma_start3A_386 : memref<128xi32, #tpu.memory_space<vmem>>) semaphore(%arg14 : memref<!tpu.dma_semaphore, #tpu.memory_space<semaphore_mem>>)
      } else {
      }
      %add3A_179 = arith.constant 5 : i32
      %add3A_180 = arith.addi %mul3A_102, %add3A_179 : i32
      %dma_wait3A_181 = arith.constant 5 : i32
      %dma_wait3A_182 = arith.constant 0 : i32
      %dma_wait3A_183 = tpu.memref_slice %arg7[%dma_wait3A_181, %dma_wait3A_182] : memref<8x128xi32, #tpu.memory_space<vmem>> -> memref<1x128xi32, #tpu.memory_space<vmem>>
      %dma_wait3A_184 = tpu.memref_squeeze %dma_wait3A_183 : memref<1x128xi32, #tpu.memory_space<vmem>> -> memref<128xi32, #tpu.memory_space<vmem>>
      %dma_wait3A_185 = arith.constant 0 : i32
      %dma_wait3A_186 = arith.constant 0 : i32
      %dma_wait3A_187 = tpu.memref_slice %arg4[%dma_wait3A_185, %dma_wait3A_186] : memref<10000x128xf32, #tpu.memory_space<hbm>> -> memref<10000x128xf32, #tpu.memory_space<hbm>>
      tpu.wait_indirect_dma semaphore(%arg15 : memref<!tpu.dma_semaphore, #tpu.memory_space<semaphore_mem>>) src(%dma_wait3A_187 : memref<10000x128xf32, #tpu.memory_space<hbm>>) dst(%arg12 : memref<128x128xf32, #tpu.memory_space<vmem>>)
      %run_scoped3A_188 = arith.constant 5 : i32
      "tpu.region"() ({
        %run_scoped3A_383 = tpu.sem_alloc : memref<!tpu.dma_semaphore, #tpu.memory_space<semaphore_mem>>
        %dma_start3A_384 = arith.constant 0 : i32
        %dma_start3A_385 = tpu.memref_slice %arg9[%run_scoped3A_188, %dma_start3A_384] : memref<8x128xi32, #tpu.memory_space<vmem>> -> memref<1x128xi32, #tpu.memory_space<vmem>>
        %dma_start3A_386 = tpu.memref_squeeze %dma_start3A_385 : memref<1x128xi32, #tpu.memory_space<vmem>> -> memref<128xi32, #tpu.memory_space<vmem>>
        %dma_start3A_387 = arith.constant 0 : i32
        %dma_start3A_388 = arith.constant 0 : i32
        %dma_start3A_389 = tpu.memref_slice %arg13[%dma_start3A_387, %dma_start3A_388] : memref<10112x128xf32, #tpu.memory_space<vmem_shared>> -> memref<10112x128xf32, #tpu.memory_space<vmem_shared>>
        tpu.enqueue_indirect_dma source(%arg12 : memref<128x128xf32, #tpu.memory_space<vmem>>) target(%dma_start3A_389 : memref<10112x128xf32, #tpu.memory_space<vmem_shared>>) offsets(%dma_start3A_386 : memref<128xi32, #tpu.memory_space<vmem>>) semaphore(%run_scoped3A_383 : memref<!tpu.dma_semaphore, #tpu.memory_space<semaphore_mem>>) {add = true}
        %dma_wait3A_390 = arith.constant 0 : i32
        %dma_wait3A_391 = tpu.memref_slice %arg9[%run_scoped3A_188, %dma_wait3A_390] : memref<8x128xi32, #tpu.memory_space<vmem>> -> memref<1x128xi32, #tpu.memory_space<vmem>>
        %dma_wait3A_392 = tpu.memref_squeeze %dma_wait3A_391 : memref<1x128xi32, #tpu.memory_space<vmem>> -> memref<128xi32, #tpu.memory_space<vmem>>
        %dma_wait3A_393 = arith.constant 0 : i32
        %dma_wait3A_394 = arith.constant 0 : i32
        %dma_wait3A_395 = tpu.memref_slice %arg13[%dma_wait3A_393, %dma_wait3A_394] : memref<10112x128xf32, #tpu.memory_space<vmem_shared>> -> memref<10112x128xf32, #tpu.memory_space<vmem_shared>>
        tpu.wait_indirect_dma semaphore(%run_scoped3A_383 : memref<!tpu.dma_semaphore, #tpu.memory_space<semaphore_mem>>) src(%arg12 : memref<128x128xf32, #tpu.memory_space<vmem>>) dst(%dma_wait3A_395 : memref<10112x128xf32, #tpu.memory_space<vmem_shared>>)
        tpu.yield
      }) : () -> ()
      %add3A_189 = arith.constant 2 : i32
      %add3A_190 = arith.addi %add3A_180, %add3A_189 : i32
      %lt3A_191 = arith.cmpi slt, %add3A_190, %select_n3A : i32
      %convert_element_type3A_192 = arith.extui %lt3A_191 : i1 to i32
      %cond3A_193 = arith.constant 0 : i32
      %cond3A_194 = arith.cmpi ne, %convert_element_type3A_192, %cond3A_193 : i32
      scf.if %cond3A_194 {
        %dma_start3A_383 = arith.constant 7 : i32
        %dma_start3A_384 = arith.constant 0 : i32
        %dma_start3A_385 = tpu.memref_slice %arg7[%dma_start3A_383, %dma_start3A_384] : memref<8x128xi32, #tpu.memory_space<vmem>> -> memref<1x128xi32, #tpu.memory_space<vmem>>
        %dma_start3A_386 = tpu.memref_squeeze %dma_start3A_385 : memref<1x128xi32, #tpu.memory_space<vmem>> -> memref<128xi32, #tpu.memory_space<vmem>>
        %dma_start3A_387 = arith.constant 0 : i32
        %dma_start3A_388 = arith.constant 0 : i32
        %dma_start3A_389 = tpu.memref_slice %arg4[%dma_start3A_387, %dma_start3A_388] : memref<10000x128xf32, #tpu.memory_space<hbm>> -> memref<10000x128xf32, #tpu.memory_space<hbm>>
        tpu.enqueue_indirect_dma source(%dma_start3A_389 : memref<10000x128xf32, #tpu.memory_space<hbm>>) target(%arg12 : memref<128x128xf32, #tpu.memory_space<vmem>>) offsets(%dma_start3A_386 : memref<128xi32, #tpu.memory_space<vmem>>) semaphore(%arg15 : memref<!tpu.dma_semaphore, #tpu.memory_space<semaphore_mem>>)
      } else {
      }
      %add3A_195 = arith.constant 6 : i32
      %add3A_196 = arith.addi %mul3A_102, %add3A_195 : i32
      %dma_wait3A_197 = arith.constant 6 : i32
      %dma_wait3A_198 = arith.constant 0 : i32
      %dma_wait3A_199 = tpu.memref_slice %arg7[%dma_wait3A_197, %dma_wait3A_198] : memref<8x128xi32, #tpu.memory_space<vmem>> -> memref<1x128xi32, #tpu.memory_space<vmem>>
      %dma_wait3A_200 = tpu.memref_squeeze %dma_wait3A_199 : memref<1x128xi32, #tpu.memory_space<vmem>> -> memref<128xi32, #tpu.memory_space<vmem>>
      %dma_wait3A_201 = arith.constant 0 : i32
      %dma_wait3A_202 = arith.constant 0 : i32
      %dma_wait3A_203 = tpu.memref_slice %arg4[%dma_wait3A_201, %dma_wait3A_202] : memref<10000x128xf32, #tpu.memory_space<hbm>> -> memref<10000x128xf32, #tpu.memory_space<hbm>>
      tpu.wait_indirect_dma semaphore(%arg14 : memref<!tpu.dma_semaphore, #tpu.memory_space<semaphore_mem>>) src(%dma_wait3A_203 : memref<10000x128xf32, #tpu.memory_space<hbm>>) dst(%arg11 : memref<128x128xf32, #tpu.memory_space<vmem>>)
      %run_scoped3A_204 = arith.constant 6 : i32
      "tpu.region"() ({
        %run_scoped3A_383 = tpu.sem_alloc : memref<!tpu.dma_semaphore, #tpu.memory_space<semaphore_mem>>
        %dma_start3A_384 = arith.constant 0 : i32
        %dma_start3A_385 = tpu.memref_slice %arg9[%run_scoped3A_204, %dma_start3A_384] : memref<8x128xi32, #tpu.memory_space<vmem>> -> memref<1x128xi32, #tpu.memory_space<vmem>>
        %dma_start3A_386 = tpu.memref_squeeze %dma_start3A_385 : memref<1x128xi32, #tpu.memory_space<vmem>> -> memref<128xi32, #tpu.memory_space<vmem>>
        %dma_start3A_387 = arith.constant 0 : i32
        %dma_start3A_388 = arith.constant 0 : i32
        %dma_start3A_389 = tpu.memref_slice %arg13[%dma_start3A_387, %dma_start3A_388] : memref<10112x128xf32, #tpu.memory_space<vmem_shared>> -> memref<10112x128xf32, #tpu.memory_space<vmem_shared>>
        tpu.enqueue_indirect_dma source(%arg11 : memref<128x128xf32, #tpu.memory_space<vmem>>) target(%dma_start3A_389 : memref<10112x128xf32, #tpu.memory_space<vmem_shared>>) offsets(%dma_start3A_386 : memref<128xi32, #tpu.memory_space<vmem>>) semaphore(%run_scoped3A_383 : memref<!tpu.dma_semaphore, #tpu.memory_space<semaphore_mem>>) {add = true}
        %dma_wait3A_390 = arith.constant 0 : i32
        %dma_wait3A_391 = tpu.memref_slice %arg9[%run_scoped3A_204, %dma_wait3A_390] : memref<8x128xi32, #tpu.memory_space<vmem>> -> memref<1x128xi32, #tpu.memory_space<vmem>>
        %dma_wait3A_392 = tpu.memref_squeeze %dma_wait3A_391 : memref<1x128xi32, #tpu.memory_space<vmem>> -> memref<128xi32, #tpu.memory_space<vmem>>
        %dma_wait3A_393 = arith.constant 0 : i32
        %dma_wait3A_394 = arith.constant 0 : i32
        %dma_wait3A_395 = tpu.memref_slice %arg13[%dma_wait3A_393, %dma_wait3A_394] : memref<10112x128xf32, #tpu.memory_space<vmem_shared>> -> memref<10112x128xf32, #tpu.memory_space<vmem_shared>>
        tpu.wait_indirect_dma semaphore(%run_scoped3A_383 : memref<!tpu.dma_semaphore, #tpu.memory_space<semaphore_mem>>) src(%arg11 : memref<128x128xf32, #tpu.memory_space<vmem>>) dst(%dma_wait3A_395 : memref<10112x128xf32, #tpu.memory_space<vmem_shared>>)
        tpu.yield
      }) : () -> ()
      %add3A_205 = arith.constant 8 : i32
      %add3A_206 = arith.addi %mul3A_102, %add3A_205 : i32
      %lt3A_207 = arith.cmpi slt, %add3A_206, %select_n3A : i32
      %convert_element_type3A_208 = arith.extui %lt3A_207 : i1 to i32
      %cond3A_209 = arith.constant 0 : i32
      %cond3A_210 = arith.cmpi ne, %convert_element_type3A_208, %cond3A_209 : i32
      scf.if %cond3A_210 {
        %dma_wait3A_383 = arith.constant 0 : i32
        %dma_wait3A_384 = tpu.memref_slice %arg2[%select_n3A_10, %dma_wait3A_383] : memref<2560x128xi32, #tpu.memory_space<hbm>> -> memref<8x128xi32, #tpu.memory_space<hbm>>
        %dma_wait3A_385 = arith.constant 0 : i32
        %dma_wait3A_386 = tpu.memref_slice %arg2[%select_n3A_10, %dma_wait3A_385] : memref<2560x128xi32, #tpu.memory_space<hbm>> -> memref<8x128xi32, #tpu.memory_space<hbm>>
        tpu.wait_dma2 semaphore(%arg17 : memref<!tpu.dma_semaphore, #tpu.memory_space<semaphore_mem>>) src(%dma_wait3A_386 : memref<8x128xi32, #tpu.memory_space<hbm>>) dst(%arg8 : memref<8x128xi32, #tpu.memory_space<vmem>>)
        %dma_wait3A_387 = arith.constant 0 : i32
        %dma_wait3A_388 = tpu.memref_slice %arg3[%select_n3A_10, %dma_wait3A_387] : memref<2560x128xi32, #tpu.memory_space<hbm>> -> memref<8x128xi32, #tpu.memory_space<hbm>>
        %dma_wait3A_389 = arith.constant 0 : i32
        %dma_wait3A_390 = tpu.memref_slice %arg3[%select_n3A_10, %dma_wait3A_389] : memref<2560x128xi32, #tpu.memory_space<hbm>> -> memref<8x128xi32, #tpu.memory_space<hbm>>
        tpu.wait_dma2 semaphore(%arg17 : memref<!tpu.dma_semaphore, #tpu.memory_space<semaphore_mem>>) src(%dma_wait3A_390 : memref<8x128xi32, #tpu.memory_space<hbm>>) dst(%arg10 : memref<8x128xi32, #tpu.memory_space<vmem>>)
      } else {
      }
      %add3A_211 = arith.constant 2 : i32
      %add3A_212 = arith.addi %add3A_196, %add3A_211 : i32
      %lt3A_213 = arith.cmpi slt, %add3A_212, %select_n3A : i32
      %convert_element_type3A_214 = arith.extui %lt3A_213 : i1 to i32
      %cond3A_215 = arith.constant 0 : i32
      %cond3A_216 = arith.cmpi ne, %convert_element_type3A_214, %cond3A_215 : i32
      scf.if %cond3A_216 {
        %dma_start3A_383 = arith.constant 0 : i32
        %dma_start3A_384 = arith.constant 0 : i32
        %dma_start3A_385 = tpu.memref_slice %arg8[%dma_start3A_383, %dma_start3A_384] : memref<8x128xi32, #tpu.memory_space<vmem>> -> memref<1x128xi32, #tpu.memory_space<vmem>>
        %dma_start3A_386 = tpu.memref_squeeze %dma_start3A_385 : memref<1x128xi32, #tpu.memory_space<vmem>> -> memref<128xi32, #tpu.memory_space<vmem>>
        %dma_start3A_387 = arith.constant 0 : i32
        %dma_start3A_388 = arith.constant 0 : i32
        %dma_start3A_389 = tpu.memref_slice %arg4[%dma_start3A_387, %dma_start3A_388] : memref<10000x128xf32, #tpu.memory_space<hbm>> -> memref<10000x128xf32, #tpu.memory_space<hbm>>
        tpu.enqueue_indirect_dma source(%dma_start3A_389 : memref<10000x128xf32, #tpu.memory_space<hbm>>) target(%arg11 : memref<128x128xf32, #tpu.memory_space<vmem>>) offsets(%dma_start3A_386 : memref<128xi32, #tpu.memory_space<vmem>>) semaphore(%arg14 : memref<!tpu.dma_semaphore, #tpu.memory_space<semaphore_mem>>)
      } else {
      }
      %add3A_217 = arith.constant 7 : i32
      %add3A_218 = arith.addi %mul3A_102, %add3A_217 : i32
      %dma_wait3A_219 = arith.constant 7 : i32
      %dma_wait3A_220 = arith.constant 0 : i32
      %dma_wait3A_221 = tpu.memref_slice %arg7[%dma_wait3A_219, %dma_wait3A_220] : memref<8x128xi32, #tpu.memory_space<vmem>> -> memref<1x128xi32, #tpu.memory_space<vmem>>
      %dma_wait3A_222 = tpu.memref_squeeze %dma_wait3A_221 : memref<1x128xi32, #tpu.memory_space<vmem>> -> memref<128xi32, #tpu.memory_space<vmem>>
      %dma_wait3A_223 = arith.constant 0 : i32
      %dma_wait3A_224 = arith.constant 0 : i32
      %dma_wait3A_225 = tpu.memref_slice %arg4[%dma_wait3A_223, %dma_wait3A_224] : memref<10000x128xf32, #tpu.memory_space<hbm>> -> memref<10000x128xf32, #tpu.memory_space<hbm>>
      tpu.wait_indirect_dma semaphore(%arg15 : memref<!tpu.dma_semaphore, #tpu.memory_space<semaphore_mem>>) src(%dma_wait3A_225 : memref<10000x128xf32, #tpu.memory_space<hbm>>) dst(%arg12 : memref<128x128xf32, #tpu.memory_space<vmem>>)
      %run_scoped3A_226 = arith.constant 7 : i32
      "tpu.region"() ({
        %run_scoped3A_383 = tpu.sem_alloc : memref<!tpu.dma_semaphore, #tpu.memory_space<semaphore_mem>>
        %dma_start3A_384 = arith.constant 0 : i32
        %dma_start3A_385 = tpu.memref_slice %arg9[%run_scoped3A_226, %dma_start3A_384] : memref<8x128xi32, #tpu.memory_space<vmem>> -> memref<1x128xi32, #tpu.memory_space<vmem>>
        %dma_start3A_386 = tpu.memref_squeeze %dma_start3A_385 : memref<1x128xi32, #tpu.memory_space<vmem>> -> memref<128xi32, #tpu.memory_space<vmem>>
        %dma_start3A_387 = arith.constant 0 : i32
        %dma_start3A_388 = arith.constant 0 : i32
        %dma_start3A_389 = tpu.memref_slice %arg13[%dma_start3A_387, %dma_start3A_388] : memref<10112x128xf32, #tpu.memory_space<vmem_shared>> -> memref<10112x128xf32, #tpu.memory_space<vmem_shared>>
        tpu.enqueue_indirect_dma source(%arg12 : memref<128x128xf32, #tpu.memory_space<vmem>>) target(%dma_start3A_389 : memref<10112x128xf32, #tpu.memory_space<vmem_shared>>) offsets(%dma_start3A_386 : memref<128xi32, #tpu.memory_space<vmem>>) semaphore(%run_scoped3A_383 : memref<!tpu.dma_semaphore, #tpu.memory_space<semaphore_mem>>) {add = true}
        %dma_wait3A_390 = arith.constant 0 : i32
        %dma_wait3A_391 = tpu.memref_slice %arg9[%run_scoped3A_226, %dma_wait3A_390] : memref<8x128xi32, #tpu.memory_space<vmem>> -> memref<1x128xi32, #tpu.memory_space<vmem>>
        %dma_wait3A_392 = tpu.memref_squeeze %dma_wait3A_391 : memref<1x128xi32, #tpu.memory_space<vmem>> -> memref<128xi32, #tpu.memory_space<vmem>>
        %dma_wait3A_393 = arith.constant 0 : i32
        %dma_wait3A_394 = arith.constant 0 : i32
        %dma_wait3A_395 = tpu.memref_slice %arg13[%dma_wait3A_393, %dma_wait3A_394] : memref<10112x128xf32, #tpu.memory_space<vmem_shared>> -> memref<10112x128xf32, #tpu.memory_space<vmem_shared>>
        tpu.wait_indirect_dma semaphore(%run_scoped3A_383 : memref<!tpu.dma_semaphore, #tpu.memory_space<semaphore_mem>>) src(%arg12 : memref<128x128xf32, #tpu.memory_space<vmem>>) dst(%dma_wait3A_395 : memref<10112x128xf32, #tpu.memory_space<vmem_shared>>)
        tpu.yield
      }) : () -> ()
      %add3A_227 = arith.constant 2 : i32
      %add3A_228 = arith.addi %add3A_218, %add3A_227 : i32
      %lt3A_229 = arith.cmpi slt, %add3A_228, %select_n3A : i32
      %convert_element_type3A_230 = arith.extui %lt3A_229 : i1 to i32
      %cond3A_231 = arith.constant 0 : i32
      %cond3A_232 = arith.cmpi ne, %convert_element_type3A_230, %cond3A_231 : i32
      scf.if %cond3A_232 {
        %dma_start3A_383 = arith.constant 1 : i32
        %dma_start3A_384 = arith.constant 0 : i32
        %dma_start3A_385 = tpu.memref_slice %arg8[%dma_start3A_383, %dma_start3A_384] : memref<8x128xi32, #tpu.memory_space<vmem>> -> memref<1x128xi32, #tpu.memory_space<vmem>>
        %dma_start3A_386 = tpu.memref_squeeze %dma_start3A_385 : memref<1x128xi32, #tpu.memory_space<vmem>> -> memref<128xi32, #tpu.memory_space<vmem>>
        %dma_start3A_387 = arith.constant 0 : i32
        %dma_start3A_388 = arith.constant 0 : i32
        %dma_start3A_389 = tpu.memref_slice %arg4[%dma_start3A_387, %dma_start3A_388] : memref<10000x128xf32, #tpu.memory_space<hbm>> -> memref<10000x128xf32, #tpu.memory_space<hbm>>
        tpu.enqueue_indirect_dma source(%dma_start3A_389 : memref<10000x128xf32, #tpu.memory_space<hbm>>) target(%arg12 : memref<128x128xf32, #tpu.memory_space<vmem>>) offsets(%dma_start3A_386 : memref<128xi32, #tpu.memory_space<vmem>>) semaphore(%arg15 : memref<!tpu.dma_semaphore, #tpu.memory_space<semaphore_mem>>)
      } else {
      }
      %add3A_233 = arith.constant 16 : i32
      %add3A_234 = arith.addi %mul3A_102, %add3A_233 : i32
      %lt3A_235 = arith.cmpi slt, %add3A_234, %select_n3A : i32
      %convert_element_type3A_236 = arith.extui %lt3A_235 : i1 to i32
      %cond3A_237 = arith.constant 0 : i32
      %cond3A_238 = arith.cmpi ne, %convert_element_type3A_236, %cond3A_237 : i32
      scf.if %cond3A_238 {
        %add3A_383 = arith.addi %select_n3A_10, %mul3A_102 : i32
        %add3A_384 = arith.constant 16 : i32
        %add3A_385 = arith.addi %add3A_383, %add3A_384 : i32
        %dma_start3A_386 = arith.constant 0 : i32
        %dma_start3A_387 = tpu.memref_slice %arg2[%add3A_385, %dma_start3A_386] : memref<2560x128xi32, #tpu.memory_space<hbm>> -> memref<8x128xi32, #tpu.memory_space<hbm>>
        %dma_start3A_388 = arith.constant 0 : i32
        %dma_start3A_389 = tpu.memref_slice %arg2[%add3A_385, %dma_start3A_388] : memref<2560x128xi32, #tpu.memory_space<hbm>> -> memref<8x128xi32, #tpu.memory_space<hbm>>
        tpu.enqueue_dma source(%dma_start3A_389 : memref<8x128xi32, #tpu.memory_space<hbm>>) target(%arg7 : memref<8x128xi32, #tpu.memory_space<vmem>>) target_semaphore(%arg16 : memref<!tpu.dma_semaphore, #tpu.memory_space<semaphore_mem>>)
        %dma_start3A_390 = arith.constant 0 : i32
        %dma_start3A_391 = tpu.memref_slice %arg3[%add3A_385, %dma_start3A_390] : memref<2560x128xi32, #tpu.memory_space<hbm>> -> memref<8x128xi32, #tpu.memory_space<hbm>>
        %dma_start3A_392 = arith.constant 0 : i32
        %dma_start3A_393 = tpu.memref_slice %arg3[%add3A_385, %dma_start3A_392] : memref<2560x128xi32, #tpu.memory_space<hbm>> -> memref<8x128xi32, #tpu.memory_space<hbm>>
        tpu.enqueue_dma source(%dma_start3A_393 : memref<8x128xi32, #tpu.memory_space<hbm>>) target(%arg9 : memref<8x128xi32, #tpu.memory_space<vmem>>) target_semaphore(%arg16 : memref<!tpu.dma_semaphore, #tpu.memory_space<semaphore_mem>>)
      } else {
      }
      %add3A_239 = arith.constant 1 : i32
      %add3A_240 = arith.addi %add3A_98, %add3A_239 : i32
      %mul3A_241 = arith.constant 8 : i32
      %mul3A_242 = arith.muli %add3A_240, %mul3A_241 : i32
      %add3A_243 = arith.constant 0 : i32
      %add3A_244 = arith.addi %mul3A_242, %add3A_243 : i32
      %dma_wait3A_245 = arith.constant 0 : i32
      %dma_wait3A_246 = arith.constant 0 : i32
      %dma_wait3A_247 = tpu.memref_slice %arg8[%dma_wait3A_245, %dma_wait3A_246] : memref<8x128xi32, #tpu.memory_space<vmem>> -> memref<1x128xi32, #tpu.memory_space<vmem>>
      %dma_wait3A_248 = tpu.memref_squeeze %dma_wait3A_247 : memref<1x128xi32, #tpu.memory_space<vmem>> -> memref<128xi32, #tpu.memory_space<vmem>>
      %dma_wait3A_249 = arith.constant 0 : i32
      %dma_wait3A_250 = arith.constant 0 : i32
      %dma_wait3A_251 = tpu.memref_slice %arg4[%dma_wait3A_249, %dma_wait3A_250] : memref<10000x128xf32, #tpu.memory_space<hbm>> -> memref<10000x128xf32, #tpu.memory_space<hbm>>
      tpu.wait_indirect_dma semaphore(%arg14 : memref<!tpu.dma_semaphore, #tpu.memory_space<semaphore_mem>>) src(%dma_wait3A_251 : memref<10000x128xf32, #tpu.memory_space<hbm>>) dst(%arg11 : memref<128x128xf32, #tpu.memory_space<vmem>>)
      %run_scoped3A_252 = arith.constant 0 : i32
      "tpu.region"() ({
        %run_scoped3A_383 = tpu.sem_alloc : memref<!tpu.dma_semaphore, #tpu.memory_space<semaphore_mem>>
        %dma_start3A_384 = arith.constant 0 : i32
        %dma_start3A_385 = tpu.memref_slice %arg10[%run_scoped3A_252, %dma_start3A_384] : memref<8x128xi32, #tpu.memory_space<vmem>> -> memref<1x128xi32, #tpu.memory_space<vmem>>
        %dma_start3A_386 = tpu.memref_squeeze %dma_start3A_385 : memref<1x128xi32, #tpu.memory_space<vmem>> -> memref<128xi32, #tpu.memory_space<vmem>>
        %dma_start3A_387 = arith.constant 0 : i32
        %dma_start3A_388 = arith.constant 0 : i32
        %dma_start3A_389 = tpu.memref_slice %arg13[%dma_start3A_387, %dma_start3A_388] : memref<10112x128xf32, #tpu.memory_space<vmem_shared>> -> memref<10112x128xf32, #tpu.memory_space<vmem_shared>>
        tpu.enqueue_indirect_dma source(%arg11 : memref<128x128xf32, #tpu.memory_space<vmem>>) target(%dma_start3A_389 : memref<10112x128xf32, #tpu.memory_space<vmem_shared>>) offsets(%dma_start3A_386 : memref<128xi32, #tpu.memory_space<vmem>>) semaphore(%run_scoped3A_383 : memref<!tpu.dma_semaphore, #tpu.memory_space<semaphore_mem>>) {add = true}
        %dma_wait3A_390 = arith.constant 0 : i32
        %dma_wait3A_391 = tpu.memref_slice %arg10[%run_scoped3A_252, %dma_wait3A_390] : memref<8x128xi32, #tpu.memory_space<vmem>> -> memref<1x128xi32, #tpu.memory_space<vmem>>
        %dma_wait3A_392 = tpu.memref_squeeze %dma_wait3A_391 : memref<1x128xi32, #tpu.memory_space<vmem>> -> memref<128xi32, #tpu.memory_space<vmem>>
        %dma_wait3A_393 = arith.constant 0 : i32
        %dma_wait3A_394 = arith.constant 0 : i32
        %dma_wait3A_395 = tpu.memref_slice %arg13[%dma_wait3A_393, %dma_wait3A_394] : memref<10112x128xf32, #tpu.memory_space<vmem_shared>> -> memref<10112x128xf32, #tpu.memory_space<vmem_shared>>
        tpu.wait_indirect_dma semaphore(%run_scoped3A_383 : memref<!tpu.dma_semaphore, #tpu.memory_space<semaphore_mem>>) src(%arg11 : memref<128x128xf32, #tpu.memory_space<vmem>>) dst(%dma_wait3A_395 : memref<10112x128xf32, #tpu.memory_space<vmem_shared>>)
        tpu.yield
      }) : () -> ()
      %add3A_253 = arith.constant 2 : i32
      %add3A_254 = arith.addi %add3A_244, %add3A_253 : i32
      %lt3A_255 = arith.cmpi slt, %add3A_254, %select_n3A : i32
      %convert_element_type3A_256 = arith.extui %lt3A_255 : i1 to i32
      %cond3A_257 = arith.constant 0 : i32
      %cond3A_258 = arith.cmpi ne, %convert_element_type3A_256, %cond3A_257 : i32
      scf.if %cond3A_258 {
        %dma_start3A_383 = arith.constant 2 : i32
        %dma_start3A_384 = arith.constant 0 : i32
        %dma_start3A_385 = tpu.memref_slice %arg8[%dma_start3A_383, %dma_start3A_384] : memref<8x128xi32, #tpu.memory_space<vmem>> -> memref<1x128xi32, #tpu.memory_space<vmem>>
        %dma_start3A_386 = tpu.memref_squeeze %dma_start3A_385 : memref<1x128xi32, #tpu.memory_space<vmem>> -> memref<128xi32, #tpu.memory_space<vmem>>
        %dma_start3A_387 = arith.constant 0 : i32
        %dma_start3A_388 = arith.constant 0 : i32
        %dma_start3A_389 = tpu.memref_slice %arg4[%dma_start3A_387, %dma_start3A_388] : memref<10000x128xf32, #tpu.memory_space<hbm>> -> memref<10000x128xf32, #tpu.memory_space<hbm>>
        tpu.enqueue_indirect_dma source(%dma_start3A_389 : memref<10000x128xf32, #tpu.memory_space<hbm>>) target(%arg11 : memref<128x128xf32, #tpu.memory_space<vmem>>) offsets(%dma_start3A_386 : memref<128xi32, #tpu.memory_space<vmem>>) semaphore(%arg14 : memref<!tpu.dma_semaphore, #tpu.memory_space<semaphore_mem>>)
      } else {
      }
      %add3A_259 = arith.constant 1 : i32
      %add3A_260 = arith.addi %mul3A_242, %add3A_259 : i32
      %dma_wait3A_261 = arith.constant 1 : i32
      %dma_wait3A_262 = arith.constant 0 : i32
      %dma_wait3A_263 = tpu.memref_slice %arg8[%dma_wait3A_261, %dma_wait3A_262] : memref<8x128xi32, #tpu.memory_space<vmem>> -> memref<1x128xi32, #tpu.memory_space<vmem>>
      %dma_wait3A_264 = tpu.memref_squeeze %dma_wait3A_263 : memref<1x128xi32, #tpu.memory_space<vmem>> -> memref<128xi32, #tpu.memory_space<vmem>>
      %dma_wait3A_265 = arith.constant 0 : i32
      %dma_wait3A_266 = arith.constant 0 : i32
      %dma_wait3A_267 = tpu.memref_slice %arg4[%dma_wait3A_265, %dma_wait3A_266] : memref<10000x128xf32, #tpu.memory_space<hbm>> -> memref<10000x128xf32, #tpu.memory_space<hbm>>
      tpu.wait_indirect_dma semaphore(%arg15 : memref<!tpu.dma_semaphore, #tpu.memory_space<semaphore_mem>>) src(%dma_wait3A_267 : memref<10000x128xf32, #tpu.memory_space<hbm>>) dst(%arg12 : memref<128x128xf32, #tpu.memory_space<vmem>>)
      %run_scoped3A_268 = arith.constant 1 : i32
      "tpu.region"() ({
        %run_scoped3A_383 = tpu.sem_alloc : memref<!tpu.dma_semaphore, #tpu.memory_space<semaphore_mem>>
        %dma_start3A_384 = arith.constant 0 : i32
        %dma_start3A_385 = tpu.memref_slice %arg10[%run_scoped3A_268, %dma_start3A_384] : memref<8x128xi32, #tpu.memory_space<vmem>> -> memref<1x128xi32, #tpu.memory_space<vmem>>
        %dma_start3A_386 = tpu.memref_squeeze %dma_start3A_385 : memref<1x128xi32, #tpu.memory_space<vmem>> -> memref<128xi32, #tpu.memory_space<vmem>>
        %dma_start3A_387 = arith.constant 0 : i32
        %dma_start3A_388 = arith.constant 0 : i32
        %dma_start3A_389 = tpu.memref_slice %arg13[%dma_start3A_387, %dma_start3A_388] : memref<10112x128xf32, #tpu.memory_space<vmem_shared>> -> memref<10112x128xf32, #tpu.memory_space<vmem_shared>>
        tpu.enqueue_indirect_dma source(%arg12 : memref<128x128xf32, #tpu.memory_space<vmem>>) target(%dma_start3A_389 : memref<10112x128xf32, #tpu.memory_space<vmem_shared>>) offsets(%dma_start3A_386 : memref<128xi32, #tpu.memory_space<vmem>>) semaphore(%run_scoped3A_383 : memref<!tpu.dma_semaphore, #tpu.memory_space<semaphore_mem>>) {add = true}
        %dma_wait3A_390 = arith.constant 0 : i32
        %dma_wait3A_391 = tpu.memref_slice %arg10[%run_scoped3A_268, %dma_wait3A_390] : memref<8x128xi32, #tpu.memory_space<vmem>> -> memref<1x128xi32, #tpu.memory_space<vmem>>
        %dma_wait3A_392 = tpu.memref_squeeze %dma_wait3A_391 : memref<1x128xi32, #tpu.memory_space<vmem>> -> memref<128xi32, #tpu.memory_space<vmem>>
        %dma_wait3A_393 = arith.constant 0 : i32
        %dma_wait3A_394 = arith.constant 0 : i32
        %dma_wait3A_395 = tpu.memref_slice %arg13[%dma_wait3A_393, %dma_wait3A_394] : memref<10112x128xf32, #tpu.memory_space<vmem_shared>> -> memref<10112x128xf32, #tpu.memory_space<vmem_shared>>
        tpu.wait_indirect_dma semaphore(%run_scoped3A_383 : memref<!tpu.dma_semaphore, #tpu.memory_space<semaphore_mem>>) src(%arg12 : memref<128x128xf32, #tpu.memory_space<vmem>>) dst(%dma_wait3A_395 : memref<10112x128xf32, #tpu.memory_space<vmem_shared>>)
        tpu.yield
      }) : () -> ()
      %add3A_269 = arith.constant 2 : i32
      %add3A_270 = arith.addi %add3A_260, %add3A_269 : i32
      %lt3A_271 = arith.cmpi slt, %add3A_270, %select_n3A : i32
      %convert_element_type3A_272 = arith.extui %lt3A_271 : i1 to i32
      %cond3A_273 = arith.constant 0 : i32
      %cond3A_274 = arith.cmpi ne, %convert_element_type3A_272, %cond3A_273 : i32
      scf.if %cond3A_274 {
        %dma_start3A_383 = arith.constant 3 : i32
        %dma_start3A_384 = arith.constant 0 : i32
        %dma_start3A_385 = tpu.memref_slice %arg8[%dma_start3A_383, %dma_start3A_384] : memref<8x128xi32, #tpu.memory_space<vmem>> -> memref<1x128xi32, #tpu.memory_space<vmem>>
        %dma_start3A_386 = tpu.memref_squeeze %dma_start3A_385 : memref<1x128xi32, #tpu.memory_space<vmem>> -> memref<128xi32, #tpu.memory_space<vmem>>
        %dma_start3A_387 = arith.constant 0 : i32
        %dma_start3A_388 = arith.constant 0 : i32
        %dma_start3A_389 = tpu.memref_slice %arg4[%dma_start3A_387, %dma_start3A_388] : memref<10000x128xf32, #tpu.memory_space<hbm>> -> memref<10000x128xf32, #tpu.memory_space<hbm>>
        tpu.enqueue_indirect_dma source(%dma_start3A_389 : memref<10000x128xf32, #tpu.memory_space<hbm>>) target(%arg12 : memref<128x128xf32, #tpu.memory_space<vmem>>) offsets(%dma_start3A_386 : memref<128xi32, #tpu.memory_space<vmem>>) semaphore(%arg15 : memref<!tpu.dma_semaphore, #tpu.memory_space<semaphore_mem>>)
      } else {
      }
      %add3A_275 = arith.constant 2 : i32
      %add3A_276 = arith.addi %mul3A_242, %add3A_275 : i32
      %dma_wait3A_277 = arith.constant 2 : i32
      %dma_wait3A_278 = arith.constant 0 : i32
      %dma_wait3A_279 = tpu.memref_slice %arg8[%dma_wait3A_277, %dma_wait3A_278] : memref<8x128xi32, #tpu.memory_space<vmem>> -> memref<1x128xi32, #tpu.memory_space<vmem>>
      %dma_wait3A_280 = tpu.memref_squeeze %dma_wait3A_279 : memref<1x128xi32, #tpu.memory_space<vmem>> -> memref<128xi32, #tpu.memory_space<vmem>>
      %dma_wait3A_281 = arith.constant 0 : i32
      %dma_wait3A_282 = arith.constant 0 : i32
      %dma_wait3A_283 = tpu.memref_slice %arg4[%dma_wait3A_281, %dma_wait3A_282] : memref<10000x128xf32, #tpu.memory_space<hbm>> -> memref<10000x128xf32, #tpu.memory_space<hbm>>
      tpu.wait_indirect_dma semaphore(%arg14 : memref<!tpu.dma_semaphore, #tpu.memory_space<semaphore_mem>>) src(%dma_wait3A_283 : memref<10000x128xf32, #tpu.memory_space<hbm>>) dst(%arg11 : memref<128x128xf32, #tpu.memory_space<vmem>>)
      %run_scoped3A_284 = arith.constant 2 : i32
      "tpu.region"() ({
        %run_scoped3A_383 = tpu.sem_alloc : memref<!tpu.dma_semaphore, #tpu.memory_space<semaphore_mem>>
        %dma_start3A_384 = arith.constant 0 : i32
        %dma_start3A_385 = tpu.memref_slice %arg10[%run_scoped3A_284, %dma_start3A_384] : memref<8x128xi32, #tpu.memory_space<vmem>> -> memref<1x128xi32, #tpu.memory_space<vmem>>
        %dma_start3A_386 = tpu.memref_squeeze %dma_start3A_385 : memref<1x128xi32, #tpu.memory_space<vmem>> -> memref<128xi32, #tpu.memory_space<vmem>>
        %dma_start3A_387 = arith.constant 0 : i32
        %dma_start3A_388 = arith.constant 0 : i32
        %dma_start3A_389 = tpu.memref_slice %arg13[%dma_start3A_387, %dma_start3A_388] : memref<10112x128xf32, #tpu.memory_space<vmem_shared>> -> memref<10112x128xf32, #tpu.memory_space<vmem_shared>>
        tpu.enqueue_indirect_dma source(%arg11 : memref<128x128xf32, #tpu.memory_space<vmem>>) target(%dma_start3A_389 : memref<10112x128xf32, #tpu.memory_space<vmem_shared>>) offsets(%dma_start3A_386 : memref<128xi32, #tpu.memory_space<vmem>>) semaphore(%run_scoped3A_383 : memref<!tpu.dma_semaphore, #tpu.memory_space<semaphore_mem>>) {add = true}
        %dma_wait3A_390 = arith.constant 0 : i32
        %dma_wait3A_391 = tpu.memref_slice %arg10[%run_scoped3A_284, %dma_wait3A_390] : memref<8x128xi32, #tpu.memory_space<vmem>> -> memref<1x128xi32, #tpu.memory_space<vmem>>
        %dma_wait3A_392 = tpu.memref_squeeze %dma_wait3A_391 : memref<1x128xi32, #tpu.memory_space<vmem>> -> memref<128xi32, #tpu.memory_space<vmem>>
        %dma_wait3A_393 = arith.constant 0 : i32
        %dma_wait3A_394 = arith.constant 0 : i32
        %dma_wait3A_395 = tpu.memref_slice %arg13[%dma_wait3A_393, %dma_wait3A_394] : memref<10112x128xf32, #tpu.memory_space<vmem_shared>> -> memref<10112x128xf32, #tpu.memory_space<vmem_shared>>
        tpu.wait_indirect_dma semaphore(%run_scoped3A_383 : memref<!tpu.dma_semaphore, #tpu.memory_space<semaphore_mem>>) src(%arg11 : memref<128x128xf32, #tpu.memory_space<vmem>>) dst(%dma_wait3A_395 : memref<10112x128xf32, #tpu.memory_space<vmem_shared>>)
        tpu.yield
      }) : () -> ()
      %add3A_285 = arith.constant 2 : i32
      %add3A_286 = arith.addi %add3A_276, %add3A_285 : i32
      %lt3A_287 = arith.cmpi slt, %add3A_286, %select_n3A : i32
      %convert_element_type3A_288 = arith.extui %lt3A_287 : i1 to i32
      %cond3A_289 = arith.constant 0 : i32
      %cond3A_290 = arith.cmpi ne, %convert_element_type3A_288, %cond3A_289 : i32
      scf.if %cond3A_290 {
        %dma_start3A_383 = arith.constant 4 : i32
        %dma_start3A_384 = arith.constant 0 : i32
        %dma_start3A_385 = tpu.memref_slice %arg8[%dma_start3A_383, %dma_start3A_384] : memref<8x128xi32, #tpu.memory_space<vmem>> -> memref<1x128xi32, #tpu.memory_space<vmem>>
        %dma_start3A_386 = tpu.memref_squeeze %dma_start3A_385 : memref<1x128xi32, #tpu.memory_space<vmem>> -> memref<128xi32, #tpu.memory_space<vmem>>
        %dma_start3A_387 = arith.constant 0 : i32
        %dma_start3A_388 = arith.constant 0 : i32
        %dma_start3A_389 = tpu.memref_slice %arg4[%dma_start3A_387, %dma_start3A_388] : memref<10000x128xf32, #tpu.memory_space<hbm>> -> memref<10000x128xf32, #tpu.memory_space<hbm>>
        tpu.enqueue_indirect_dma source(%dma_start3A_389 : memref<10000x128xf32, #tpu.memory_space<hbm>>) target(%arg11 : memref<128x128xf32, #tpu.memory_space<vmem>>) offsets(%dma_start3A_386 : memref<128xi32, #tpu.memory_space<vmem>>) semaphore(%arg14 : memref<!tpu.dma_semaphore, #tpu.memory_space<semaphore_mem>>)
      } else {
      }
      %add3A_291 = arith.constant 3 : i32
      %add3A_292 = arith.addi %mul3A_242, %add3A_291 : i32
      %dma_wait3A_293 = arith.constant 3 : i32
      %dma_wait3A_294 = arith.constant 0 : i32
      %dma_wait3A_295 = tpu.memref_slice %arg8[%dma_wait3A_293, %dma_wait3A_294] : memref<8x128xi32, #tpu.memory_space<vmem>> -> memref<1x128xi32, #tpu.memory_space<vmem>>
      %dma_wait3A_296 = tpu.memref_squeeze %dma_wait3A_295 : memref<1x128xi32, #tpu.memory_space<vmem>> -> memref<128xi32, #tpu.memory_space<vmem>>
      %dma_wait3A_297 = arith.constant 0 : i32
      %dma_wait3A_298 = arith.constant 0 : i32
      %dma_wait3A_299 = tpu.memref_slice %arg4[%dma_wait3A_297, %dma_wait3A_298] : memref<10000x128xf32, #tpu.memory_space<hbm>> -> memref<10000x128xf32, #tpu.memory_space<hbm>>
      tpu.wait_indirect_dma semaphore(%arg15 : memref<!tpu.dma_semaphore, #tpu.memory_space<semaphore_mem>>) src(%dma_wait3A_299 : memref<10000x128xf32, #tpu.memory_space<hbm>>) dst(%arg12 : memref<128x128xf32, #tpu.memory_space<vmem>>)
      %run_scoped3A_300 = arith.constant 3 : i32
      "tpu.region"() ({
        %run_scoped3A_383 = tpu.sem_alloc : memref<!tpu.dma_semaphore, #tpu.memory_space<semaphore_mem>>
        %dma_start3A_384 = arith.constant 0 : i32
        %dma_start3A_385 = tpu.memref_slice %arg10[%run_scoped3A_300, %dma_start3A_384] : memref<8x128xi32, #tpu.memory_space<vmem>> -> memref<1x128xi32, #tpu.memory_space<vmem>>
        %dma_start3A_386 = tpu.memref_squeeze %dma_start3A_385 : memref<1x128xi32, #tpu.memory_space<vmem>> -> memref<128xi32, #tpu.memory_space<vmem>>
        %dma_start3A_387 = arith.constant 0 : i32
        %dma_start3A_388 = arith.constant 0 : i32
        %dma_start3A_389 = tpu.memref_slice %arg13[%dma_start3A_387, %dma_start3A_388] : memref<10112x128xf32, #tpu.memory_space<vmem_shared>> -> memref<10112x128xf32, #tpu.memory_space<vmem_shared>>
        tpu.enqueue_indirect_dma source(%arg12 : memref<128x128xf32, #tpu.memory_space<vmem>>) target(%dma_start3A_389 : memref<10112x128xf32, #tpu.memory_space<vmem_shared>>) offsets(%dma_start3A_386 : memref<128xi32, #tpu.memory_space<vmem>>) semaphore(%run_scoped3A_383 : memref<!tpu.dma_semaphore, #tpu.memory_space<semaphore_mem>>) {add = true}
        %dma_wait3A_390 = arith.constant 0 : i32
        %dma_wait3A_391 = tpu.memref_slice %arg10[%run_scoped3A_300, %dma_wait3A_390] : memref<8x128xi32, #tpu.memory_space<vmem>> -> memref<1x128xi32, #tpu.memory_space<vmem>>
        %dma_wait3A_392 = tpu.memref_squeeze %dma_wait3A_391 : memref<1x128xi32, #tpu.memory_space<vmem>> -> memref<128xi32, #tpu.memory_space<vmem>>
        %dma_wait3A_393 = arith.constant 0 : i32
        %dma_wait3A_394 = arith.constant 0 : i32
        %dma_wait3A_395 = tpu.memref_slice %arg13[%dma_wait3A_393, %dma_wait3A_394] : memref<10112x128xf32, #tpu.memory_space<vmem_shared>> -> memref<10112x128xf32, #tpu.memory_space<vmem_shared>>
        tpu.wait_indirect_dma semaphore(%run_scoped3A_383 : memref<!tpu.dma_semaphore, #tpu.memory_space<semaphore_mem>>) src(%arg12 : memref<128x128xf32, #tpu.memory_space<vmem>>) dst(%dma_wait3A_395 : memref<10112x128xf32, #tpu.memory_space<vmem_shared>>)
        tpu.yield
      }) : () -> ()
      %add3A_301 = arith.constant 2 : i32
      %add3A_302 = arith.addi %add3A_292, %add3A_301 : i32
      %lt3A_303 = arith.cmpi slt, %add3A_302, %select_n3A : i32
      %convert_element_type3A_304 = arith.extui %lt3A_303 : i1 to i32
      %cond3A_305 = arith.constant 0 : i32
      %cond3A_306 = arith.cmpi ne, %convert_element_type3A_304, %cond3A_305 : i32
      scf.if %cond3A_306 {
        %dma_start3A_383 = arith.constant 5 : i32
        %dma_start3A_384 = arith.constant 0 : i32
        %dma_start3A_385 = tpu.memref_slice %arg8[%dma_start3A_383, %dma_start3A_384] : memref<8x128xi32, #tpu.memory_space<vmem>> -> memref<1x128xi32, #tpu.memory_space<vmem>>
        %dma_start3A_386 = tpu.memref_squeeze %dma_start3A_385 : memref<1x128xi32, #tpu.memory_space<vmem>> -> memref<128xi32, #tpu.memory_space<vmem>>
        %dma_start3A_387 = arith.constant 0 : i32
        %dma_start3A_388 = arith.constant 0 : i32
        %dma_start3A_389 = tpu.memref_slice %arg4[%dma_start3A_387, %dma_start3A_388] : memref<10000x128xf32, #tpu.memory_space<hbm>> -> memref<10000x128xf32, #tpu.memory_space<hbm>>
        tpu.enqueue_indirect_dma source(%dma_start3A_389 : memref<10000x128xf32, #tpu.memory_space<hbm>>) target(%arg12 : memref<128x128xf32, #tpu.memory_space<vmem>>) offsets(%dma_start3A_386 : memref<128xi32, #tpu.memory_space<vmem>>) semaphore(%arg15 : memref<!tpu.dma_semaphore, #tpu.memory_space<semaphore_mem>>)
      } else {
      }
      %add3A_307 = arith.constant 4 : i32
      %add3A_308 = arith.addi %mul3A_242, %add3A_307 : i32
      %dma_wait3A_309 = arith.constant 4 : i32
      %dma_wait3A_310 = arith.constant 0 : i32
      %dma_wait3A_311 = tpu.memref_slice %arg8[%dma_wait3A_309, %dma_wait3A_310] : memref<8x128xi32, #tpu.memory_space<vmem>> -> memref<1x128xi32, #tpu.memory_space<vmem>>
      %dma_wait3A_312 = tpu.memref_squeeze %dma_wait3A_311 : memref<1x128xi32, #tpu.memory_space<vmem>> -> memref<128xi32, #tpu.memory_space<vmem>>
      %dma_wait3A_313 = arith.constant 0 : i32
      %dma_wait3A_314 = arith.constant 0 : i32
      %dma_wait3A_315 = tpu.memref_slice %arg4[%dma_wait3A_313, %dma_wait3A_314] : memref<10000x128xf32, #tpu.memory_space<hbm>> -> memref<10000x128xf32, #tpu.memory_space<hbm>>
      tpu.wait_indirect_dma semaphore(%arg14 : memref<!tpu.dma_semaphore, #tpu.memory_space<semaphore_mem>>) src(%dma_wait3A_315 : memref<10000x128xf32, #tpu.memory_space<hbm>>) dst(%arg11 : memref<128x128xf32, #tpu.memory_space<vmem>>)
      %run_scoped3A_316 = arith.constant 4 : i32
      "tpu.region"() ({
        %run_scoped3A_383 = tpu.sem_alloc : memref<!tpu.dma_semaphore, #tpu.memory_space<semaphore_mem>>
        %dma_start3A_384 = arith.constant 0 : i32
        %dma_start3A_385 = tpu.memref_slice %arg10[%run_scoped3A_316, %dma_start3A_384] : memref<8x128xi32, #tpu.memory_space<vmem>> -> memref<1x128xi32, #tpu.memory_space<vmem>>
        %dma_start3A_386 = tpu.memref_squeeze %dma_start3A_385 : memref<1x128xi32, #tpu.memory_space<vmem>> -> memref<128xi32, #tpu.memory_space<vmem>>
        %dma_start3A_387 = arith.constant 0 : i32
        %dma_start3A_388 = arith.constant 0 : i32
        %dma_start3A_389 = tpu.memref_slice %arg13[%dma_start3A_387, %dma_start3A_388] : memref<10112x128xf32, #tpu.memory_space<vmem_shared>> -> memref<10112x128xf32, #tpu.memory_space<vmem_shared>>
        tpu.enqueue_indirect_dma source(%arg11 : memref<128x128xf32, #tpu.memory_space<vmem>>) target(%dma_start3A_389 : memref<10112x128xf32, #tpu.memory_space<vmem_shared>>) offsets(%dma_start3A_386 : memref<128xi32, #tpu.memory_space<vmem>>) semaphore(%run_scoped3A_383 : memref<!tpu.dma_semaphore, #tpu.memory_space<semaphore_mem>>) {add = true}
        %dma_wait3A_390 = arith.constant 0 : i32
        %dma_wait3A_391 = tpu.memref_slice %arg10[%run_scoped3A_316, %dma_wait3A_390] : memref<8x128xi32, #tpu.memory_space<vmem>> -> memref<1x128xi32, #tpu.memory_space<vmem>>
        %dma_wait3A_392 = tpu.memref_squeeze %dma_wait3A_391 : memref<1x128xi32, #tpu.memory_space<vmem>> -> memref<128xi32, #tpu.memory_space<vmem>>
        %dma_wait3A_393 = arith.constant 0 : i32
        %dma_wait3A_394 = arith.constant 0 : i32
        %dma_wait3A_395 = tpu.memref_slice %arg13[%dma_wait3A_393, %dma_wait3A_394] : memref<10112x128xf32, #tpu.memory_space<vmem_shared>> -> memref<10112x128xf32, #tpu.memory_space<vmem_shared>>
        tpu.wait_indirect_dma semaphore(%run_scoped3A_383 : memref<!tpu.dma_semaphore, #tpu.memory_space<semaphore_mem>>) src(%arg11 : memref<128x128xf32, #tpu.memory_space<vmem>>) dst(%dma_wait3A_395 : memref<10112x128xf32, #tpu.memory_space<vmem_shared>>)
        tpu.yield
      }) : () -> ()
      %add3A_317 = arith.constant 2 : i32
      %add3A_318 = arith.addi %add3A_308, %add3A_317 : i32
      %lt3A_319 = arith.cmpi slt, %add3A_318, %select_n3A : i32
      %convert_element_type3A_320 = arith.extui %lt3A_319 : i1 to i32
      %cond3A_321 = arith.constant 0 : i32
      %cond3A_322 = arith.cmpi ne, %convert_element_type3A_320, %cond3A_321 : i32
      scf.if %cond3A_322 {
        %dma_start3A_383 = arith.constant 6 : i32
        %dma_start3A_384 = arith.constant 0 : i32
        %dma_start3A_385 = tpu.memref_slice %arg8[%dma_start3A_383, %dma_start3A_384] : memref<8x128xi32, #tpu.memory_space<vmem>> -> memref<1x128xi32, #tpu.memory_space<vmem>>
        %dma_start3A_386 = tpu.memref_squeeze %dma_start3A_385 : memref<1x128xi32, #tpu.memory_space<vmem>> -> memref<128xi32, #tpu.memory_space<vmem>>
        %dma_start3A_387 = arith.constant 0 : i32
        %dma_start3A_388 = arith.constant 0 : i32
        %dma_start3A_389 = tpu.memref_slice %arg4[%dma_start3A_387, %dma_start3A_388] : memref<10000x128xf32, #tpu.memory_space<hbm>> -> memref<10000x128xf32, #tpu.memory_space<hbm>>
        tpu.enqueue_indirect_dma source(%dma_start3A_389 : memref<10000x128xf32, #tpu.memory_space<hbm>>) target(%arg11 : memref<128x128xf32, #tpu.memory_space<vmem>>) offsets(%dma_start3A_386 : memref<128xi32, #tpu.memory_space<vmem>>) semaphore(%arg14 : memref<!tpu.dma_semaphore, #tpu.memory_space<semaphore_mem>>)
      } else {
      }
      %add3A_323 = arith.constant 5 : i32
      %add3A_324 = arith.addi %mul3A_242, %add3A_323 : i32
      %dma_wait3A_325 = arith.constant 5 : i32
      %dma_wait3A_326 = arith.constant 0 : i32
      %dma_wait3A_327 = tpu.memref_slice %arg8[%dma_wait3A_325, %dma_wait3A_326] : memref<8x128xi32, #tpu.memory_space<vmem>> -> memref<1x128xi32, #tpu.memory_space<vmem>>
      %dma_wait3A_328 = tpu.memref_squeeze %dma_wait3A_327 : memref<1x128xi32, #tpu.memory_space<vmem>> -> memref<128xi32, #tpu.memory_space<vmem>>
      %dma_wait3A_329 = arith.constant 0 : i32
      %dma_wait3A_330 = arith.constant 0 : i32
      %dma_wait3A_331 = tpu.memref_slice %arg4[%dma_wait3A_329, %dma_wait3A_330] : memref<10000x128xf32, #tpu.memory_space<hbm>> -> memref<10000x128xf32, #tpu.memory_space<hbm>>
      tpu.wait_indirect_dma semaphore(%arg15 : memref<!tpu.dma_semaphore, #tpu.memory_space<semaphore_mem>>) src(%dma_wait3A_331 : memref<10000x128xf32, #tpu.memory_space<hbm>>) dst(%arg12 : memref<128x128xf32, #tpu.memory_space<vmem>>)
      %run_scoped3A_332 = arith.constant 5 : i32
      "tpu.region"() ({
        %run_scoped3A_383 = tpu.sem_alloc : memref<!tpu.dma_semaphore, #tpu.memory_space<semaphore_mem>>
        %dma_start3A_384 = arith.constant 0 : i32
        %dma_start3A_385 = tpu.memref_slice %arg10[%run_scoped3A_332, %dma_start3A_384] : memref<8x128xi32, #tpu.memory_space<vmem>> -> memref<1x128xi32, #tpu.memory_space<vmem>>
        %dma_start3A_386 = tpu.memref_squeeze %dma_start3A_385 : memref<1x128xi32, #tpu.memory_space<vmem>> -> memref<128xi32, #tpu.memory_space<vmem>>
        %dma_start3A_387 = arith.constant 0 : i32
        %dma_start3A_388 = arith.constant 0 : i32
        %dma_start3A_389 = tpu.memref_slice %arg13[%dma_start3A_387, %dma_start3A_388] : memref<10112x128xf32, #tpu.memory_space<vmem_shared>> -> memref<10112x128xf32, #tpu.memory_space<vmem_shared>>
        tpu.enqueue_indirect_dma source(%arg12 : memref<128x128xf32, #tpu.memory_space<vmem>>) target(%dma_start3A_389 : memref<10112x128xf32, #tpu.memory_space<vmem_shared>>) offsets(%dma_start3A_386 : memref<128xi32, #tpu.memory_space<vmem>>) semaphore(%run_scoped3A_383 : memref<!tpu.dma_semaphore, #tpu.memory_space<semaphore_mem>>) {add = true}
        %dma_wait3A_390 = arith.constant 0 : i32
        %dma_wait3A_391 = tpu.memref_slice %arg10[%run_scoped3A_332, %dma_wait3A_390] : memref<8x128xi32, #tpu.memory_space<vmem>> -> memref<1x128xi32, #tpu.memory_space<vmem>>
        %dma_wait3A_392 = tpu.memref_squeeze %dma_wait3A_391 : memref<1x128xi32, #tpu.memory_space<vmem>> -> memref<128xi32, #tpu.memory_space<vmem>>
        %dma_wait3A_393 = arith.constant 0 : i32
        %dma_wait3A_394 = arith.constant 0 : i32
        %dma_wait3A_395 = tpu.memref_slice %arg13[%dma_wait3A_393, %dma_wait3A_394] : memref<10112x128xf32, #tpu.memory_space<vmem_shared>> -> memref<10112x128xf32, #tpu.memory_space<vmem_shared>>
        tpu.wait_indirect_dma semaphore(%run_scoped3A_383 : memref<!tpu.dma_semaphore, #tpu.memory_space<semaphore_mem>>) src(%arg12 : memref<128x128xf32, #tpu.memory_space<vmem>>) dst(%dma_wait3A_395 : memref<10112x128xf32, #tpu.memory_space<vmem_shared>>)
        tpu.yield
      }) : () -> ()
      %add3A_333 = arith.constant 2 : i32
      %add3A_334 = arith.addi %add3A_324, %add3A_333 : i32
      %lt3A_335 = arith.cmpi slt, %add3A_334, %select_n3A : i32
      %convert_element_type3A_336 = arith.extui %lt3A_335 : i1 to i32
      %cond3A_337 = arith.constant 0 : i32
      %cond3A_338 = arith.cmpi ne, %convert_element_type3A_336, %cond3A_337 : i32
      scf.if %cond3A_338 {
        %dma_start3A_383 = arith.constant 7 : i32
        %dma_start3A_384 = arith.constant 0 : i32
        %dma_start3A_385 = tpu.memref_slice %arg8[%dma_start3A_383, %dma_start3A_384] : memref<8x128xi32, #tpu.memory_space<vmem>> -> memref<1x128xi32, #tpu.memory_space<vmem>>
        %dma_start3A_386 = tpu.memref_squeeze %dma_start3A_385 : memref<1x128xi32, #tpu.memory_space<vmem>> -> memref<128xi32, #tpu.memory_space<vmem>>
        %dma_start3A_387 = arith.constant 0 : i32
        %dma_start3A_388 = arith.constant 0 : i32
        %dma_start3A_389 = tpu.memref_slice %arg4[%dma_start3A_387, %dma_start3A_388] : memref<10000x128xf32, #tpu.memory_space<hbm>> -> memref<10000x128xf32, #tpu.memory_space<hbm>>
        tpu.enqueue_indirect_dma source(%dma_start3A_389 : memref<10000x128xf32, #tpu.memory_space<hbm>>) target(%arg12 : memref<128x128xf32, #tpu.memory_space<vmem>>) offsets(%dma_start3A_386 : memref<128xi32, #tpu.memory_space<vmem>>) semaphore(%arg15 : memref<!tpu.dma_semaphore, #tpu.memory_space<semaphore_mem>>)
      } else {
      }
      %add3A_339 = arith.constant 6 : i32
      %add3A_340 = arith.addi %mul3A_242, %add3A_339 : i32
      %dma_wait3A_341 = arith.constant 6 : i32
      %dma_wait3A_342 = arith.constant 0 : i32
      %dma_wait3A_343 = tpu.memref_slice %arg8[%dma_wait3A_341, %dma_wait3A_342] : memref<8x128xi32, #tpu.memory_space<vmem>> -> memref<1x128xi32, #tpu.memory_space<vmem>>
      %dma_wait3A_344 = tpu.memref_squeeze %dma_wait3A_343 : memref<1x128xi32, #tpu.memory_space<vmem>> -> memref<128xi32, #tpu.memory_space<vmem>>
      %dma_wait3A_345 = arith.constant 0 : i32
      %dma_wait3A_346 = arith.constant 0 : i32
      %dma_wait3A_347 = tpu.memref_slice %arg4[%dma_wait3A_345, %dma_wait3A_346] : memref<10000x128xf32, #tpu.memory_space<hbm>> -> memref<10000x128xf32, #tpu.memory_space<hbm>>
      tpu.wait_indirect_dma semaphore(%arg14 : memref<!tpu.dma_semaphore, #tpu.memory_space<semaphore_mem>>) src(%dma_wait3A_347 : memref<10000x128xf32, #tpu.memory_space<hbm>>) dst(%arg11 : memref<128x128xf32, #tpu.memory_space<vmem>>)
      %run_scoped3A_348 = arith.constant 6 : i32
      "tpu.region"() ({
        %run_scoped3A_383 = tpu.sem_alloc : memref<!tpu.dma_semaphore, #tpu.memory_space<semaphore_mem>>
        %dma_start3A_384 = arith.constant 0 : i32
        %dma_start3A_385 = tpu.memref_slice %arg10[%run_scoped3A_348, %dma_start3A_384] : memref<8x128xi32, #tpu.memory_space<vmem>> -> memref<1x128xi32, #tpu.memory_space<vmem>>
        %dma_start3A_386 = tpu.memref_squeeze %dma_start3A_385 : memref<1x128xi32, #tpu.memory_space<vmem>> -> memref<128xi32, #tpu.memory_space<vmem>>
        %dma_start3A_387 = arith.constant 0 : i32
        %dma_start3A_388 = arith.constant 0 : i32
        %dma_start3A_389 = tpu.memref_slice %arg13[%dma_start3A_387, %dma_start3A_388] : memref<10112x128xf32, #tpu.memory_space<vmem_shared>> -> memref<10112x128xf32, #tpu.memory_space<vmem_shared>>
        tpu.enqueue_indirect_dma source(%arg11 : memref<128x128xf32, #tpu.memory_space<vmem>>) target(%dma_start3A_389 : memref<10112x128xf32, #tpu.memory_space<vmem_shared>>) offsets(%dma_start3A_386 : memref<128xi32, #tpu.memory_space<vmem>>) semaphore(%run_scoped3A_383 : memref<!tpu.dma_semaphore, #tpu.memory_space<semaphore_mem>>) {add = true}
        %dma_wait3A_390 = arith.constant 0 : i32
        %dma_wait3A_391 = tpu.memref_slice %arg10[%run_scoped3A_348, %dma_wait3A_390] : memref<8x128xi32, #tpu.memory_space<vmem>> -> memref<1x128xi32, #tpu.memory_space<vmem>>
        %dma_wait3A_392 = tpu.memref_squeeze %dma_wait3A_391 : memref<1x128xi32, #tpu.memory_space<vmem>> -> memref<128xi32, #tpu.memory_space<vmem>>
        %dma_wait3A_393 = arith.constant 0 : i32
        %dma_wait3A_394 = arith.constant 0 : i32
        %dma_wait3A_395 = tpu.memref_slice %arg13[%dma_wait3A_393, %dma_wait3A_394] : memref<10112x128xf32, #tpu.memory_space<vmem_shared>> -> memref<10112x128xf32, #tpu.memory_space<vmem_shared>>
        tpu.wait_indirect_dma semaphore(%run_scoped3A_383 : memref<!tpu.dma_semaphore, #tpu.memory_space<semaphore_mem>>) src(%arg11 : memref<128x128xf32, #tpu.memory_space<vmem>>) dst(%dma_wait3A_395 : memref<10112x128xf32, #tpu.memory_space<vmem_shared>>)
        tpu.yield
      }) : () -> ()
      %add3A_349 = arith.constant 8 : i32
      %add3A_350 = arith.addi %mul3A_242, %add3A_349 : i32
      %lt3A_351 = arith.cmpi slt, %add3A_350, %select_n3A : i32
      %convert_element_type3A_352 = arith.extui %lt3A_351 : i1 to i32
      %cond3A_353 = arith.constant 0 : i32
      %cond3A_354 = arith.cmpi ne, %convert_element_type3A_352, %cond3A_353 : i32
      scf.if %cond3A_354 {
        %dma_wait3A_383 = arith.constant 0 : i32
        %dma_wait3A_384 = tpu.memref_slice %arg2[%select_n3A_10, %dma_wait3A_383] : memref<2560x128xi32, #tpu.memory_space<hbm>> -> memref<8x128xi32, #tpu.memory_space<hbm>>
        %dma_wait3A_385 = arith.constant 0 : i32
        %dma_wait3A_386 = tpu.memref_slice %arg2[%select_n3A_10, %dma_wait3A_385] : memref<2560x128xi32, #tpu.memory_space<hbm>> -> memref<8x128xi32, #tpu.memory_space<hbm>>
        tpu.wait_dma2 semaphore(%arg16 : memref<!tpu.dma_semaphore, #tpu.memory_space<semaphore_mem>>) src(%dma_wait3A_386 : memref<8x128xi32, #tpu.memory_space<hbm>>) dst(%arg7 : memref<8x128xi32, #tpu.memory_space<vmem>>)
        %dma_wait3A_387 = arith.constant 0 : i32
        %dma_wait3A_388 = tpu.memref_slice %arg3[%select_n3A_10, %dma_wait3A_387] : memref<2560x128xi32, #tpu.memory_space<hbm>> -> memref<8x128xi32, #tpu.memory_space<hbm>>
        %dma_wait3A_389 = arith.constant 0 : i32
        %dma_wait3A_390 = tpu.memref_slice %arg3[%select_n3A_10, %dma_wait3A_389] : memref<2560x128xi32, #tpu.memory_space<hbm>> -> memref<8x128xi32, #tpu.memory_space<hbm>>
        tpu.wait_dma2 semaphore(%arg16 : memref<!tpu.dma_semaphore, #tpu.memory_space<semaphore_mem>>) src(%dma_wait3A_390 : memref<8x128xi32, #tpu.memory_space<hbm>>) dst(%arg9 : memref<8x128xi32, #tpu.memory_space<vmem>>)
      } else {
      }
      %add3A_355 = arith.constant 2 : i32
      %add3A_356 = arith.addi %add3A_340, %add3A_355 : i32
      %lt3A_357 = arith.cmpi slt, %add3A_356, %select_n3A : i32
      %convert_element_type3A_358 = arith.extui %lt3A_357 : i1 to i32
      %cond3A_359 = arith.constant 0 : i32
      %cond3A_360 = arith.cmpi ne, %convert_element_type3A_358, %cond3A_359 : i32
      scf.if %cond3A_360 {
        %dma_start3A_383 = arith.constant 0 : i32
        %dma_start3A_384 = arith.constant 0 : i32
        %dma_start3A_385 = tpu.memref_slice %arg7[%dma_start3A_383, %dma_start3A_384] : memref<8x128xi32, #tpu.memory_space<vmem>> -> memref<1x128xi32, #tpu.memory_space<vmem>>
        %dma_start3A_386 = tpu.memref_squeeze %dma_start3A_385 : memref<1x128xi32, #tpu.memory_space<vmem>> -> memref<128xi32, #tpu.memory_space<vmem>>
        %dma_start3A_387 = arith.constant 0 : i32
        %dma_start3A_388 = arith.constant 0 : i32
        %dma_start3A_389 = tpu.memref_slice %arg4[%dma_start3A_387, %dma_start3A_388] : memref<10000x128xf32, #tpu.memory_space<hbm>> -> memref<10000x128xf32, #tpu.memory_space<hbm>>
        tpu.enqueue_indirect_dma source(%dma_start3A_389 : memref<10000x128xf32, #tpu.memory_space<hbm>>) target(%arg11 : memref<128x128xf32, #tpu.memory_space<vmem>>) offsets(%dma_start3A_386 : memref<128xi32, #tpu.memory_space<vmem>>) semaphore(%arg14 : memref<!tpu.dma_semaphore, #tpu.memory_space<semaphore_mem>>)
      } else {
      }
      %add3A_361 = arith.constant 7 : i32
      %add3A_362 = arith.addi %mul3A_242, %add3A_361 : i32
      %dma_wait3A_363 = arith.constant 7 : i32
      %dma_wait3A_364 = arith.constant 0 : i32
      %dma_wait3A_365 = tpu.memref_slice %arg8[%dma_wait3A_363, %dma_wait3A_364] : memref<8x128xi32, #tpu.memory_space<vmem>> -> memref<1x128xi32, #tpu.memory_space<vmem>>
      %dma_wait3A_366 = tpu.memref_squeeze %dma_wait3A_365 : memref<1x128xi32, #tpu.memory_space<vmem>> -> memref<128xi32, #tpu.memory_space<vmem>>
      %dma_wait3A_367 = arith.constant 0 : i32
      %dma_wait3A_368 = arith.constant 0 : i32
      %dma_wait3A_369 = tpu.memref_slice %arg4[%dma_wait3A_367, %dma_wait3A_368] : memref<10000x128xf32, #tpu.memory_space<hbm>> -> memref<10000x128xf32, #tpu.memory_space<hbm>>
      tpu.wait_indirect_dma semaphore(%arg15 : memref<!tpu.dma_semaphore, #tpu.memory_space<semaphore_mem>>) src(%dma_wait3A_369 : memref<10000x128xf32, #tpu.memory_space<hbm>>) dst(%arg12 : memref<128x128xf32, #tpu.memory_space<vmem>>)
      %run_scoped3A_370 = arith.constant 7 : i32
      "tpu.region"() ({
        %run_scoped3A_383 = tpu.sem_alloc : memref<!tpu.dma_semaphore, #tpu.memory_space<semaphore_mem>>
        %dma_start3A_384 = arith.constant 0 : i32
        %dma_start3A_385 = tpu.memref_slice %arg10[%run_scoped3A_370, %dma_start3A_384] : memref<8x128xi32, #tpu.memory_space<vmem>> -> memref<1x128xi32, #tpu.memory_space<vmem>>
        %dma_start3A_386 = tpu.memref_squeeze %dma_start3A_385 : memref<1x128xi32, #tpu.memory_space<vmem>> -> memref<128xi32, #tpu.memory_space<vmem>>
        %dma_start3A_387 = arith.constant 0 : i32
        %dma_start3A_388 = arith.constant 0 : i32
        %dma_start3A_389 = tpu.memref_slice %arg13[%dma_start3A_387, %dma_start3A_388] : memref<10112x128xf32, #tpu.memory_space<vmem_shared>> -> memref<10112x128xf32, #tpu.memory_space<vmem_shared>>
        tpu.enqueue_indirect_dma source(%arg12 : memref<128x128xf32, #tpu.memory_space<vmem>>) target(%dma_start3A_389 : memref<10112x128xf32, #tpu.memory_space<vmem_shared>>) offsets(%dma_start3A_386 : memref<128xi32, #tpu.memory_space<vmem>>) semaphore(%run_scoped3A_383 : memref<!tpu.dma_semaphore, #tpu.memory_space<semaphore_mem>>) {add = true}
        %dma_wait3A_390 = arith.constant 0 : i32
        %dma_wait3A_391 = tpu.memref_slice %arg10[%run_scoped3A_370, %dma_wait3A_390] : memref<8x128xi32, #tpu.memory_space<vmem>> -> memref<1x128xi32, #tpu.memory_space<vmem>>
        %dma_wait3A_392 = tpu.memref_squeeze %dma_wait3A_391 : memref<1x128xi32, #tpu.memory_space<vmem>> -> memref<128xi32, #tpu.memory_space<vmem>>
        %dma_wait3A_393 = arith.constant 0 : i32
        %dma_wait3A_394 = arith.constant 0 : i32
        %dma_wait3A_395 = tpu.memref_slice %arg13[%dma_wait3A_393, %dma_wait3A_394] : memref<10112x128xf32, #tpu.memory_space<vmem_shared>> -> memref<10112x128xf32, #tpu.memory_space<vmem_shared>>
        tpu.wait_indirect_dma semaphore(%run_scoped3A_383 : memref<!tpu.dma_semaphore, #tpu.memory_space<semaphore_mem>>) src(%arg12 : memref<128x128xf32, #tpu.memory_space<vmem>>) dst(%dma_wait3A_395 : memref<10112x128xf32, #tpu.memory_space<vmem_shared>>)
        tpu.yield
      }) : () -> ()
      %add3A_371 = arith.constant 2 : i32
      %add3A_372 = arith.addi %add3A_362, %add3A_371 : i32
      %lt3A_373 = arith.cmpi slt, %add3A_372, %select_n3A : i32
      %convert_element_type3A_374 = arith.extui %lt3A_373 : i1 to i32
      %cond3A_375 = arith.constant 0 : i32
      %cond3A_376 = arith.cmpi ne, %convert_element_type3A_374, %cond3A_375 : i32
      scf.if %cond3A_376 {
        %dma_start3A_383 = arith.constant 1 : i32
        %dma_start3A_384 = arith.constant 0 : i32
        %dma_start3A_385 = tpu.memref_slice %arg7[%dma_start3A_383, %dma_start3A_384] : memref<8x128xi32, #tpu.memory_space<vmem>> -> memref<1x128xi32, #tpu.memory_space<vmem>>
        %dma_start3A_386 = tpu.memref_squeeze %dma_start3A_385 : memref<1x128xi32, #tpu.memory_space<vmem>> -> memref<128xi32, #tpu.memory_space<vmem>>
        %dma_start3A_387 = arith.constant 0 : i32
        %dma_start3A_388 = arith.constant 0 : i32
        %dma_start3A_389 = tpu.memref_slice %arg4[%dma_start3A_387, %dma_start3A_388] : memref<10000x128xf32, #tpu.memory_space<hbm>> -> memref<10000x128xf32, #tpu.memory_space<hbm>>
        tpu.enqueue_indirect_dma source(%dma_start3A_389 : memref<10000x128xf32, #tpu.memory_space<hbm>>) target(%arg12 : memref<128x128xf32, #tpu.memory_space<vmem>>) offsets(%dma_start3A_386 : memref<128xi32, #tpu.memory_space<vmem>>) semaphore(%arg15 : memref<!tpu.dma_semaphore, #tpu.memory_space<semaphore_mem>>)
      } else {
      }
      %add3A_377 = arith.constant 16 : i32
      %add3A_378 = arith.addi %mul3A_242, %add3A_377 : i32
      %lt3A_379 = arith.cmpi slt, %add3A_378, %select_n3A : i32
      %convert_element_type3A_380 = arith.extui %lt3A_379 : i1 to i32
      %cond3A_381 = arith.constant 0 : i32
      %cond3A_382 = arith.cmpi ne, %convert_element_type3A_380, %cond3A_381 : i32
      scf.if %cond3A_382 {
        %add3A_383 = arith.addi %select_n3A_10, %mul3A_242 : i32
        %add3A_384 = arith.constant 16 : i32
        %add3A_385 = arith.addi %add3A_383, %add3A_384 : i32
        %dma_start3A_386 = arith.constant 0 : i32
        %dma_start3A_387 = tpu.memref_slice %arg2[%add3A_385, %dma_start3A_386] : memref<2560x128xi32, #tpu.memory_space<hbm>> -> memref<8x128xi32, #tpu.memory_space<hbm>>
        %dma_start3A_388 = arith.constant 0 : i32
        %dma_start3A_389 = tpu.memref_slice %arg2[%add3A_385, %dma_start3A_388] : memref<2560x128xi32, #tpu.memory_space<hbm>> -> memref<8x128xi32, #tpu.memory_space<hbm>>
        tpu.enqueue_dma source(%dma_start3A_389 : memref<8x128xi32, #tpu.memory_space<hbm>>) target(%arg8 : memref<8x128xi32, #tpu.memory_space<vmem>>) target_semaphore(%arg17 : memref<!tpu.dma_semaphore, #tpu.memory_space<semaphore_mem>>)
        %dma_start3A_390 = arith.constant 0 : i32
        %dma_start3A_391 = tpu.memref_slice %arg3[%add3A_385, %dma_start3A_390] : memref<2560x128xi32, #tpu.memory_space<hbm>> -> memref<8x128xi32, #tpu.memory_space<hbm>>
        %dma_start3A_392 = arith.constant 0 : i32
        %dma_start3A_393 = tpu.memref_slice %arg3[%add3A_385, %dma_start3A_392] : memref<2560x128xi32, #tpu.memory_space<hbm>> -> memref<8x128xi32, #tpu.memory_space<hbm>>
        tpu.enqueue_dma source(%dma_start3A_393 : memref<8x128xi32, #tpu.memory_space<hbm>>) target(%arg10 : memref<8x128xi32, #tpu.memory_space<vmem>>) target_semaphore(%arg17 : memref<!tpu.dma_semaphore, #tpu.memory_space<semaphore_mem>>)
      } else {
      }
    }
    %while3A_94 = arith.constant 1 : i32
    scf.for %while3A_96 = %while3A_92 to %while3A_88 step %while3A_94  : i32 {
      %mul3A_97 = arith.muli %while3A_96, %while3A : i32
      %add3A_98 = arith.addi %while3A_85, %mul3A_97 : i32
      %add3A_99 = arith.constant 0 : i32
      %add3A_100 = arith.addi %add3A_98, %add3A_99 : i32
      %mul3A_101 = arith.constant 8 : i32
      %mul3A_102 = arith.muli %add3A_100, %mul3A_101 : i32
      %add3A_103 = arith.constant 0 : i32
      %add3A_104 = arith.addi %mul3A_102, %add3A_103 : i32
      %dma_wait3A_105 = arith.constant 0 : i32
      %dma_wait3A_106 = arith.constant 0 : i32
      %dma_wait3A_107 = tpu.memref_slice %arg7[%dma_wait3A_105, %dma_wait3A_106] : memref<8x128xi32, #tpu.memory_space<vmem>> -> memref<1x128xi32, #tpu.memory_space<vmem>>
      %dma_wait3A_108 = tpu.memref_squeeze %dma_wait3A_107 : memref<1x128xi32, #tpu.memory_space<vmem>> -> memref<128xi32, #tpu.memory_space<vmem>>
      %dma_wait3A_109 = arith.constant 0 : i32
      %dma_wait3A_110 = arith.constant 0 : i32
      %dma_wait3A_111 = tpu.memref_slice %arg4[%dma_wait3A_109, %dma_wait3A_110] : memref<10000x128xf32, #tpu.memory_space<hbm>> -> memref<10000x128xf32, #tpu.memory_space<hbm>>
      tpu.wait_indirect_dma semaphore(%arg14 : memref<!tpu.dma_semaphore, #tpu.memory_space<semaphore_mem>>) src(%dma_wait3A_111 : memref<10000x128xf32, #tpu.memory_space<hbm>>) dst(%arg11 : memref<128x128xf32, #tpu.memory_space<vmem>>)
      %run_scoped3A = arith.constant 0 : i32
      "tpu.region"() ({
        %run_scoped3A_383 = tpu.sem_alloc : memref<!tpu.dma_semaphore, #tpu.memory_space<semaphore_mem>>
        %dma_start3A_384 = arith.constant 0 : i32
        %dma_start3A_385 = tpu.memref_slice %arg9[%run_scoped3A, %dma_start3A_384] : memref<8x128xi32, #tpu.memory_space<vmem>> -> memref<1x128xi32, #tpu.memory_space<vmem>>
        %dma_start3A_386 = tpu.memref_squeeze %dma_start3A_385 : memref<1x128xi32, #tpu.memory_space<vmem>> -> memref<128xi32, #tpu.memory_space<vmem>>
        %dma_start3A_387 = arith.constant 0 : i32
        %dma_start3A_388 = arith.constant 0 : i32
        %dma_start3A_389 = tpu.memref_slice %arg13[%dma_start3A_387, %dma_start3A_388] : memref<10112x128xf32, #tpu.memory_space<vmem_shared>> -> memref<10112x128xf32, #tpu.memory_space<vmem_shared>>
        tpu.enqueue_indirect_dma source(%arg11 : memref<128x128xf32, #tpu.memory_space<vmem>>) target(%dma_start3A_389 : memref<10112x128xf32, #tpu.memory_space<vmem_shared>>) offsets(%dma_start3A_386 : memref<128xi32, #tpu.memory_space<vmem>>) semaphore(%run_scoped3A_383 : memref<!tpu.dma_semaphore, #tpu.memory_space<semaphore_mem>>) {add = true}
        %dma_wait3A_390 = arith.constant 0 : i32
        %dma_wait3A_391 = tpu.memref_slice %arg9[%run_scoped3A, %dma_wait3A_390] : memref<8x128xi32, #tpu.memory_space<vmem>> -> memref<1x128xi32, #tpu.memory_space<vmem>>
        %dma_wait3A_392 = tpu.memref_squeeze %dma_wait3A_391 : memref<1x128xi32, #tpu.memory_space<vmem>> -> memref<128xi32, #tpu.memory_space<vmem>>
        %dma_wait3A_393 = arith.constant 0 : i32
        %dma_wait3A_394 = arith.constant 0 : i32
        %dma_wait3A_395 = tpu.memref_slice %arg13[%dma_wait3A_393, %dma_wait3A_394] : memref<10112x128xf32, #tpu.memory_space<vmem_shared>> -> memref<10112x128xf32, #tpu.memory_space<vmem_shared>>
        tpu.wait_indirect_dma semaphore(%run_scoped3A_383 : memref<!tpu.dma_semaphore, #tpu.memory_space<semaphore_mem>>) src(%arg11 : memref<128x128xf32, #tpu.memory_space<vmem>>) dst(%dma_wait3A_395 : memref<10112x128xf32, #tpu.memory_space<vmem_shared>>)
        tpu.yield
      }) : () -> ()
      %add3A_112 = arith.constant 2 : i32
      %add3A_113 = arith.addi %add3A_104, %add3A_112 : i32
      %lt3A = arith.cmpi slt, %add3A_113, %select_n3A : i32
      %convert_element_type3A = arith.extui %lt3A : i1 to i32
      %cond3A = arith.constant 0 : i32
      %cond3A_114 = arith.cmpi ne, %convert_element_type3A, %cond3A : i32
      scf.if %cond3A_114 {
        %dma_start3A_383 = arith.constant 2 : i32
        %dma_start3A_384 = arith.constant 0 : i32
        %dma_start3A_385 = tpu.memref_slice %arg7[%dma_start3A_383, %dma_start3A_384] : memref<8x128xi32, #tpu.memory_space<vmem>> -> memref<1x128xi32, #tpu.memory_space<vmem>>
        %dma_start3A_386 = tpu.memref_squeeze %dma_start3A_385 : memref<1x128xi32, #tpu.memory_space<vmem>> -> memref<128xi32, #tpu.memory_space<vmem>>
        %dma_start3A_387 = arith.constant 0 : i32
        %dma_start3A_388 = arith.constant 0 : i32
        %dma_start3A_389 = tpu.memref_slice %arg4[%dma_start3A_387, %dma_start3A_388] : memref<10000x128xf32, #tpu.memory_space<hbm>> -> memref<10000x128xf32, #tpu.memory_space<hbm>>
        tpu.enqueue_indirect_dma source(%dma_start3A_389 : memref<10000x128xf32, #tpu.memory_space<hbm>>) target(%arg11 : memref<128x128xf32, #tpu.memory_space<vmem>>) offsets(%dma_start3A_386 : memref<128xi32, #tpu.memory_space<vmem>>) semaphore(%arg14 : memref<!tpu.dma_semaphore, #tpu.memory_space<semaphore_mem>>)
      } else {
      }
      %add3A_115 = arith.constant 1 : i32
      %add3A_116 = arith.addi %mul3A_102, %add3A_115 : i32
      %dma_wait3A_117 = arith.constant 1 : i32
      %dma_wait3A_118 = arith.constant 0 : i32
      %dma_wait3A_119 = tpu.memref_slice %arg7[%dma_wait3A_117, %dma_wait3A_118] : memref<8x128xi32, #tpu.memory_space<vmem>> -> memref<1x128xi32, #tpu.memory_space<vmem>>
      %dma_wait3A_120 = tpu.memref_squeeze %dma_wait3A_119 : memref<1x128xi32, #tpu.memory_space<vmem>> -> memref<128xi32, #tpu.memory_space<vmem>>
      %dma_wait3A_121 = arith.constant 0 : i32
      %dma_wait3A_122 = arith.constant 0 : i32
      %dma_wait3A_123 = tpu.memref_slice %arg4[%dma_wait3A_121, %dma_wait3A_122] : memref<10000x128xf32, #tpu.memory_space<hbm>> -> memref<10000x128xf32, #tpu.memory_space<hbm>>
      tpu.wait_indirect_dma semaphore(%arg15 : memref<!tpu.dma_semaphore, #tpu.memory_space<semaphore_mem>>) src(%dma_wait3A_123 : memref<10000x128xf32, #tpu.memory_space<hbm>>) dst(%arg12 : memref<128x128xf32, #tpu.memory_space<vmem>>)
      %run_scoped3A_124 = arith.constant 1 : i32
      "tpu.region"() ({
        %run_scoped3A_383 = tpu.sem_alloc : memref<!tpu.dma_semaphore, #tpu.memory_space<semaphore_mem>>
        %dma_start3A_384 = arith.constant 0 : i32
        %dma_start3A_385 = tpu.memref_slice %arg9[%run_scoped3A_124, %dma_start3A_384] : memref<8x128xi32, #tpu.memory_space<vmem>> -> memref<1x128xi32, #tpu.memory_space<vmem>>
        %dma_start3A_386 = tpu.memref_squeeze %dma_start3A_385 : memref<1x128xi32, #tpu.memory_space<vmem>> -> memref<128xi32, #tpu.memory_space<vmem>>
        %dma_start3A_387 = arith.constant 0 : i32
        %dma_start3A_388 = arith.constant 0 : i32
        %dma_start3A_389 = tpu.memref_slice %arg13[%dma_start3A_387, %dma_start3A_388] : memref<10112x128xf32, #tpu.memory_space<vmem_shared>> -> memref<10112x128xf32, #tpu.memory_space<vmem_shared>>
        tpu.enqueue_indirect_dma source(%arg12 : memref<128x128xf32, #tpu.memory_space<vmem>>) target(%dma_start3A_389 : memref<10112x128xf32, #tpu.memory_space<vmem_shared>>) offsets(%dma_start3A_386 : memref<128xi32, #tpu.memory_space<vmem>>) semaphore(%run_scoped3A_383 : memref<!tpu.dma_semaphore, #tpu.memory_space<semaphore_mem>>) {add = true}
        %dma_wait3A_390 = arith.constant 0 : i32
        %dma_wait3A_391 = tpu.memref_slice %arg9[%run_scoped3A_124, %dma_wait3A_390] : memref<8x128xi32, #tpu.memory_space<vmem>> -> memref<1x128xi32, #tpu.memory_space<vmem>>
        %dma_wait3A_392 = tpu.memref_squeeze %dma_wait3A_391 : memref<1x128xi32, #tpu.memory_space<vmem>> -> memref<128xi32, #tpu.memory_space<vmem>>
        %dma_wait3A_393 = arith.constant 0 : i32
        %dma_wait3A_394 = arith.constant 0 : i32
        %dma_wait3A_395 = tpu.memref_slice %arg13[%dma_wait3A_393, %dma_wait3A_394] : memref<10112x128xf32, #tpu.memory_space<vmem_shared>> -> memref<10112x128xf32, #tpu.memory_space<vmem_shared>>
        tpu.wait_indirect_dma semaphore(%run_scoped3A_383 : memref<!tpu.dma_semaphore, #tpu.memory_space<semaphore_mem>>) src(%arg12 : memref<128x128xf32, #tpu.memory_space<vmem>>) dst(%dma_wait3A_395 : memref<10112x128xf32, #tpu.memory_space<vmem_shared>>)
        tpu.yield
      }) : () -> ()
      %add3A_125 = arith.constant 2 : i32
      %add3A_126 = arith.addi %add3A_116, %add3A_125 : i32
      %lt3A_127 = arith.cmpi slt, %add3A_126, %select_n3A : i32
      %convert_element_type3A_128 = arith.extui %lt3A_127 : i1 to i32
      %cond3A_129 = arith.constant 0 : i32
      %cond3A_130 = arith.cmpi ne, %convert_element_type3A_128, %cond3A_129 : i32
      scf.if %cond3A_130 {
        %dma_start3A_383 = arith.constant 3 : i32
        %dma_start3A_384 = arith.constant 0 : i32
        %dma_start3A_385 = tpu.memref_slice %arg7[%dma_start3A_383, %dma_start3A_384] : memref<8x128xi32, #tpu.memory_space<vmem>> -> memref<1x128xi32, #tpu.memory_space<vmem>>
        %dma_start3A_386 = tpu.memref_squeeze %dma_start3A_385 : memref<1x128xi32, #tpu.memory_space<vmem>> -> memref<128xi32, #tpu.memory_space<vmem>>
        %dma_start3A_387 = arith.constant 0 : i32
        %dma_start3A_388 = arith.constant 0 : i32
        %dma_start3A_389 = tpu.memref_slice %arg4[%dma_start3A_387, %dma_start3A_388] : memref<10000x128xf32, #tpu.memory_space<hbm>> -> memref<10000x128xf32, #tpu.memory_space<hbm>>
        tpu.enqueue_indirect_dma source(%dma_start3A_389 : memref<10000x128xf32, #tpu.memory_space<hbm>>) target(%arg12 : memref<128x128xf32, #tpu.memory_space<vmem>>) offsets(%dma_start3A_386 : memref<128xi32, #tpu.memory_space<vmem>>) semaphore(%arg15 : memref<!tpu.dma_semaphore, #tpu.memory_space<semaphore_mem>>)
      } else {
      }
      %add3A_131 = arith.constant 2 : i32
      %add3A_132 = arith.addi %mul3A_102, %add3A_131 : i32
      %dma_wait3A_133 = arith.constant 2 : i32
      %dma_wait3A_134 = arith.constant 0 : i32
      %dma_wait3A_135 = tpu.memref_slice %arg7[%dma_wait3A_133, %dma_wait3A_134] : memref<8x128xi32, #tpu.memory_space<vmem>> -> memref<1x128xi32, #tpu.memory_space<vmem>>
      %dma_wait3A_136 = tpu.memref_squeeze %dma_wait3A_135 : memref<1x128xi32, #tpu.memory_space<vmem>> -> memref<128xi32, #tpu.memory_space<vmem>>
      %dma_wait3A_137 = arith.constant 0 : i32
      %dma_wait3A_138 = arith.constant 0 : i32
      %dma_wait3A_139 = tpu.memref_slice %arg4[%dma_wait3A_137, %dma_wait3A_138] : memref<10000x128xf32, #tpu.memory_space<hbm>> -> memref<10000x128xf32, #tpu.memory_space<hbm>>
      tpu.wait_indirect_dma semaphore(%arg14 : memref<!tpu.dma_semaphore, #tpu.memory_space<semaphore_mem>>) src(%dma_wait3A_139 : memref<10000x128xf32, #tpu.memory_space<hbm>>) dst(%arg11 : memref<128x128xf32, #tpu.memory_space<vmem>>)
      %run_scoped3A_140 = arith.constant 2 : i32
      "tpu.region"() ({
        %run_scoped3A_383 = tpu.sem_alloc : memref<!tpu.dma_semaphore, #tpu.memory_space<semaphore_mem>>
        %dma_start3A_384 = arith.constant 0 : i32
        %dma_start3A_385 = tpu.memref_slice %arg9[%run_scoped3A_140, %dma_start3A_384] : memref<8x128xi32, #tpu.memory_space<vmem>> -> memref<1x128xi32, #tpu.memory_space<vmem>>
        %dma_start3A_386 = tpu.memref_squeeze %dma_start3A_385 : memref<1x128xi32, #tpu.memory_space<vmem>> -> memref<128xi32, #tpu.memory_space<vmem>>
        %dma_start3A_387 = arith.constant 0 : i32
        %dma_start3A_388 = arith.constant 0 : i32
        %dma_start3A_389 = tpu.memref_slice %arg13[%dma_start3A_387, %dma_start3A_388] : memref<10112x128xf32, #tpu.memory_space<vmem_shared>> -> memref<10112x128xf32, #tpu.memory_space<vmem_shared>>
        tpu.enqueue_indirect_dma source(%arg11 : memref<128x128xf32, #tpu.memory_space<vmem>>) target(%dma_start3A_389 : memref<10112x128xf32, #tpu.memory_space<vmem_shared>>) offsets(%dma_start3A_386 : memref<128xi32, #tpu.memory_space<vmem>>) semaphore(%run_scoped3A_383 : memref<!tpu.dma_semaphore, #tpu.memory_space<semaphore_mem>>) {add = true}
        %dma_wait3A_390 = arith.constant 0 : i32
        %dma_wait3A_391 = tpu.memref_slice %arg9[%run_scoped3A_140, %dma_wait3A_390] : memref<8x128xi32, #tpu.memory_space<vmem>> -> memref<1x128xi32, #tpu.memory_space<vmem>>
        %dma_wait3A_392 = tpu.memref_squeeze %dma_wait3A_391 : memref<1x128xi32, #tpu.memory_space<vmem>> -> memref<128xi32, #tpu.memory_space<vmem>>
        %dma_wait3A_393 = arith.constant 0 : i32
        %dma_wait3A_394 = arith.constant 0 : i32
        %dma_wait3A_395 = tpu.memref_slice %arg13[%dma_wait3A_393, %dma_wait3A_394] : memref<10112x128xf32, #tpu.memory_space<vmem_shared>> -> memref<10112x128xf32, #tpu.memory_space<vmem_shared>>
        tpu.wait_indirect_dma semaphore(%run_scoped3A_383 : memref<!tpu.dma_semaphore, #tpu.memory_space<semaphore_mem>>) src(%arg11 : memref<128x128xf32, #tpu.memory_space<vmem>>) dst(%dma_wait3A_395 : memref<10112x128xf32, #tpu.memory_space<vmem_shared>>)
        tpu.yield
      }) : () -> ()
      %add3A_141 = arith.constant 2 : i32
      %add3A_142 = arith.addi %add3A_132, %add3A_141 : i32
      %lt3A_143 = arith.cmpi slt, %add3A_142, %select_n3A : i32
      %convert_element_type3A_144 = arith.extui %lt3A_143 : i1 to i32
      %cond3A_145 = arith.constant 0 : i32
      %cond3A_146 = arith.cmpi ne, %convert_element_type3A_144, %cond3A_145 : i32
      scf.if %cond3A_146 {
        %dma_start3A_383 = arith.constant 4 : i32
        %dma_start3A_384 = arith.constant 0 : i32
        %dma_start3A_385 = tpu.memref_slice %arg7[%dma_start3A_383, %dma_start3A_384] : memref<8x128xi32, #tpu.memory_space<vmem>> -> memref<1x128xi32, #tpu.memory_space<vmem>>
        %dma_start3A_386 = tpu.memref_squeeze %dma_start3A_385 : memref<1x128xi32, #tpu.memory_space<vmem>> -> memref<128xi32, #tpu.memory_space<vmem>>
        %dma_start3A_387 = arith.constant 0 : i32
        %dma_start3A_388 = arith.constant 0 : i32
        %dma_start3A_389 = tpu.memref_slice %arg4[%dma_start3A_387, %dma_start3A_388] : memref<10000x128xf32, #tpu.memory_space<hbm>> -> memref<10000x128xf32, #tpu.memory_space<hbm>>
        tpu.enqueue_indirect_dma source(%dma_start3A_389 : memref<10000x128xf32, #tpu.memory_space<hbm>>) target(%arg11 : memref<128x128xf32, #tpu.memory_space<vmem>>) offsets(%dma_start3A_386 : memref<128xi32, #tpu.memory_space<vmem>>) semaphore(%arg14 : memref<!tpu.dma_semaphore, #tpu.memory_space<semaphore_mem>>)
      } else {
      }
      %add3A_147 = arith.constant 3 : i32
      %add3A_148 = arith.addi %mul3A_102, %add3A_147 : i32
      %dma_wait3A_149 = arith.constant 3 : i32
      %dma_wait3A_150 = arith.constant 0 : i32
      %dma_wait3A_151 = tpu.memref_slice %arg7[%dma_wait3A_149, %dma_wait3A_150] : memref<8x128xi32, #tpu.memory_space<vmem>> -> memref<1x128xi32, #tpu.memory_space<vmem>>
      %dma_wait3A_152 = tpu.memref_squeeze %dma_wait3A_151 : memref<1x128xi32, #tpu.memory_space<vmem>> -> memref<128xi32, #tpu.memory_space<vmem>>
      %dma_wait3A_153 = arith.constant 0 : i32
      %dma_wait3A_154 = arith.constant 0 : i32
      %dma_wait3A_155 = tpu.memref_slice %arg4[%dma_wait3A_153, %dma_wait3A_154] : memref<10000x128xf32, #tpu.memory_space<hbm>> -> memref<10000x128xf32, #tpu.memory_space<hbm>>
      tpu.wait_indirect_dma semaphore(%arg15 : memref<!tpu.dma_semaphore, #tpu.memory_space<semaphore_mem>>) src(%dma_wait3A_155 : memref<10000x128xf32, #tpu.memory_space<hbm>>) dst(%arg12 : memref<128x128xf32, #tpu.memory_space<vmem>>)
      %run_scoped3A_156 = arith.constant 3 : i32
      "tpu.region"() ({
        %run_scoped3A_383 = tpu.sem_alloc : memref<!tpu.dma_semaphore, #tpu.memory_space<semaphore_mem>>
        %dma_start3A_384 = arith.constant 0 : i32
        %dma_start3A_385 = tpu.memref_slice %arg9[%run_scoped3A_156, %dma_start3A_384] : memref<8x128xi32, #tpu.memory_space<vmem>> -> memref<1x128xi32, #tpu.memory_space<vmem>>
        %dma_start3A_386 = tpu.memref_squeeze %dma_start3A_385 : memref<1x128xi32, #tpu.memory_space<vmem>> -> memref<128xi32, #tpu.memory_space<vmem>>
        %dma_start3A_387 = arith.constant 0 : i32
        %dma_start3A_388 = arith.constant 0 : i32
        %dma_start3A_389 = tpu.memref_slice %arg13[%dma_start3A_387, %dma_start3A_388] : memref<10112x128xf32, #tpu.memory_space<vmem_shared>> -> memref<10112x128xf32, #tpu.memory_space<vmem_shared>>
        tpu.enqueue_indirect_dma source(%arg12 : memref<128x128xf32, #tpu.memory_space<vmem>>) target(%dma_start3A_389 : memref<10112x128xf32, #tpu.memory_space<vmem_shared>>) offsets(%dma_start3A_386 : memref<128xi32, #tpu.memory_space<vmem>>) semaphore(%run_scoped3A_383 : memref<!tpu.dma_semaphore, #tpu.memory_space<semaphore_mem>>) {add = true}
        %dma_wait3A_390 = arith.constant 0 : i32
        %dma_wait3A_391 = tpu.memref_slice %arg9[%run_scoped3A_156, %dma_wait3A_390] : memref<8x128xi32, #tpu.memory_space<vmem>> -> memref<1x128xi32, #tpu.memory_space<vmem>>
        %dma_wait3A_392 = tpu.memref_squeeze %dma_wait3A_391 : memref<1x128xi32, #tpu.memory_space<vmem>> -> memref<128xi32, #tpu.memory_space<vmem>>
        %dma_wait3A_393 = arith.constant 0 : i32
        %dma_wait3A_394 = arith.constant 0 : i32
        %dma_wait3A_395 = tpu.memref_slice %arg13[%dma_wait3A_393, %dma_wait3A_394] : memref<10112x128xf32, #tpu.memory_space<vmem_shared>> -> memref<10112x128xf32, #tpu.memory_space<vmem_shared>>
        tpu.wait_indirect_dma semaphore(%run_scoped3A_383 : memref<!tpu.dma_semaphore, #tpu.memory_space<semaphore_mem>>) src(%arg12 : memref<128x128xf32, #tpu.memory_space<vmem>>) dst(%dma_wait3A_395 : memref<10112x128xf32, #tpu.memory_space<vmem_shared>>)
        tpu.yield
      }) : () -> ()
      %add3A_157 = arith.constant 2 : i32
      %add3A_158 = arith.addi %add3A_148, %add3A_157 : i32
      %lt3A_159 = arith.cmpi slt, %add3A_158, %select_n3A : i32
      %convert_element_type3A_160 = arith.extui %lt3A_159 : i1 to i32
      %cond3A_161 = arith.constant 0 : i32
      %cond3A_162 = arith.cmpi ne, %convert_element_type3A_160, %cond3A_161 : i32
      scf.if %cond3A_162 {
        %dma_start3A_383 = arith.constant 5 : i32
        %dma_start3A_384 = arith.constant 0 : i32
        %dma_start3A_385 = tpu.memref_slice %arg7[%dma_start3A_383, %dma_start3A_384] : memref<8x128xi32, #tpu.memory_space<vmem>> -> memref<1x128xi32, #tpu.memory_space<vmem>>
        %dma_start3A_386 = tpu.memref_squeeze %dma_start3A_385 : memref<1x128xi32, #tpu.memory_space<vmem>> -> memref<128xi32, #tpu.memory_space<vmem>>
        %dma_start3A_387 = arith.constant 0 : i32
        %dma_start3A_388 = arith.constant 0 : i32
        %dma_start3A_389 = tpu.memref_slice %arg4[%dma_start3A_387, %dma_start3A_388] : memref<10000x128xf32, #tpu.memory_space<hbm>> -> memref<10000x128xf32, #tpu.memory_space<hbm>>
        tpu.enqueue_indirect_dma source(%dma_start3A_389 : memref<10000x128xf32, #tpu.memory_space<hbm>>) target(%arg12 : memref<128x128xf32, #tpu.memory_space<vmem>>) offsets(%dma_start3A_386 : memref<128xi32, #tpu.memory_space<vmem>>) semaphore(%arg15 : memref<!tpu.dma_semaphore, #tpu.memory_space<semaphore_mem>>)
      } else {
      }
      %add3A_163 = arith.constant 4 : i32
      %add3A_164 = arith.addi %mul3A_102, %add3A_163 : i32
      %dma_wait3A_165 = arith.constant 4 : i32
      %dma_wait3A_166 = arith.constant 0 : i32
      %dma_wait3A_167 = tpu.memref_slice %arg7[%dma_wait3A_165, %dma_wait3A_166] : memref<8x128xi32, #tpu.memory_space<vmem>> -> memref<1x128xi32, #tpu.memory_space<vmem>>
      %dma_wait3A_168 = tpu.memref_squeeze %dma_wait3A_167 : memref<1x128xi32, #tpu.memory_space<vmem>> -> memref<128xi32, #tpu.memory_space<vmem>>
      %dma_wait3A_169 = arith.constant 0 : i32
      %dma_wait3A_170 = arith.constant 0 : i32
      %dma_wait3A_171 = tpu.memref_slice %arg4[%dma_wait3A_169, %dma_wait3A_170] : memref<10000x128xf32, #tpu.memory_space<hbm>> -> memref<10000x128xf32, #tpu.memory_space<hbm>>
      tpu.wait_indirect_dma semaphore(%arg14 : memref<!tpu.dma_semaphore, #tpu.memory_space<semaphore_mem>>) src(%dma_wait3A_171 : memref<10000x128xf32, #tpu.memory_space<hbm>>) dst(%arg11 : memref<128x128xf32, #tpu.memory_space<vmem>>)
      %run_scoped3A_172 = arith.constant 4 : i32
      "tpu.region"() ({
        %run_scoped3A_383 = tpu.sem_alloc : memref<!tpu.dma_semaphore, #tpu.memory_space<semaphore_mem>>
        %dma_start3A_384 = arith.constant 0 : i32
        %dma_start3A_385 = tpu.memref_slice %arg9[%run_scoped3A_172, %dma_start3A_384] : memref<8x128xi32, #tpu.memory_space<vmem>> -> memref<1x128xi32, #tpu.memory_space<vmem>>
        %dma_start3A_386 = tpu.memref_squeeze %dma_start3A_385 : memref<1x128xi32, #tpu.memory_space<vmem>> -> memref<128xi32, #tpu.memory_space<vmem>>
        %dma_start3A_387 = arith.constant 0 : i32
        %dma_start3A_388 = arith.constant 0 : i32
        %dma_start3A_389 = tpu.memref_slice %arg13[%dma_start3A_387, %dma_start3A_388] : memref<10112x128xf32, #tpu.memory_space<vmem_shared>> -> memref<10112x128xf32, #tpu.memory_space<vmem_shared>>
        tpu.enqueue_indirect_dma source(%arg11 : memref<128x128xf32, #tpu.memory_space<vmem>>) target(%dma_start3A_389 : memref<10112x128xf32, #tpu.memory_space<vmem_shared>>) offsets(%dma_start3A_386 : memref<128xi32, #tpu.memory_space<vmem>>) semaphore(%run_scoped3A_383 : memref<!tpu.dma_semaphore, #tpu.memory_space<semaphore_mem>>) {add = true}
        %dma_wait3A_390 = arith.constant 0 : i32
        %dma_wait3A_391 = tpu.memref_slice %arg9[%run_scoped3A_172, %dma_wait3A_390] : memref<8x128xi32, #tpu.memory_space<vmem>> -> memref<1x128xi32, #tpu.memory_space<vmem>>
        %dma_wait3A_392 = tpu.memref_squeeze %dma_wait3A_391 : memref<1x128xi32, #tpu.memory_space<vmem>> -> memref<128xi32, #tpu.memory_space<vmem>>
        %dma_wait3A_393 = arith.constant 0 : i32
        %dma_wait3A_394 = arith.constant 0 : i32
        %dma_wait3A_395 = tpu.memref_slice %arg13[%dma_wait3A_393, %dma_wait3A_394] : memref<10112x128xf32, #tpu.memory_space<vmem_shared>> -> memref<10112x128xf32, #tpu.memory_space<vmem_shared>>
        tpu.wait_indirect_dma semaphore(%run_scoped3A_383 : memref<!tpu.dma_semaphore, #tpu.memory_space<semaphore_mem>>) src(%arg11 : memref<128x128xf32, #tpu.memory_space<vmem>>) dst(%dma_wait3A_395 : memref<10112x128xf32, #tpu.memory_space<vmem_shared>>)
        tpu.yield
      }) : () -> ()
      %add3A_173 = arith.constant 2 : i32
      %add3A_174 = arith.addi %add3A_164, %add3A_173 : i32
      %lt3A_175 = arith.cmpi slt, %add3A_174, %select_n3A : i32
      %convert_element_type3A_176 = arith.extui %lt3A_175 : i1 to i32
      %cond3A_177 = arith.constant 0 : i32
      %cond3A_178 = arith.cmpi ne, %convert_element_type3A_176, %cond3A_177 : i32
      scf.if %cond3A_178 {
        %dma_start3A_383 = arith.constant 6 : i32
        %dma_start3A_384 = arith.constant 0 : i32
        %dma_start3A_385 = tpu.memref_slice %arg7[%dma_start3A_383, %dma_start3A_384] : memref<8x128xi32, #tpu.memory_space<vmem>> -> memref<1x128xi32, #tpu.memory_space<vmem>>
        %dma_start3A_386 = tpu.memref_squeeze %dma_start3A_385 : memref<1x128xi32, #tpu.memory_space<vmem>> -> memref<128xi32, #tpu.memory_space<vmem>>
        %dma_start3A_387 = arith.constant 0 : i32
        %dma_start3A_388 = arith.constant 0 : i32
        %dma_start3A_389 = tpu.memref_slice %arg4[%dma_start3A_387, %dma_start3A_388] : memref<10000x128xf32, #tpu.memory_space<hbm>> -> memref<10000x128xf32, #tpu.memory_space<hbm>>
        tpu.enqueue_indirect_dma source(%dma_start3A_389 : memref<10000x128xf32, #tpu.memory_space<hbm>>) target(%arg11 : memref<128x128xf32, #tpu.memory_space<vmem>>) offsets(%dma_start3A_386 : memref<128xi32, #tpu.memory_space<vmem>>) semaphore(%arg14 : memref<!tpu.dma_semaphore, #tpu.memory_space<semaphore_mem>>)
      } else {
      }
      %add3A_179 = arith.constant 5 : i32
      %add3A_180 = arith.addi %mul3A_102, %add3A_179 : i32
      %dma_wait3A_181 = arith.constant 5 : i32
      %dma_wait3A_182 = arith.constant 0 : i32
      %dma_wait3A_183 = tpu.memref_slice %arg7[%dma_wait3A_181, %dma_wait3A_182] : memref<8x128xi32, #tpu.memory_space<vmem>> -> memref<1x128xi32, #tpu.memory_space<vmem>>
      %dma_wait3A_184 = tpu.memref_squeeze %dma_wait3A_183 : memref<1x128xi32, #tpu.memory_space<vmem>> -> memref<128xi32, #tpu.memory_space<vmem>>
      %dma_wait3A_185 = arith.constant 0 : i32
      %dma_wait3A_186 = arith.constant 0 : i32
      %dma_wait3A_187 = tpu.memref_slice %arg4[%dma_wait3A_185, %dma_wait3A_186] : memref<10000x128xf32, #tpu.memory_space<hbm>> -> memref<10000x128xf32, #tpu.memory_space<hbm>>
      tpu.wait_indirect_dma semaphore(%arg15 : memref<!tpu.dma_semaphore, #tpu.memory_space<semaphore_mem>>) src(%dma_wait3A_187 : memref<10000x128xf32, #tpu.memory_space<hbm>>) dst(%arg12 : memref<128x128xf32, #tpu.memory_space<vmem>>)
      %run_scoped3A_188 = arith.constant 5 : i32
      "tpu.region"() ({
        %run_scoped3A_383 = tpu.sem_alloc : memref<!tpu.dma_semaphore, #tpu.memory_space<semaphore_mem>>
        %dma_start3A_384 = arith.constant 0 : i32
        %dma_start3A_385 = tpu.memref_slice %arg9[%run_scoped3A_188, %dma_start3A_384] : memref<8x128xi32, #tpu.memory_space<vmem>> -> memref<1x128xi32, #tpu.memory_space<vmem>>
        %dma_start3A_386 = tpu.memref_squeeze %dma_start3A_385 : memref<1x128xi32, #tpu.memory_space<vmem>> -> memref<128xi32, #tpu.memory_space<vmem>>
        %dma_start3A_387 = arith.constant 0 : i32
        %dma_start3A_388 = arith.constant 0 : i32
        %dma_start3A_389 = tpu.memref_slice %arg13[%dma_start3A_387, %dma_start3A_388] : memref<10112x128xf32, #tpu.memory_space<vmem_shared>> -> memref<10112x128xf32, #tpu.memory_space<vmem_shared>>
        tpu.enqueue_indirect_dma source(%arg12 : memref<128x128xf32, #tpu.memory_space<vmem>>) target(%dma_start3A_389 : memref<10112x128xf32, #tpu.memory_space<vmem_shared>>) offsets(%dma_start3A_386 : memref<128xi32, #tpu.memory_space<vmem>>) semaphore(%run_scoped3A_383 : memref<!tpu.dma_semaphore, #tpu.memory_space<semaphore_mem>>) {add = true}
        %dma_wait3A_390 = arith.constant 0 : i32
        %dma_wait3A_391 = tpu.memref_slice %arg9[%run_scoped3A_188, %dma_wait3A_390] : memref<8x128xi32, #tpu.memory_space<vmem>> -> memref<1x128xi32, #tpu.memory_space<vmem>>
        %dma_wait3A_392 = tpu.memref_squeeze %dma_wait3A_391 : memref<1x128xi32, #tpu.memory_space<vmem>> -> memref<128xi32, #tpu.memory_space<vmem>>
        %dma_wait3A_393 = arith.constant 0 : i32
        %dma_wait3A_394 = arith.constant 0 : i32
        %dma_wait3A_395 = tpu.memref_slice %arg13[%dma_wait3A_393, %dma_wait3A_394] : memref<10112x128xf32, #tpu.memory_space<vmem_shared>> -> memref<10112x128xf32, #tpu.memory_space<vmem_shared>>
        tpu.wait_indirect_dma semaphore(%run_scoped3A_383 : memref<!tpu.dma_semaphore, #tpu.memory_space<semaphore_mem>>) src(%arg12 : memref<128x128xf32, #tpu.memory_space<vmem>>) dst(%dma_wait3A_395 : memref<10112x128xf32, #tpu.memory_space<vmem_shared>>)
        tpu.yield
      }) : () -> ()
      %add3A_189 = arith.constant 2 : i32
      %add3A_190 = arith.addi %add3A_180, %add3A_189 : i32
      %lt3A_191 = arith.cmpi slt, %add3A_190, %select_n3A : i32
      %convert_element_type3A_192 = arith.extui %lt3A_191 : i1 to i32
      %cond3A_193 = arith.constant 0 : i32
      %cond3A_194 = arith.cmpi ne, %convert_element_type3A_192, %cond3A_193 : i32
      scf.if %cond3A_194 {
        %dma_start3A_383 = arith.constant 7 : i32
        %dma_start3A_384 = arith.constant 0 : i32
        %dma_start3A_385 = tpu.memref_slice %arg7[%dma_start3A_383, %dma_start3A_384] : memref<8x128xi32, #tpu.memory_space<vmem>> -> memref<1x128xi32, #tpu.memory_space<vmem>>
        %dma_start3A_386 = tpu.memref_squeeze %dma_start3A_385 : memref<1x128xi32, #tpu.memory_space<vmem>> -> memref<128xi32, #tpu.memory_space<vmem>>
        %dma_start3A_387 = arith.constant 0 : i32
        %dma_start3A_388 = arith.constant 0 : i32
        %dma_start3A_389 = tpu.memref_slice %arg4[%dma_start3A_387, %dma_start3A_388] : memref<10000x128xf32, #tpu.memory_space<hbm>> -> memref<10000x128xf32, #tpu.memory_space<hbm>>
        tpu.enqueue_indirect_dma source(%dma_start3A_389 : memref<10000x128xf32, #tpu.memory_space<hbm>>) target(%arg12 : memref<128x128xf32, #tpu.memory_space<vmem>>) offsets(%dma_start3A_386 : memref<128xi32, #tpu.memory_space<vmem>>) semaphore(%arg15 : memref<!tpu.dma_semaphore, #tpu.memory_space<semaphore_mem>>)
      } else {
      }
      %add3A_195 = arith.constant 6 : i32
      %add3A_196 = arith.addi %mul3A_102, %add3A_195 : i32
      %dma_wait3A_197 = arith.constant 6 : i32
      %dma_wait3A_198 = arith.constant 0 : i32
      %dma_wait3A_199 = tpu.memref_slice %arg7[%dma_wait3A_197, %dma_wait3A_198] : memref<8x128xi32, #tpu.memory_space<vmem>> -> memref<1x128xi32, #tpu.memory_space<vmem>>
      %dma_wait3A_200 = tpu.memref_squeeze %dma_wait3A_199 : memref<1x128xi32, #tpu.memory_space<vmem>> -> memref<128xi32, #tpu.memory_space<vmem>>
      %dma_wait3A_201 = arith.constant 0 : i32
      %dma_wait3A_202 = arith.constant 0 : i32
      %dma_wait3A_203 = tpu.memref_slice %arg4[%dma_wait3A_201, %dma_wait3A_202] : memref<10000x128xf32, #tpu.memory_space<hbm>> -> memref<10000x128xf32, #tpu.memory_space<hbm>>
      tpu.wait_indirect_dma semaphore(%arg14 : memref<!tpu.dma_semaphore, #tpu.memory_space<semaphore_mem>>) src(%dma_wait3A_203 : memref<10000x128xf32, #tpu.memory_space<hbm>>) dst(%arg11 : memref<128x128xf32, #tpu.memory_space<vmem>>)
      %run_scoped3A_204 = arith.constant 6 : i32
      "tpu.region"() ({
        %run_scoped3A_383 = tpu.sem_alloc : memref<!tpu.dma_semaphore, #tpu.memory_space<semaphore_mem>>
        %dma_start3A_384 = arith.constant 0 : i32
        %dma_start3A_385 = tpu.memref_slice %arg9[%run_scoped3A_204, %dma_start3A_384] : memref<8x128xi32, #tpu.memory_space<vmem>> -> memref<1x128xi32, #tpu.memory_space<vmem>>
        %dma_start3A_386 = tpu.memref_squeeze %dma_start3A_385 : memref<1x128xi32, #tpu.memory_space<vmem>> -> memref<128xi32, #tpu.memory_space<vmem>>
        %dma_start3A_387 = arith.constant 0 : i32
        %dma_start3A_388 = arith.constant 0 : i32
        %dma_start3A_389 = tpu.memref_slice %arg13[%dma_start3A_387, %dma_start3A_388] : memref<10112x128xf32, #tpu.memory_space<vmem_shared>> -> memref<10112x128xf32, #tpu.memory_space<vmem_shared>>
        tpu.enqueue_indirect_dma source(%arg11 : memref<128x128xf32, #tpu.memory_space<vmem>>) target(%dma_start3A_389 : memref<10112x128xf32, #tpu.memory_space<vmem_shared>>) offsets(%dma_start3A_386 : memref<128xi32, #tpu.memory_space<vmem>>) semaphore(%run_scoped3A_383 : memref<!tpu.dma_semaphore, #tpu.memory_space<semaphore_mem>>) {add = true}
        %dma_wait3A_390 = arith.constant 0 : i32
        %dma_wait3A_391 = tpu.memref_slice %arg9[%run_scoped3A_204, %dma_wait3A_390] : memref<8x128xi32, #tpu.memory_space<vmem>> -> memref<1x128xi32, #tpu.memory_space<vmem>>
        %dma_wait3A_392 = tpu.memref_squeeze %dma_wait3A_391 : memref<1x128xi32, #tpu.memory_space<vmem>> -> memref<128xi32, #tpu.memory_space<vmem>>
        %dma_wait3A_393 = arith.constant 0 : i32
        %dma_wait3A_394 = arith.constant 0 : i32
        %dma_wait3A_395 = tpu.memref_slice %arg13[%dma_wait3A_393, %dma_wait3A_394] : memref<10112x128xf32, #tpu.memory_space<vmem_shared>> -> memref<10112x128xf32, #tpu.memory_space<vmem_shared>>
        tpu.wait_indirect_dma semaphore(%run_scoped3A_383 : memref<!tpu.dma_semaphore, #tpu.memory_space<semaphore_mem>>) src(%arg11 : memref<128x128xf32, #tpu.memory_space<vmem>>) dst(%dma_wait3A_395 : memref<10112x128xf32, #tpu.memory_space<vmem_shared>>)
        tpu.yield
      }) : () -> ()
      %add3A_205 = arith.constant 8 : i32
      %add3A_206 = arith.addi %mul3A_102, %add3A_205 : i32
      %lt3A_207 = arith.cmpi slt, %add3A_206, %select_n3A : i32
      %convert_element_type3A_208 = arith.extui %lt3A_207 : i1 to i32
      %cond3A_209 = arith.constant 0 : i32
      %cond3A_210 = arith.cmpi ne, %convert_element_type3A_208, %cond3A_209 : i32
      scf.if %cond3A_210 {
        %dma_wait3A_383 = arith.constant 0 : i32
        %dma_wait3A_384 = tpu.memref_slice %arg2[%select_n3A_10, %dma_wait3A_383] : memref<2560x128xi32, #tpu.memory_space<hbm>> -> memref<8x128xi32, #tpu.memory_space<hbm>>
        %dma_wait3A_385 = arith.constant 0 : i32
        %dma_wait3A_386 = tpu.memref_slice %arg2[%select_n3A_10, %dma_wait3A_385] : memref<2560x128xi32, #tpu.memory_space<hbm>> -> memref<8x128xi32, #tpu.memory_space<hbm>>
        tpu.wait_dma2 semaphore(%arg17 : memref<!tpu.dma_semaphore, #tpu.memory_space<semaphore_mem>>) src(%dma_wait3A_386 : memref<8x128xi32, #tpu.memory_space<hbm>>) dst(%arg8 : memref<8x128xi32, #tpu.memory_space<vmem>>)
        %dma_wait3A_387 = arith.constant 0 : i32
        %dma_wait3A_388 = tpu.memref_slice %arg3[%select_n3A_10, %dma_wait3A_387] : memref<2560x128xi32, #tpu.memory_space<hbm>> -> memref<8x128xi32, #tpu.memory_space<hbm>>
        %dma_wait3A_389 = arith.constant 0 : i32
        %dma_wait3A_390 = tpu.memref_slice %arg3[%select_n3A_10, %dma_wait3A_389] : memref<2560x128xi32, #tpu.memory_space<hbm>> -> memref<8x128xi32, #tpu.memory_space<hbm>>
        tpu.wait_dma2 semaphore(%arg17 : memref<!tpu.dma_semaphore, #tpu.memory_space<semaphore_mem>>) src(%dma_wait3A_390 : memref<8x128xi32, #tpu.memory_space<hbm>>) dst(%arg10 : memref<8x128xi32, #tpu.memory_space<vmem>>)
      } else {
      }
      %add3A_211 = arith.constant 2 : i32
      %add3A_212 = arith.addi %add3A_196, %add3A_211 : i32
      %lt3A_213 = arith.cmpi slt, %add3A_212, %select_n3A : i32
      %convert_element_type3A_214 = arith.extui %lt3A_213 : i1 to i32
      %cond3A_215 = arith.constant 0 : i32
      %cond3A_216 = arith.cmpi ne, %convert_element_type3A_214, %cond3A_215 : i32
      scf.if %cond3A_216 {
        %dma_start3A_383 = arith.constant 0 : i32
        %dma_start3A_384 = arith.constant 0 : i32
        %dma_start3A_385 = tpu.memref_slice %arg8[%dma_start3A_383, %dma_start3A_384] : memref<8x128xi32, #tpu.memory_space<vmem>> -> memref<1x128xi32, #tpu.memory_space<vmem>>
        %dma_start3A_386 = tpu.memref_squeeze %dma_start3A_385 : memref<1x128xi32, #tpu.memory_space<vmem>> -> memref<128xi32, #tpu.memory_space<vmem>>
        %dma_start3A_387 = arith.constant 0 : i32
        %dma_start3A_388 = arith.constant 0 : i32
        %dma_start3A_389 = tpu.memref_slice %arg4[%dma_start3A_387, %dma_start3A_388] : memref<10000x128xf32, #tpu.memory_space<hbm>> -> memref<10000x128xf32, #tpu.memory_space<hbm>>
        tpu.enqueue_indirect_dma source(%dma_start3A_389 : memref<10000x128xf32, #tpu.memory_space<hbm>>) target(%arg11 : memref<128x128xf32, #tpu.memory_space<vmem>>) offsets(%dma_start3A_386 : memref<128xi32, #tpu.memory_space<vmem>>) semaphore(%arg14 : memref<!tpu.dma_semaphore, #tpu.memory_space<semaphore_mem>>)
      } else {
      }
      %add3A_217 = arith.constant 7 : i32
      %add3A_218 = arith.addi %mul3A_102, %add3A_217 : i32
      %dma_wait3A_219 = arith.constant 7 : i32
      %dma_wait3A_220 = arith.constant 0 : i32
      %dma_wait3A_221 = tpu.memref_slice %arg7[%dma_wait3A_219, %dma_wait3A_220] : memref<8x128xi32, #tpu.memory_space<vmem>> -> memref<1x128xi32, #tpu.memory_space<vmem>>
      %dma_wait3A_222 = tpu.memref_squeeze %dma_wait3A_221 : memref<1x128xi32, #tpu.memory_space<vmem>> -> memref<128xi32, #tpu.memory_space<vmem>>
      %dma_wait3A_223 = arith.constant 0 : i32
      %dma_wait3A_224 = arith.constant 0 : i32
      %dma_wait3A_225 = tpu.memref_slice %arg4[%dma_wait3A_223, %dma_wait3A_224] : memref<10000x128xf32, #tpu.memory_space<hbm>> -> memref<10000x128xf32, #tpu.memory_space<hbm>>
      tpu.wait_indirect_dma semaphore(%arg15 : memref<!tpu.dma_semaphore, #tpu.memory_space<semaphore_mem>>) src(%dma_wait3A_225 : memref<10000x128xf32, #tpu.memory_space<hbm>>) dst(%arg12 : memref<128x128xf32, #tpu.memory_space<vmem>>)
      %run_scoped3A_226 = arith.constant 7 : i32
      "tpu.region"() ({
        %run_scoped3A_383 = tpu.sem_alloc : memref<!tpu.dma_semaphore, #tpu.memory_space<semaphore_mem>>
        %dma_start3A_384 = arith.constant 0 : i32
        %dma_start3A_385 = tpu.memref_slice %arg9[%run_scoped3A_226, %dma_start3A_384] : memref<8x128xi32, #tpu.memory_space<vmem>> -> memref<1x128xi32, #tpu.memory_space<vmem>>
        %dma_start3A_386 = tpu.memref_squeeze %dma_start3A_385 : memref<1x128xi32, #tpu.memory_space<vmem>> -> memref<128xi32, #tpu.memory_space<vmem>>
        %dma_start3A_387 = arith.constant 0 : i32
        %dma_start3A_388 = arith.constant 0 : i32
        %dma_start3A_389 = tpu.memref_slice %arg13[%dma_start3A_387, %dma_start3A_388] : memref<10112x128xf32, #tpu.memory_space<vmem_shared>> -> memref<10112x128xf32, #tpu.memory_space<vmem_shared>>
        tpu.enqueue_indirect_dma source(%arg12 : memref<128x128xf32, #tpu.memory_space<vmem>>) target(%dma_start3A_389 : memref<10112x128xf32, #tpu.memory_space<vmem_shared>>) offsets(%dma_start3A_386 : memref<128xi32, #tpu.memory_space<vmem>>) semaphore(%run_scoped3A_383 : memref<!tpu.dma_semaphore, #tpu.memory_space<semaphore_mem>>) {add = true}
        %dma_wait3A_390 = arith.constant 0 : i32
        %dma_wait3A_391 = tpu.memref_slice %arg9[%run_scoped3A_226, %dma_wait3A_390] : memref<8x128xi32, #tpu.memory_space<vmem>> -> memref<1x128xi32, #tpu.memory_space<vmem>>
        %dma_wait3A_392 = tpu.memref_squeeze %dma_wait3A_391 : memref<1x128xi32, #tpu.memory_space<vmem>> -> memref<128xi32, #tpu.memory_space<vmem>>
        %dma_wait3A_393 = arith.constant 0 : i32
        %dma_wait3A_394 = arith.constant 0 : i32
        %dma_wait3A_395 = tpu.memref_slice %arg13[%dma_wait3A_393, %dma_wait3A_394] : memref<10112x128xf32, #tpu.memory_space<vmem_shared>> -> memref<10112x128xf32, #tpu.memory_space<vmem_shared>>
        tpu.wait_indirect_dma semaphore(%run_scoped3A_383 : memref<!tpu.dma_semaphore, #tpu.memory_space<semaphore_mem>>) src(%arg12 : memref<128x128xf32, #tpu.memory_space<vmem>>) dst(%dma_wait3A_395 : memref<10112x128xf32, #tpu.memory_space<vmem_shared>>)
        tpu.yield
      }) : () -> ()
      %add3A_227 = arith.constant 2 : i32
      %add3A_228 = arith.addi %add3A_218, %add3A_227 : i32
      %lt3A_229 = arith.cmpi slt, %add3A_228, %select_n3A : i32
      %convert_element_type3A_230 = arith.extui %lt3A_229 : i1 to i32
      %cond3A_231 = arith.constant 0 : i32
      %cond3A_232 = arith.cmpi ne, %convert_element_type3A_230, %cond3A_231 : i32
      scf.if %cond3A_232 {
        %dma_start3A_383 = arith.constant 1 : i32
        %dma_start3A_384 = arith.constant 0 : i32
        %dma_start3A_385 = tpu.memref_slice %arg8[%dma_start3A_383, %dma_start3A_384] : memref<8x128xi32, #tpu.memory_space<vmem>> -> memref<1x128xi32, #tpu.memory_space<vmem>>
        %dma_start3A_386 = tpu.memref_squeeze %dma_start3A_385 : memref<1x128xi32, #tpu.memory_space<vmem>> -> memref<128xi32, #tpu.memory_space<vmem>>
        %dma_start3A_387 = arith.constant 0 : i32
        %dma_start3A_388 = arith.constant 0 : i32
        %dma_start3A_389 = tpu.memref_slice %arg4[%dma_start3A_387, %dma_start3A_388] : memref<10000x128xf32, #tpu.memory_space<hbm>> -> memref<10000x128xf32, #tpu.memory_space<hbm>>
        tpu.enqueue_indirect_dma source(%dma_start3A_389 : memref<10000x128xf32, #tpu.memory_space<hbm>>) target(%arg12 : memref<128x128xf32, #tpu.memory_space<vmem>>) offsets(%dma_start3A_386 : memref<128xi32, #tpu.memory_space<vmem>>) semaphore(%arg15 : memref<!tpu.dma_semaphore, #tpu.memory_space<semaphore_mem>>)
      } else {
      }
      %add3A_233 = arith.constant 16 : i32
      %add3A_234 = arith.addi %mul3A_102, %add3A_233 : i32
      %lt3A_235 = arith.cmpi slt, %add3A_234, %select_n3A : i32
      %convert_element_type3A_236 = arith.extui %lt3A_235 : i1 to i32
      %cond3A_237 = arith.constant 0 : i32
      %cond3A_238 = arith.cmpi ne, %convert_element_type3A_236, %cond3A_237 : i32
      scf.if %cond3A_238 {
        %add3A_383 = arith.addi %select_n3A_10, %mul3A_102 : i32
        %add3A_384 = arith.constant 16 : i32
        %add3A_385 = arith.addi %add3A_383, %add3A_384 : i32
        %dma_start3A_386 = arith.constant 0 : i32
        %dma_start3A_387 = tpu.memref_slice %arg2[%add3A_385, %dma_start3A_386] : memref<2560x128xi32, #tpu.memory_space<hbm>> -> memref<8x128xi32, #tpu.memory_space<hbm>>
        %dma_start3A_388 = arith.constant 0 : i32
        %dma_start3A_389 = tpu.memref_slice %arg2[%add3A_385, %dma_start3A_388] : memref<2560x128xi32, #tpu.memory_space<hbm>> -> memref<8x128xi32, #tpu.memory_space<hbm>>
        tpu.enqueue_dma source(%dma_start3A_389 : memref<8x128xi32, #tpu.memory_space<hbm>>) target(%arg7 : memref<8x128xi32, #tpu.memory_space<vmem>>) target_semaphore(%arg16 : memref<!tpu.dma_semaphore, #tpu.memory_space<semaphore_mem>>)
        %dma_start3A_390 = arith.constant 0 : i32
        %dma_start3A_391 = tpu.memref_slice %arg3[%add3A_385, %dma_start3A_390] : memref<2560x128xi32, #tpu.memory_space<hbm>> -> memref<8x128xi32, #tpu.memory_space<hbm>>
        %dma_start3A_392 = arith.constant 0 : i32
        %dma_start3A_393 = tpu.memref_slice %arg3[%add3A_385, %dma_start3A_392] : memref<2560x128xi32, #tpu.memory_space<hbm>> -> memref<8x128xi32, #tpu.memory_space<hbm>>
        tpu.enqueue_dma source(%dma_start3A_393 : memref<8x128xi32, #tpu.memory_space<hbm>>) target(%arg9 : memref<8x128xi32, #tpu.memory_space<vmem>>) target_semaphore(%arg16 : memref<!tpu.dma_semaphore, #tpu.memory_space<semaphore_mem>>)
      } else {
      }
      %add3A_239 = arith.constant 1 : i32
      %add3A_240 = arith.addi %add3A_98, %add3A_239 : i32
      %mul3A_241 = arith.constant 8 : i32
      %mul3A_242 = arith.muli %add3A_240, %mul3A_241 : i32
      %add3A_243 = arith.constant 0 : i32
      %add3A_244 = arith.addi %mul3A_242, %add3A_243 : i32
      %dma_wait3A_245 = arith.constant 0 : i32
      %dma_wait3A_246 = arith.constant 0 : i32
      %dma_wait3A_247 = tpu.memref_slice %arg8[%dma_wait3A_245, %dma_wait3A_246] : memref<8x128xi32, #tpu.memory_space<vmem>> -> memref<1x128xi32, #tpu.memory_space<vmem>>
      %dma_wait3A_248 = tpu.memref_squeeze %dma_wait3A_247 : memref<1x128xi32, #tpu.memory_space<vmem>> -> memref<128xi32, #tpu.memory_space<vmem>>
      %dma_wait3A_249 = arith.constant 0 : i32
      %dma_wait3A_250 = arith.constant 0 : i32
      %dma_wait3A_251 = tpu.memref_slice %arg4[%dma_wait3A_249, %dma_wait3A_250] : memref<10000x128xf32, #tpu.memory_space<hbm>> -> memref<10000x128xf32, #tpu.memory_space<hbm>>
      tpu.wait_indirect_dma semaphore(%arg14 : memref<!tpu.dma_semaphore, #tpu.memory_space<semaphore_mem>>) src(%dma_wait3A_251 : memref<10000x128xf32, #tpu.memory_space<hbm>>) dst(%arg11 : memref<128x128xf32, #tpu.memory_space<vmem>>)
      %run_scoped3A_252 = arith.constant 0 : i32
      "tpu.region"() ({
        %run_scoped3A_383 = tpu.sem_alloc : memref<!tpu.dma_semaphore, #tpu.memory_space<semaphore_mem>>
        %dma_start3A_384 = arith.constant 0 : i32
        %dma_start3A_385 = tpu.memref_slice %arg10[%run_scoped3A_252, %dma_start3A_384] : memref<8x128xi32, #tpu.memory_space<vmem>> -> memref<1x128xi32, #tpu.memory_space<vmem>>
        %dma_start3A_386 = tpu.memref_squeeze %dma_start3A_385 : memref<1x128xi32, #tpu.memory_space<vmem>> -> memref<128xi32, #tpu.memory_space<vmem>>
        %dma_start3A_387 = arith.constant 0 : i32
        %dma_start3A_388 = arith.constant 0 : i32
        %dma_start3A_389 = tpu.memref_slice %arg13[%dma_start3A_387, %dma_start3A_388] : memref<10112x128xf32, #tpu.memory_space<vmem_shared>> -> memref<10112x128xf32, #tpu.memory_space<vmem_shared>>
        tpu.enqueue_indirect_dma source(%arg11 : memref<128x128xf32, #tpu.memory_space<vmem>>) target(%dma_start3A_389 : memref<10112x128xf32, #tpu.memory_space<vmem_shared>>) offsets(%dma_start3A_386 : memref<128xi32, #tpu.memory_space<vmem>>) semaphore(%run_scoped3A_383 : memref<!tpu.dma_semaphore, #tpu.memory_space<semaphore_mem>>) {add = true}
        %dma_wait3A_390 = arith.constant 0 : i32
        %dma_wait3A_391 = tpu.memref_slice %arg10[%run_scoped3A_252, %dma_wait3A_390] : memref<8x128xi32, #tpu.memory_space<vmem>> -> memref<1x128xi32, #tpu.memory_space<vmem>>
        %dma_wait3A_392 = tpu.memref_squeeze %dma_wait3A_391 : memref<1x128xi32, #tpu.memory_space<vmem>> -> memref<128xi32, #tpu.memory_space<vmem>>
        %dma_wait3A_393 = arith.constant 0 : i32
        %dma_wait3A_394 = arith.constant 0 : i32
        %dma_wait3A_395 = tpu.memref_slice %arg13[%dma_wait3A_393, %dma_wait3A_394] : memref<10112x128xf32, #tpu.memory_space<vmem_shared>> -> memref<10112x128xf32, #tpu.memory_space<vmem_shared>>
        tpu.wait_indirect_dma semaphore(%run_scoped3A_383 : memref<!tpu.dma_semaphore, #tpu.memory_space<semaphore_mem>>) src(%arg11 : memref<128x128xf32, #tpu.memory_space<vmem>>) dst(%dma_wait3A_395 : memref<10112x128xf32, #tpu.memory_space<vmem_shared>>)
        tpu.yield
      }) : () -> ()
      %add3A_253 = arith.constant 2 : i32
      %add3A_254 = arith.addi %add3A_244, %add3A_253 : i32
      %lt3A_255 = arith.cmpi slt, %add3A_254, %select_n3A : i32
      %convert_element_type3A_256 = arith.extui %lt3A_255 : i1 to i32
      %cond3A_257 = arith.constant 0 : i32
      %cond3A_258 = arith.cmpi ne, %convert_element_type3A_256, %cond3A_257 : i32
      scf.if %cond3A_258 {
        %dma_start3A_383 = arith.constant 2 : i32
        %dma_start3A_384 = arith.constant 0 : i32
        %dma_start3A_385 = tpu.memref_slice %arg8[%dma_start3A_383, %dma_start3A_384] : memref<8x128xi32, #tpu.memory_space<vmem>> -> memref<1x128xi32, #tpu.memory_space<vmem>>
        %dma_start3A_386 = tpu.memref_squeeze %dma_start3A_385 : memref<1x128xi32, #tpu.memory_space<vmem>> -> memref<128xi32, #tpu.memory_space<vmem>>
        %dma_start3A_387 = arith.constant 0 : i32
        %dma_start3A_388 = arith.constant 0 : i32
        %dma_start3A_389 = tpu.memref_slice %arg4[%dma_start3A_387, %dma_start3A_388] : memref<10000x128xf32, #tpu.memory_space<hbm>> -> memref<10000x128xf32, #tpu.memory_space<hbm>>
        tpu.enqueue_indirect_dma source(%dma_start3A_389 : memref<10000x128xf32, #tpu.memory_space<hbm>>) target(%arg11 : memref<128x128xf32, #tpu.memory_space<vmem>>) offsets(%dma_start3A_386 : memref<128xi32, #tpu.memory_space<vmem>>) semaphore(%arg14 : memref<!tpu.dma_semaphore, #tpu.memory_space<semaphore_mem>>)
      } else {
      }
      %add3A_259 = arith.constant 1 : i32
      %add3A_260 = arith.addi %mul3A_242, %add3A_259 : i32
      %dma_wait3A_261 = arith.constant 1 : i32
      %dma_wait3A_262 = arith.constant 0 : i32
      %dma_wait3A_263 = tpu.memref_slice %arg8[%dma_wait3A_261, %dma_wait3A_262] : memref<8x128xi32, #tpu.memory_space<vmem>> -> memref<1x128xi32, #tpu.memory_space<vmem>>
      %dma_wait3A_264 = tpu.memref_squeeze %dma_wait3A_263 : memref<1x128xi32, #tpu.memory_space<vmem>> -> memref<128xi32, #tpu.memory_space<vmem>>
      %dma_wait3A_265 = arith.constant 0 : i32
      %dma_wait3A_266 = arith.constant 0 : i32
      %dma_wait3A_267 = tpu.memref_slice %arg4[%dma_wait3A_265, %dma_wait3A_266] : memref<10000x128xf32, #tpu.memory_space<hbm>> -> memref<10000x128xf32, #tpu.memory_space<hbm>>
      tpu.wait_indirect_dma semaphore(%arg15 : memref<!tpu.dma_semaphore, #tpu.memory_space<semaphore_mem>>) src(%dma_wait3A_267 : memref<10000x128xf32, #tpu.memory_space<hbm>>) dst(%arg12 : memref<128x128xf32, #tpu.memory_space<vmem>>)
      %run_scoped3A_268 = arith.constant 1 : i32
      "tpu.region"() ({
        %run_scoped3A_383 = tpu.sem_alloc : memref<!tpu.dma_semaphore, #tpu.memory_space<semaphore_mem>>
        %dma_start3A_384 = arith.constant 0 : i32
        %dma_start3A_385 = tpu.memref_slice %arg10[%run_scoped3A_268, %dma_start3A_384] : memref<8x128xi32, #tpu.memory_space<vmem>> -> memref<1x128xi32, #tpu.memory_space<vmem>>
        %dma_start3A_386 = tpu.memref_squeeze %dma_start3A_385 : memref<1x128xi32, #tpu.memory_space<vmem>> -> memref<128xi32, #tpu.memory_space<vmem>>
        %dma_start3A_387 = arith.constant 0 : i32
        %dma_start3A_388 = arith.constant 0 : i32
        %dma_start3A_389 = tpu.memref_slice %arg13[%dma_start3A_387, %dma_start3A_388] : memref<10112x128xf32, #tpu.memory_space<vmem_shared>> -> memref<10112x128xf32, #tpu.memory_space<vmem_shared>>
        tpu.enqueue_indirect_dma source(%arg12 : memref<128x128xf32, #tpu.memory_space<vmem>>) target(%dma_start3A_389 : memref<10112x128xf32, #tpu.memory_space<vmem_shared>>) offsets(%dma_start3A_386 : memref<128xi32, #tpu.memory_space<vmem>>) semaphore(%run_scoped3A_383 : memref<!tpu.dma_semaphore, #tpu.memory_space<semaphore_mem>>) {add = true}
        %dma_wait3A_390 = arith.constant 0 : i32
        %dma_wait3A_391 = tpu.memref_slice %arg10[%run_scoped3A_268, %dma_wait3A_390] : memref<8x128xi32, #tpu.memory_space<vmem>> -> memref<1x128xi32, #tpu.memory_space<vmem>>
        %dma_wait3A_392 = tpu.memref_squeeze %dma_wait3A_391 : memref<1x128xi32, #tpu.memory_space<vmem>> -> memref<128xi32, #tpu.memory_space<vmem>>
        %dma_wait3A_393 = arith.constant 0 : i32
        %dma_wait3A_394 = arith.constant 0 : i32
        %dma_wait3A_395 = tpu.memref_slice %arg13[%dma_wait3A_393, %dma_wait3A_394] : memref<10112x128xf32, #tpu.memory_space<vmem_shared>> -> memref<10112x128xf32, #tpu.memory_space<vmem_shared>>
        tpu.wait_indirect_dma semaphore(%run_scoped3A_383 : memref<!tpu.dma_semaphore, #tpu.memory_space<semaphore_mem>>) src(%arg12 : memref<128x128xf32, #tpu.memory_space<vmem>>) dst(%dma_wait3A_395 : memref<10112x128xf32, #tpu.memory_space<vmem_shared>>)
        tpu.yield
      }) : () -> ()
      %add3A_269 = arith.constant 2 : i32
      %add3A_270 = arith.addi %add3A_260, %add3A_269 : i32
      %lt3A_271 = arith.cmpi slt, %add3A_270, %select_n3A : i32
      %convert_element_type3A_272 = arith.extui %lt3A_271 : i1 to i32
      %cond3A_273 = arith.constant 0 : i32
      %cond3A_274 = arith.cmpi ne, %convert_element_type3A_272, %cond3A_273 : i32
      scf.if %cond3A_274 {
        %dma_start3A_383 = arith.constant 3 : i32
        %dma_start3A_384 = arith.constant 0 : i32
        %dma_start3A_385 = tpu.memref_slice %arg8[%dma_start3A_383, %dma_start3A_384] : memref<8x128xi32, #tpu.memory_space<vmem>> -> memref<1x128xi32, #tpu.memory_space<vmem>>
        %dma_start3A_386 = tpu.memref_squeeze %dma_start3A_385 : memref<1x128xi32, #tpu.memory_space<vmem>> -> memref<128xi32, #tpu.memory_space<vmem>>
        %dma_start3A_387 = arith.constant 0 : i32
        %dma_start3A_388 = arith.constant 0 : i32
        %dma_start3A_389 = tpu.memref_slice %arg4[%dma_start3A_387, %dma_start3A_388] : memref<10000x128xf32, #tpu.memory_space<hbm>> -> memref<10000x128xf32, #tpu.memory_space<hbm>>
        tpu.enqueue_indirect_dma source(%dma_start3A_389 : memref<10000x128xf32, #tpu.memory_space<hbm>>) target(%arg12 : memref<128x128xf32, #tpu.memory_space<vmem>>) offsets(%dma_start3A_386 : memref<128xi32, #tpu.memory_space<vmem>>) semaphore(%arg15 : memref<!tpu.dma_semaphore, #tpu.memory_space<semaphore_mem>>)
      } else {
      }
      %add3A_275 = arith.constant 2 : i32
      %add3A_276 = arith.addi %mul3A_242, %add3A_275 : i32
      %dma_wait3A_277 = arith.constant 2 : i32
      %dma_wait3A_278 = arith.constant 0 : i32
      %dma_wait3A_279 = tpu.memref_slice %arg8[%dma_wait3A_277, %dma_wait3A_278] : memref<8x128xi32, #tpu.memory_space<vmem>> -> memref<1x128xi32, #tpu.memory_space<vmem>>
      %dma_wait3A_280 = tpu.memref_squeeze %dma_wait3A_279 : memref<1x128xi32, #tpu.memory_space<vmem>> -> memref<128xi32, #tpu.memory_space<vmem>>
      %dma_wait3A_281 = arith.constant 0 : i32
      %dma_wait3A_282 = arith.constant 0 : i32
      %dma_wait3A_283 = tpu.memref_slice %arg4[%dma_wait3A_281, %dma_wait3A_282] : memref<10000x128xf32, #tpu.memory_space<hbm>> -> memref<10000x128xf32, #tpu.memory_space<hbm>>
      tpu.wait_indirect_dma semaphore(%arg14 : memref<!tpu.dma_semaphore, #tpu.memory_space<semaphore_mem>>) src(%dma_wait3A_283 : memref<10000x128xf32, #tpu.memory_space<hbm>>) dst(%arg11 : memref<128x128xf32, #tpu.memory_space<vmem>>)
      %run_scoped3A_284 = arith.constant 2 : i32
      "tpu.region"() ({
        %run_scoped3A_383 = tpu.sem_alloc : memref<!tpu.dma_semaphore, #tpu.memory_space<semaphore_mem>>
        %dma_start3A_384 = arith.constant 0 : i32
        %dma_start3A_385 = tpu.memref_slice %arg10[%run_scoped3A_284, %dma_start3A_384] : memref<8x128xi32, #tpu.memory_space<vmem>> -> memref<1x128xi32, #tpu.memory_space<vmem>>
        %dma_start3A_386 = tpu.memref_squeeze %dma_start3A_385 : memref<1x128xi32, #tpu.memory_space<vmem>> -> memref<128xi32, #tpu.memory_space<vmem>>
        %dma_start3A_387 = arith.constant 0 : i32
        %dma_start3A_388 = arith.constant 0 : i32
        %dma_start3A_389 = tpu.memref_slice %arg13[%dma_start3A_387, %dma_start3A_388] : memref<10112x128xf32, #tpu.memory_space<vmem_shared>> -> memref<10112x128xf32, #tpu.memory_space<vmem_shared>>
        tpu.enqueue_indirect_dma source(%arg11 : memref<128x128xf32, #tpu.memory_space<vmem>>) target(%dma_start3A_389 : memref<10112x128xf32, #tpu.memory_space<vmem_shared>>) offsets(%dma_start3A_386 : memref<128xi32, #tpu.memory_space<vmem>>) semaphore(%run_scoped3A_383 : memref<!tpu.dma_semaphore, #tpu.memory_space<semaphore_mem>>) {add = true}
        %dma_wait3A_390 = arith.constant 0 : i32
        %dma_wait3A_391 = tpu.memref_slice %arg10[%run_scoped3A_284, %dma_wait3A_390] : memref<8x128xi32, #tpu.memory_space<vmem>> -> memref<1x128xi32, #tpu.memory_space<vmem>>
        %dma_wait3A_392 = tpu.memref_squeeze %dma_wait3A_391 : memref<1x128xi32, #tpu.memory_space<vmem>> -> memref<128xi32, #tpu.memory_space<vmem>>
        %dma_wait3A_393 = arith.constant 0 : i32
        %dma_wait3A_394 = arith.constant 0 : i32
        %dma_wait3A_395 = tpu.memref_slice %arg13[%dma_wait3A_393, %dma_wait3A_394] : memref<10112x128xf32, #tpu.memory_space<vmem_shared>> -> memref<10112x128xf32, #tpu.memory_space<vmem_shared>>
        tpu.wait_indirect_dma semaphore(%run_scoped3A_383 : memref<!tpu.dma_semaphore, #tpu.memory_space<semaphore_mem>>) src(%arg11 : memref<128x128xf32, #tpu.memory_space<vmem>>) dst(%dma_wait3A_395 : memref<10112x128xf32, #tpu.memory_space<vmem_shared>>)
        tpu.yield
      }) : () -> ()
      %add3A_285 = arith.constant 2 : i32
      %add3A_286 = arith.addi %add3A_276, %add3A_285 : i32
      %lt3A_287 = arith.cmpi slt, %add3A_286, %select_n3A : i32
      %convert_element_type3A_288 = arith.extui %lt3A_287 : i1 to i32
      %cond3A_289 = arith.constant 0 : i32
      %cond3A_290 = arith.cmpi ne, %convert_element_type3A_288, %cond3A_289 : i32
      scf.if %cond3A_290 {
        %dma_start3A_383 = arith.constant 4 : i32
        %dma_start3A_384 = arith.constant 0 : i32
        %dma_start3A_385 = tpu.memref_slice %arg8[%dma_start3A_383, %dma_start3A_384] : memref<8x128xi32, #tpu.memory_space<vmem>> -> memref<1x128xi32, #tpu.memory_space<vmem>>
        %dma_start3A_386 = tpu.memref_squeeze %dma_start3A_385 : memref<1x128xi32, #tpu.memory_space<vmem>> -> memref<128xi32, #tpu.memory_space<vmem>>
        %dma_start3A_387 = arith.constant 0 : i32
        %dma_start3A_388 = arith.constant 0 : i32
        %dma_start3A_389 = tpu.memref_slice %arg4[%dma_start3A_387, %dma_start3A_388] : memref<10000x128xf32, #tpu.memory_space<hbm>> -> memref<10000x128xf32, #tpu.memory_space<hbm>>
        tpu.enqueue_indirect_dma source(%dma_start3A_389 : memref<10000x128xf32, #tpu.memory_space<hbm>>) target(%arg11 : memref<128x128xf32, #tpu.memory_space<vmem>>) offsets(%dma_start3A_386 : memref<128xi32, #tpu.memory_space<vmem>>) semaphore(%arg14 : memref<!tpu.dma_semaphore, #tpu.memory_space<semaphore_mem>>)
      } else {
      }
      %add3A_291 = arith.constant 3 : i32
      %add3A_292 = arith.addi %mul3A_242, %add3A_291 : i32
      %dma_wait3A_293 = arith.constant 3 : i32
      %dma_wait3A_294 = arith.constant 0 : i32
      %dma_wait3A_295 = tpu.memref_slice %arg8[%dma_wait3A_293, %dma_wait3A_294] : memref<8x128xi32, #tpu.memory_space<vmem>> -> memref<1x128xi32, #tpu.memory_space<vmem>>
      %dma_wait3A_296 = tpu.memref_squeeze %dma_wait3A_295 : memref<1x128xi32, #tpu.memory_space<vmem>> -> memref<128xi32, #tpu.memory_space<vmem>>
      %dma_wait3A_297 = arith.constant 0 : i32
      %dma_wait3A_298 = arith.constant 0 : i32
      %dma_wait3A_299 = tpu.memref_slice %arg4[%dma_wait3A_297, %dma_wait3A_298] : memref<10000x128xf32, #tpu.memory_space<hbm>> -> memref<10000x128xf32, #tpu.memory_space<hbm>>
      tpu.wait_indirect_dma semaphore(%arg15 : memref<!tpu.dma_semaphore, #tpu.memory_space<semaphore_mem>>) src(%dma_wait3A_299 : memref<10000x128xf32, #tpu.memory_space<hbm>>) dst(%arg12 : memref<128x128xf32, #tpu.memory_space<vmem>>)
      %run_scoped3A_300 = arith.constant 3 : i32
      "tpu.region"() ({
        %run_scoped3A_383 = tpu.sem_alloc : memref<!tpu.dma_semaphore, #tpu.memory_space<semaphore_mem>>
        %dma_start3A_384 = arith.constant 0 : i32
        %dma_start3A_385 = tpu.memref_slice %arg10[%run_scoped3A_300, %dma_start3A_384] : memref<8x128xi32, #tpu.memory_space<vmem>> -> memref<1x128xi32, #tpu.memory_space<vmem>>
        %dma_start3A_386 = tpu.memref_squeeze %dma_start3A_385 : memref<1x128xi32, #tpu.memory_space<vmem>> -> memref<128xi32, #tpu.memory_space<vmem>>
        %dma_start3A_387 = arith.constant 0 : i32
        %dma_start3A_388 = arith.constant 0 : i32
        %dma_start3A_389 = tpu.memref_slice %arg13[%dma_start3A_387, %dma_start3A_388] : memref<10112x128xf32, #tpu.memory_space<vmem_shared>> -> memref<10112x128xf32, #tpu.memory_space<vmem_shared>>
        tpu.enqueue_indirect_dma source(%arg12 : memref<128x128xf32, #tpu.memory_space<vmem>>) target(%dma_start3A_389 : memref<10112x128xf32, #tpu.memory_space<vmem_shared>>) offsets(%dma_start3A_386 : memref<128xi32, #tpu.memory_space<vmem>>) semaphore(%run_scoped3A_383 : memref<!tpu.dma_semaphore, #tpu.memory_space<semaphore_mem>>) {add = true}
        %dma_wait3A_390 = arith.constant 0 : i32
        %dma_wait3A_391 = tpu.memref_slice %arg10[%run_scoped3A_300, %dma_wait3A_390] : memref<8x128xi32, #tpu.memory_space<vmem>> -> memref<1x128xi32, #tpu.memory_space<vmem>>
        %dma_wait3A_392 = tpu.memref_squeeze %dma_wait3A_391 : memref<1x128xi32, #tpu.memory_space<vmem>> -> memref<128xi32, #tpu.memory_space<vmem>>
        %dma_wait3A_393 = arith.constant 0 : i32
        %dma_wait3A_394 = arith.constant 0 : i32
        %dma_wait3A_395 = tpu.memref_slice %arg13[%dma_wait3A_393, %dma_wait3A_394] : memref<10112x128xf32, #tpu.memory_space<vmem_shared>> -> memref<10112x128xf32, #tpu.memory_space<vmem_shared>>
        tpu.wait_indirect_dma semaphore(%run_scoped3A_383 : memref<!tpu.dma_semaphore, #tpu.memory_space<semaphore_mem>>) src(%arg12 : memref<128x128xf32, #tpu.memory_space<vmem>>) dst(%dma_wait3A_395 : memref<10112x128xf32, #tpu.memory_space<vmem_shared>>)
        tpu.yield
      }) : () -> ()
      %add3A_301 = arith.constant 2 : i32
      %add3A_302 = arith.addi %add3A_292, %add3A_301 : i32
      %lt3A_303 = arith.cmpi slt, %add3A_302, %select_n3A : i32
      %convert_element_type3A_304 = arith.extui %lt3A_303 : i1 to i32
      %cond3A_305 = arith.constant 0 : i32
      %cond3A_306 = arith.cmpi ne, %convert_element_type3A_304, %cond3A_305 : i32
      scf.if %cond3A_306 {
        %dma_start3A_383 = arith.constant 5 : i32
        %dma_start3A_384 = arith.constant 0 : i32
        %dma_start3A_385 = tpu.memref_slice %arg8[%dma_start3A_383, %dma_start3A_384] : memref<8x128xi32, #tpu.memory_space<vmem>> -> memref<1x128xi32, #tpu.memory_space<vmem>>
        %dma_start3A_386 = tpu.memref_squeeze %dma_start3A_385 : memref<1x128xi32, #tpu.memory_space<vmem>> -> memref<128xi32, #tpu.memory_space<vmem>>
        %dma_start3A_387 = arith.constant 0 : i32
        %dma_start3A_388 = arith.constant 0 : i32
        %dma_start3A_389 = tpu.memref_slice %arg4[%dma_start3A_387, %dma_start3A_388] : memref<10000x128xf32, #tpu.memory_space<hbm>> -> memref<10000x128xf32, #tpu.memory_space<hbm>>
        tpu.enqueue_indirect_dma source(%dma_start3A_389 : memref<10000x128xf32, #tpu.memory_space<hbm>>) target(%arg12 : memref<128x128xf32, #tpu.memory_space<vmem>>) offsets(%dma_start3A_386 : memref<128xi32, #tpu.memory_space<vmem>>) semaphore(%arg15 : memref<!tpu.dma_semaphore, #tpu.memory_space<semaphore_mem>>)
      } else {
      }
      %add3A_307 = arith.constant 4 : i32
      %add3A_308 = arith.addi %mul3A_242, %add3A_307 : i32
      %dma_wait3A_309 = arith.constant 4 : i32
      %dma_wait3A_310 = arith.constant 0 : i32
      %dma_wait3A_311 = tpu.memref_slice %arg8[%dma_wait3A_309, %dma_wait3A_310] : memref<8x128xi32, #tpu.memory_space<vmem>> -> memref<1x128xi32, #tpu.memory_space<vmem>>
      %dma_wait3A_312 = tpu.memref_squeeze %dma_wait3A_311 : memref<1x128xi32, #tpu.memory_space<vmem>> -> memref<128xi32, #tpu.memory_space<vmem>>
      %dma_wait3A_313 = arith.constant 0 : i32
      %dma_wait3A_314 = arith.constant 0 : i32
      %dma_wait3A_315 = tpu.memref_slice %arg4[%dma_wait3A_313, %dma_wait3A_314] : memref<10000x128xf32, #tpu.memory_space<hbm>> -> memref<10000x128xf32, #tpu.memory_space<hbm>>
      tpu.wait_indirect_dma semaphore(%arg14 : memref<!tpu.dma_semaphore, #tpu.memory_space<semaphore_mem>>) src(%dma_wait3A_315 : memref<10000x128xf32, #tpu.memory_space<hbm>>) dst(%arg11 : memref<128x128xf32, #tpu.memory_space<vmem>>)
      %run_scoped3A_316 = arith.constant 4 : i32
      "tpu.region"() ({
        %run_scoped3A_383 = tpu.sem_alloc : memref<!tpu.dma_semaphore, #tpu.memory_space<semaphore_mem>>
        %dma_start3A_384 = arith.constant 0 : i32
        %dma_start3A_385 = tpu.memref_slice %arg10[%run_scoped3A_316, %dma_start3A_384] : memref<8x128xi32, #tpu.memory_space<vmem>> -> memref<1x128xi32, #tpu.memory_space<vmem>>
        %dma_start3A_386 = tpu.memref_squeeze %dma_start3A_385 : memref<1x128xi32, #tpu.memory_space<vmem>> -> memref<128xi32, #tpu.memory_space<vmem>>
        %dma_start3A_387 = arith.constant 0 : i32
        %dma_start3A_388 = arith.constant 0 : i32
        %dma_start3A_389 = tpu.memref_slice %arg13[%dma_start3A_387, %dma_start3A_388] : memref<10112x128xf32, #tpu.memory_space<vmem_shared>> -> memref<10112x128xf32, #tpu.memory_space<vmem_shared>>
        tpu.enqueue_indirect_dma source(%arg11 : memref<128x128xf32, #tpu.memory_space<vmem>>) target(%dma_start3A_389 : memref<10112x128xf32, #tpu.memory_space<vmem_shared>>) offsets(%dma_start3A_386 : memref<128xi32, #tpu.memory_space<vmem>>) semaphore(%run_scoped3A_383 : memref<!tpu.dma_semaphore, #tpu.memory_space<semaphore_mem>>) {add = true}
        %dma_wait3A_390 = arith.constant 0 : i32
        %dma_wait3A_391 = tpu.memref_slice %arg10[%run_scoped3A_316, %dma_wait3A_390] : memref<8x128xi32, #tpu.memory_space<vmem>> -> memref<1x128xi32, #tpu.memory_space<vmem>>
        %dma_wait3A_392 = tpu.memref_squeeze %dma_wait3A_391 : memref<1x128xi32, #tpu.memory_space<vmem>> -> memref<128xi32, #tpu.memory_space<vmem>>
        %dma_wait3A_393 = arith.constant 0 : i32
        %dma_wait3A_394 = arith.constant 0 : i32
        %dma_wait3A_395 = tpu.memref_slice %arg13[%dma_wait3A_393, %dma_wait3A_394] : memref<10112x128xf32, #tpu.memory_space<vmem_shared>> -> memref<10112x128xf32, #tpu.memory_space<vmem_shared>>
        tpu.wait_indirect_dma semaphore(%run_scoped3A_383 : memref<!tpu.dma_semaphore, #tpu.memory_space<semaphore_mem>>) src(%arg11 : memref<128x128xf32, #tpu.memory_space<vmem>>) dst(%dma_wait3A_395 : memref<10112x128xf32, #tpu.memory_space<vmem_shared>>)
        tpu.yield
      }) : () -> ()
      %add3A_317 = arith.constant 2 : i32
      %add3A_318 = arith.addi %add3A_308, %add3A_317 : i32
      %lt3A_319 = arith.cmpi slt, %add3A_318, %select_n3A : i32
      %convert_element_type3A_320 = arith.extui %lt3A_319 : i1 to i32
      %cond3A_321 = arith.constant 0 : i32
      %cond3A_322 = arith.cmpi ne, %convert_element_type3A_320, %cond3A_321 : i32
      scf.if %cond3A_322 {
        %dma_start3A_383 = arith.constant 6 : i32
        %dma_start3A_384 = arith.constant 0 : i32
        %dma_start3A_385 = tpu.memref_slice %arg8[%dma_start3A_383, %dma_start3A_384] : memref<8x128xi32, #tpu.memory_space<vmem>> -> memref<1x128xi32, #tpu.memory_space<vmem>>
        %dma_start3A_386 = tpu.memref_squeeze %dma_start3A_385 : memref<1x128xi32, #tpu.memory_space<vmem>> -> memref<128xi32, #tpu.memory_space<vmem>>
        %dma_start3A_387 = arith.constant 0 : i32
        %dma_start3A_388 = arith.constant 0 : i32
        %dma_start3A_389 = tpu.memref_slice %arg4[%dma_start3A_387, %dma_start3A_388] : memref<10000x128xf32, #tpu.memory_space<hbm>> -> memref<10000x128xf32, #tpu.memory_space<hbm>>
        tpu.enqueue_indirect_dma source(%dma_start3A_389 : memref<10000x128xf32, #tpu.memory_space<hbm>>) target(%arg11 : memref<128x128xf32, #tpu.memory_space<vmem>>) offsets(%dma_start3A_386 : memref<128xi32, #tpu.memory_space<vmem>>) semaphore(%arg14 : memref<!tpu.dma_semaphore, #tpu.memory_space<semaphore_mem>>)
      } else {
      }
      %add3A_323 = arith.constant 5 : i32
      %add3A_324 = arith.addi %mul3A_242, %add3A_323 : i32
      %dma_wait3A_325 = arith.constant 5 : i32
      %dma_wait3A_326 = arith.constant 0 : i32
      %dma_wait3A_327 = tpu.memref_slice %arg8[%dma_wait3A_325, %dma_wait3A_326] : memref<8x128xi32, #tpu.memory_space<vmem>> -> memref<1x128xi32, #tpu.memory_space<vmem>>
      %dma_wait3A_328 = tpu.memref_squeeze %dma_wait3A_327 : memref<1x128xi32, #tpu.memory_space<vmem>> -> memref<128xi32, #tpu.memory_space<vmem>>
      %dma_wait3A_329 = arith.constant 0 : i32
      %dma_wait3A_330 = arith.constant 0 : i32
      %dma_wait3A_331 = tpu.memref_slice %arg4[%dma_wait3A_329, %dma_wait3A_330] : memref<10000x128xf32, #tpu.memory_space<hbm>> -> memref<10000x128xf32, #tpu.memory_space<hbm>>
      tpu.wait_indirect_dma semaphore(%arg15 : memref<!tpu.dma_semaphore, #tpu.memory_space<semaphore_mem>>) src(%dma_wait3A_331 : memref<10000x128xf32, #tpu.memory_space<hbm>>) dst(%arg12 : memref<128x128xf32, #tpu.memory_space<vmem>>)
      %run_scoped3A_332 = arith.constant 5 : i32
      "tpu.region"() ({
        %run_scoped3A_383 = tpu.sem_alloc : memref<!tpu.dma_semaphore, #tpu.memory_space<semaphore_mem>>
        %dma_start3A_384 = arith.constant 0 : i32
        %dma_start3A_385 = tpu.memref_slice %arg10[%run_scoped3A_332, %dma_start3A_384] : memref<8x128xi32, #tpu.memory_space<vmem>> -> memref<1x128xi32, #tpu.memory_space<vmem>>
        %dma_start3A_386 = tpu.memref_squeeze %dma_start3A_385 : memref<1x128xi32, #tpu.memory_space<vmem>> -> memref<128xi32, #tpu.memory_space<vmem>>
        %dma_start3A_387 = arith.constant 0 : i32
        %dma_start3A_388 = arith.constant 0 : i32
        %dma_start3A_389 = tpu.memref_slice %arg13[%dma_start3A_387, %dma_start3A_388] : memref<10112x128xf32, #tpu.memory_space<vmem_shared>> -> memref<10112x128xf32, #tpu.memory_space<vmem_shared>>
        tpu.enqueue_indirect_dma source(%arg12 : memref<128x128xf32, #tpu.memory_space<vmem>>) target(%dma_start3A_389 : memref<10112x128xf32, #tpu.memory_space<vmem_shared>>) offsets(%dma_start3A_386 : memref<128xi32, #tpu.memory_space<vmem>>) semaphore(%run_scoped3A_383 : memref<!tpu.dma_semaphore, #tpu.memory_space<semaphore_mem>>) {add = true}
        %dma_wait3A_390 = arith.constant 0 : i32
        %dma_wait3A_391 = tpu.memref_slice %arg10[%run_scoped3A_332, %dma_wait3A_390] : memref<8x128xi32, #tpu.memory_space<vmem>> -> memref<1x128xi32, #tpu.memory_space<vmem>>
        %dma_wait3A_392 = tpu.memref_squeeze %dma_wait3A_391 : memref<1x128xi32, #tpu.memory_space<vmem>> -> memref<128xi32, #tpu.memory_space<vmem>>
        %dma_wait3A_393 = arith.constant 0 : i32
        %dma_wait3A_394 = arith.constant 0 : i32
        %dma_wait3A_395 = tpu.memref_slice %arg13[%dma_wait3A_393, %dma_wait3A_394] : memref<10112x128xf32, #tpu.memory_space<vmem_shared>> -> memref<10112x128xf32, #tpu.memory_space<vmem_shared>>
        tpu.wait_indirect_dma semaphore(%run_scoped3A_383 : memref<!tpu.dma_semaphore, #tpu.memory_space<semaphore_mem>>) src(%arg12 : memref<128x128xf32, #tpu.memory_space<vmem>>) dst(%dma_wait3A_395 : memref<10112x128xf32, #tpu.memory_space<vmem_shared>>)
        tpu.yield
      }) : () -> ()
      %add3A_333 = arith.constant 2 : i32
      %add3A_334 = arith.addi %add3A_324, %add3A_333 : i32
      %lt3A_335 = arith.cmpi slt, %add3A_334, %select_n3A : i32
      %convert_element_type3A_336 = arith.extui %lt3A_335 : i1 to i32
      %cond3A_337 = arith.constant 0 : i32
      %cond3A_338 = arith.cmpi ne, %convert_element_type3A_336, %cond3A_337 : i32
      scf.if %cond3A_338 {
        %dma_start3A_383 = arith.constant 7 : i32
        %dma_start3A_384 = arith.constant 0 : i32
        %dma_start3A_385 = tpu.memref_slice %arg8[%dma_start3A_383, %dma_start3A_384] : memref<8x128xi32, #tpu.memory_space<vmem>> -> memref<1x128xi32, #tpu.memory_space<vmem>>
        %dma_start3A_386 = tpu.memref_squeeze %dma_start3A_385 : memref<1x128xi32, #tpu.memory_space<vmem>> -> memref<128xi32, #tpu.memory_space<vmem>>
        %dma_start3A_387 = arith.constant 0 : i32
        %dma_start3A_388 = arith.constant 0 : i32
        %dma_start3A_389 = tpu.memref_slice %arg4[%dma_start3A_387, %dma_start3A_388] : memref<10000x128xf32, #tpu.memory_space<hbm>> -> memref<10000x128xf32, #tpu.memory_space<hbm>>
        tpu.enqueue_indirect_dma source(%dma_start3A_389 : memref<10000x128xf32, #tpu.memory_space<hbm>>) target(%arg12 : memref<128x128xf32, #tpu.memory_space<vmem>>) offsets(%dma_start3A_386 : memref<128xi32, #tpu.memory_space<vmem>>) semaphore(%arg15 : memref<!tpu.dma_semaphore, #tpu.memory_space<semaphore_mem>>)
      } else {
      }
      %add3A_339 = arith.constant 6 : i32
      %add3A_340 = arith.addi %mul3A_242, %add3A_339 : i32
      %dma_wait3A_341 = arith.constant 6 : i32
      %dma_wait3A_342 = arith.constant 0 : i32
      %dma_wait3A_343 = tpu.memref_slice %arg8[%dma_wait3A_341, %dma_wait3A_342] : memref<8x128xi32, #tpu.memory_space<vmem>> -> memref<1x128xi32, #tpu.memory_space<vmem>>
      %dma_wait3A_344 = tpu.memref_squeeze %dma_wait3A_343 : memref<1x128xi32, #tpu.memory_space<vmem>> -> memref<128xi32, #tpu.memory_space<vmem>>
      %dma_wait3A_345 = arith.constant 0 : i32
      %dma_wait3A_346 = arith.constant 0 : i32
      %dma_wait3A_347 = tpu.memref_slice %arg4[%dma_wait3A_345, %dma_wait3A_346] : memref<10000x128xf32, #tpu.memory_space<hbm>> -> memref<10000x128xf32, #tpu.memory_space<hbm>>
      tpu.wait_indirect_dma semaphore(%arg14 : memref<!tpu.dma_semaphore, #tpu.memory_space<semaphore_mem>>) src(%dma_wait3A_347 : memref<10000x128xf32, #tpu.memory_space<hbm>>) dst(%arg11 : memref<128x128xf32, #tpu.memory_space<vmem>>)
      %run_scoped3A_348 = arith.constant 6 : i32
      "tpu.region"() ({
        %run_scoped3A_383 = tpu.sem_alloc : memref<!tpu.dma_semaphore, #tpu.memory_space<semaphore_mem>>
        %dma_start3A_384 = arith.constant 0 : i32
        %dma_start3A_385 = tpu.memref_slice %arg10[%run_scoped3A_348, %dma_start3A_384] : memref<8x128xi32, #tpu.memory_space<vmem>> -> memref<1x128xi32, #tpu.memory_space<vmem>>
        %dma_start3A_386 = tpu.memref_squeeze %dma_start3A_385 : memref<1x128xi32, #tpu.memory_space<vmem>> -> memref<128xi32, #tpu.memory_space<vmem>>
        %dma_start3A_387 = arith.constant 0 : i32
        %dma_start3A_388 = arith.constant 0 : i32
        %dma_start3A_389 = tpu.memref_slice %arg13[%dma_start3A_387, %dma_start3A_388] : memref<10112x128xf32, #tpu.memory_space<vmem_shared>> -> memref<10112x128xf32, #tpu.memory_space<vmem_shared>>
        tpu.enqueue_indirect_dma source(%arg11 : memref<128x128xf32, #tpu.memory_space<vmem>>) target(%dma_start3A_389 : memref<10112x128xf32, #tpu.memory_space<vmem_shared>>) offsets(%dma_start3A_386 : memref<128xi32, #tpu.memory_space<vmem>>) semaphore(%run_scoped3A_383 : memref<!tpu.dma_semaphore, #tpu.memory_space<semaphore_mem>>) {add = true}
        %dma_wait3A_390 = arith.constant 0 : i32
        %dma_wait3A_391 = tpu.memref_slice %arg10[%run_scoped3A_348, %dma_wait3A_390] : memref<8x128xi32, #tpu.memory_space<vmem>> -> memref<1x128xi32, #tpu.memory_space<vmem>>
        %dma_wait3A_392 = tpu.memref_squeeze %dma_wait3A_391 : memref<1x128xi32, #tpu.memory_space<vmem>> -> memref<128xi32, #tpu.memory_space<vmem>>
        %dma_wait3A_393 = arith.constant 0 : i32
        %dma_wait3A_394 = arith.constant 0 : i32
        %dma_wait3A_395 = tpu.memref_slice %arg13[%dma_wait3A_393, %dma_wait3A_394] : memref<10112x128xf32, #tpu.memory_space<vmem_shared>> -> memref<10112x128xf32, #tpu.memory_space<vmem_shared>>
        tpu.wait_indirect_dma semaphore(%run_scoped3A_383 : memref<!tpu.dma_semaphore, #tpu.memory_space<semaphore_mem>>) src(%arg11 : memref<128x128xf32, #tpu.memory_space<vmem>>) dst(%dma_wait3A_395 : memref<10112x128xf32, #tpu.memory_space<vmem_shared>>)
        tpu.yield
      }) : () -> ()
      %add3A_349 = arith.constant 8 : i32
      %add3A_350 = arith.addi %mul3A_242, %add3A_349 : i32
      %lt3A_351 = arith.cmpi slt, %add3A_350, %select_n3A : i32
      %convert_element_type3A_352 = arith.extui %lt3A_351 : i1 to i32
      %cond3A_353 = arith.constant 0 : i32
      %cond3A_354 = arith.cmpi ne, %convert_element_type3A_352, %cond3A_353 : i32
      scf.if %cond3A_354 {
        %dma_wait3A_383 = arith.constant 0 : i32
        %dma_wait3A_384 = tpu.memref_slice %arg2[%select_n3A_10, %dma_wait3A_383] : memref<2560x128xi32, #tpu.memory_space<hbm>> -> memref<8x128xi32, #tpu.memory_space<hbm>>
        %dma_wait3A_385 = arith.constant 0 : i32
        %dma_wait3A_386 = tpu.memref_slice %arg2[%select_n3A_10, %dma_wait3A_385] : memref<2560x128xi32, #tpu.memory_space<hbm>> -> memref<8x128xi32, #tpu.memory_space<hbm>>
        tpu.wait_dma2 semaphore(%arg16 : memref<!tpu.dma_semaphore, #tpu.memory_space<semaphore_mem>>) src(%dma_wait3A_386 : memref<8x128xi32, #tpu.memory_space<hbm>>) dst(%arg7 : memref<8x128xi32, #tpu.memory_space<vmem>>)
        %dma_wait3A_387 = arith.constant 0 : i32
        %dma_wait3A_388 = tpu.memref_slice %arg3[%select_n3A_10, %dma_wait3A_387] : memref<2560x128xi32, #tpu.memory_space<hbm>> -> memref<8x128xi32, #tpu.memory_space<hbm>>
        %dma_wait3A_389 = arith.constant 0 : i32
        %dma_wait3A_390 = tpu.memref_slice %arg3[%select_n3A_10, %dma_wait3A_389] : memref<2560x128xi32, #tpu.memory_space<hbm>> -> memref<8x128xi32, #tpu.memory_space<hbm>>
        tpu.wait_dma2 semaphore(%arg16 : memref<!tpu.dma_semaphore, #tpu.memory_space<semaphore_mem>>) src(%dma_wait3A_390 : memref<8x128xi32, #tpu.memory_space<hbm>>) dst(%arg9 : memref<8x128xi32, #tpu.memory_space<vmem>>)
      } else {
      }
      %add3A_355 = arith.constant 2 : i32
      %add3A_356 = arith.addi %add3A_340, %add3A_355 : i32
      %lt3A_357 = arith.cmpi slt, %add3A_356, %select_n3A : i32
      %convert_element_type3A_358 = arith.extui %lt3A_357 : i1 to i32
      %cond3A_359 = arith.constant 0 : i32
      %cond3A_360 = arith.cmpi ne, %convert_element_type3A_358, %cond3A_359 : i32
      scf.if %cond3A_360 {
        %dma_start3A_383 = arith.constant 0 : i32
        %dma_start3A_384 = arith.constant 0 : i32
        %dma_start3A_385 = tpu.memref_slice %arg7[%dma_start3A_383, %dma_start3A_384] : memref<8x128xi32, #tpu.memory_space<vmem>> -> memref<1x128xi32, #tpu.memory_space<vmem>>
        %dma_start3A_386 = tpu.memref_squeeze %dma_start3A_385 : memref<1x128xi32, #tpu.memory_space<vmem>> -> memref<128xi32, #tpu.memory_space<vmem>>
        %dma_start3A_387 = arith.constant 0 : i32
        %dma_start3A_388 = arith.constant 0 : i32
        %dma_start3A_389 = tpu.memref_slice %arg4[%dma_start3A_387, %dma_start3A_388] : memref<10000x128xf32, #tpu.memory_space<hbm>> -> memref<10000x128xf32, #tpu.memory_space<hbm>>
        tpu.enqueue_indirect_dma source(%dma_start3A_389 : memref<10000x128xf32, #tpu.memory_space<hbm>>) target(%arg11 : memref<128x128xf32, #tpu.memory_space<vmem>>) offsets(%dma_start3A_386 : memref<128xi32, #tpu.memory_space<vmem>>) semaphore(%arg14 : memref<!tpu.dma_semaphore, #tpu.memory_space<semaphore_mem>>)
      } else {
      }
      %add3A_361 = arith.constant 7 : i32
      %add3A_362 = arith.addi %mul3A_242, %add3A_361 : i32
      %dma_wait3A_363 = arith.constant 7 : i32
      %dma_wait3A_364 = arith.constant 0 : i32
      %dma_wait3A_365 = tpu.memref_slice %arg8[%dma_wait3A_363, %dma_wait3A_364] : memref<8x128xi32, #tpu.memory_space<vmem>> -> memref<1x128xi32, #tpu.memory_space<vmem>>
      %dma_wait3A_366 = tpu.memref_squeeze %dma_wait3A_365 : memref<1x128xi32, #tpu.memory_space<vmem>> -> memref<128xi32, #tpu.memory_space<vmem>>
      %dma_wait3A_367 = arith.constant 0 : i32
      %dma_wait3A_368 = arith.constant 0 : i32
      %dma_wait3A_369 = tpu.memref_slice %arg4[%dma_wait3A_367, %dma_wait3A_368] : memref<10000x128xf32, #tpu.memory_space<hbm>> -> memref<10000x128xf32, #tpu.memory_space<hbm>>
      tpu.wait_indirect_dma semaphore(%arg15 : memref<!tpu.dma_semaphore, #tpu.memory_space<semaphore_mem>>) src(%dma_wait3A_369 : memref<10000x128xf32, #tpu.memory_space<hbm>>) dst(%arg12 : memref<128x128xf32, #tpu.memory_space<vmem>>)
      %run_scoped3A_370 = arith.constant 7 : i32
      "tpu.region"() ({
        %run_scoped3A_383 = tpu.sem_alloc : memref<!tpu.dma_semaphore, #tpu.memory_space<semaphore_mem>>
        %dma_start3A_384 = arith.constant 0 : i32
        %dma_start3A_385 = tpu.memref_slice %arg10[%run_scoped3A_370, %dma_start3A_384] : memref<8x128xi32, #tpu.memory_space<vmem>> -> memref<1x128xi32, #tpu.memory_space<vmem>>
        %dma_start3A_386 = tpu.memref_squeeze %dma_start3A_385 : memref<1x128xi32, #tpu.memory_space<vmem>> -> memref<128xi32, #tpu.memory_space<vmem>>
        %dma_start3A_387 = arith.constant 0 : i32
        %dma_start3A_388 = arith.constant 0 : i32
        %dma_start3A_389 = tpu.memref_slice %arg13[%dma_start3A_387, %dma_start3A_388] : memref<10112x128xf32, #tpu.memory_space<vmem_shared>> -> memref<10112x128xf32, #tpu.memory_space<vmem_shared>>
        tpu.enqueue_indirect_dma source(%arg12 : memref<128x128xf32, #tpu.memory_space<vmem>>) target(%dma_start3A_389 : memref<10112x128xf32, #tpu.memory_space<vmem_shared>>) offsets(%dma_start3A_386 : memref<128xi32, #tpu.memory_space<vmem>>) semaphore(%run_scoped3A_383 : memref<!tpu.dma_semaphore, #tpu.memory_space<semaphore_mem>>) {add = true}
        %dma_wait3A_390 = arith.constant 0 : i32
        %dma_wait3A_391 = tpu.memref_slice %arg10[%run_scoped3A_370, %dma_wait3A_390] : memref<8x128xi32, #tpu.memory_space<vmem>> -> memref<1x128xi32, #tpu.memory_space<vmem>>
        %dma_wait3A_392 = tpu.memref_squeeze %dma_wait3A_391 : memref<1x128xi32, #tpu.memory_space<vmem>> -> memref<128xi32, #tpu.memory_space<vmem>>
        %dma_wait3A_393 = arith.constant 0 : i32
        %dma_wait3A_394 = arith.constant 0 : i32
        %dma_wait3A_395 = tpu.memref_slice %arg13[%dma_wait3A_393, %dma_wait3A_394] : memref<10112x128xf32, #tpu.memory_space<vmem_shared>> -> memref<10112x128xf32, #tpu.memory_space<vmem_shared>>
        tpu.wait_indirect_dma semaphore(%run_scoped3A_383 : memref<!tpu.dma_semaphore, #tpu.memory_space<semaphore_mem>>) src(%arg12 : memref<128x128xf32, #tpu.memory_space<vmem>>) dst(%dma_wait3A_395 : memref<10112x128xf32, #tpu.memory_space<vmem_shared>>)
        tpu.yield
      }) : () -> ()
      %add3A_371 = arith.constant 2 : i32
      %add3A_372 = arith.addi %add3A_362, %add3A_371 : i32
      %lt3A_373 = arith.cmpi slt, %add3A_372, %select_n3A : i32
      %convert_element_type3A_374 = arith.extui %lt3A_373 : i1 to i32
      %cond3A_375 = arith.constant 0 : i32
      %cond3A_376 = arith.cmpi ne, %convert_element_type3A_374, %cond3A_375 : i32
      scf.if %cond3A_376 {
        %dma_start3A_383 = arith.constant 1 : i32
        %dma_start3A_384 = arith.constant 0 : i32
        %dma_start3A_385 = tpu.memref_slice %arg7[%dma_start3A_383, %dma_start3A_384] : memref<8x128xi32, #tpu.memory_space<vmem>> -> memref<1x128xi32, #tpu.memory_space<vmem>>
        %dma_start3A_386 = tpu.memref_squeeze %dma_start3A_385 : memref<1x128xi32, #tpu.memory_space<vmem>> -> memref<128xi32, #tpu.memory_space<vmem>>
        %dma_start3A_387 = arith.constant 0 : i32
        %dma_start3A_388 = arith.constant 0 : i32
        %dma_start3A_389 = tpu.memref_slice %arg4[%dma_start3A_387, %dma_start3A_388] : memref<10000x128xf32, #tpu.memory_space<hbm>> -> memref<10000x128xf32, #tpu.memory_space<hbm>>
        tpu.enqueue_indirect_dma source(%dma_start3A_389 : memref<10000x128xf32, #tpu.memory_space<hbm>>) target(%arg12 : memref<128x128xf32, #tpu.memory_space<vmem>>) offsets(%dma_start3A_386 : memref<128xi32, #tpu.memory_space<vmem>>) semaphore(%arg15 : memref<!tpu.dma_semaphore, #tpu.memory_space<semaphore_mem>>)
      } else {
      }
      %add3A_377 = arith.constant 16 : i32
      %add3A_378 = arith.addi %mul3A_242, %add3A_377 : i32
      %lt3A_379 = arith.cmpi slt, %add3A_378, %select_n3A : i32
      %convert_element_type3A_380 = arith.extui %lt3A_379 : i1 to i32
      %cond3A_381 = arith.constant 0 : i32
      %cond3A_382 = arith.cmpi ne, %convert_element_type3A_380, %cond3A_381 : i32
      scf.if %cond3A_382 {
        %add3A_383 = arith.addi %select_n3A_10, %mul3A_242 : i32
        %add3A_384 = arith.constant 16 : i32
        %add3A_385 = arith.addi %add3A_383, %add3A_384 : i32
        %dma_start3A_386 = arith.constant 0 : i32
        %dma_start3A_387 = tpu.memref_slice %arg2[%add3A_385, %dma_start3A_386] : memref<2560x128xi32, #tpu.memory_space<hbm>> -> memref<8x128xi32, #tpu.memory_space<hbm>>
        %dma_start3A_388 = arith.constant 0 : i32
        %dma_start3A_389 = tpu.memref_slice %arg2[%add3A_385, %dma_start3A_388] : memref<2560x128xi32, #tpu.memory_space<hbm>> -> memref<8x128xi32, #tpu.memory_space<hbm>>
        tpu.enqueue_dma source(%dma_start3A_389 : memref<8x128xi32, #tpu.memory_space<hbm>>) target(%arg8 : memref<8x128xi32, #tpu.memory_space<vmem>>) target_semaphore(%arg17 : memref<!tpu.dma_semaphore, #tpu.memory_space<semaphore_mem>>)
        %dma_start3A_390 = arith.constant 0 : i32
        %dma_start3A_391 = tpu.memref_slice %arg3[%add3A_385, %dma_start3A_390] : memref<2560x128xi32, #tpu.memory_space<hbm>> -> memref<8x128xi32, #tpu.memory_space<hbm>>
        %dma_start3A_392 = arith.constant 0 : i32
        %dma_start3A_393 = tpu.memref_slice %arg3[%add3A_385, %dma_start3A_392] : memref<2560x128xi32, #tpu.memory_space<hbm>> -> memref<8x128xi32, #tpu.memory_space<hbm>>
        tpu.enqueue_dma source(%dma_start3A_393 : memref<8x128xi32, #tpu.memory_space<hbm>>) target(%arg10 : memref<8x128xi32, #tpu.memory_space<vmem>>) target_semaphore(%arg17 : memref<!tpu.dma_semaphore, #tpu.memory_space<semaphore_mem>>)
      } else {
      }
    }
    %barrier3A_95 = arith.constant 0 : index
    tpu.barrier barrier_id(%barrier3A_95)
    "tpu.region"() ({
      %run_scoped3A = tpu.sem_alloc : memref<!tpu.dma_semaphore, #tpu.memory_space<semaphore_mem>>
      %dma_start3A_96 = arith.constant 0 : i32
      %dma_start3A_97 = tpu.memref_slice %arg6[%arg0, %mul3A_0, %dma_start3A_96] : memref<2x10112x128xf32, #tpu.memory_space<hbm>> -> memref<1x632x128xf32, #tpu.memory_space<hbm>>
      %dma_start3A_98 = tpu.memref_squeeze %dma_start3A_97 : memref<1x632x128xf32, #tpu.memory_space<hbm>> -> memref<632x128xf32, #tpu.memory_space<hbm>>
      %dma_start3A_99 = arith.constant 0 : i32
      %dma_start3A_100 = tpu.memref_slice %arg13[%mul3A_0, %dma_start3A_99] : memref<10112x128xf32, #tpu.memory_space<vmem_shared>> -> memref<632x128xf32, #tpu.memory_space<vmem_shared>>
      tpu.enqueue_dma source(%dma_start3A_100 : memref<632x128xf32, #tpu.memory_space<vmem_shared>>) target(%dma_start3A_98 : memref<632x128xf32, #tpu.memory_space<hbm>>) target_semaphore(%run_scoped3A : memref<!tpu.dma_semaphore, #tpu.memory_space<semaphore_mem>>)
      %dma_wait3A_101 = arith.constant 0 : i32
      %dma_wait3A_102 = tpu.memref_slice %arg6[%arg0, %mul3A_0, %dma_wait3A_101] : memref<2x10112x128xf32, #tpu.memory_space<hbm>> -> memref<1x632x128xf32, #tpu.memory_space<hbm>>
      %dma_wait3A_103 = tpu.memref_squeeze %dma_wait3A_102 : memref<1x632x128xf32, #tpu.memory_space<hbm>> -> memref<632x128xf32, #tpu.memory_space<hbm>>
      %dma_wait3A_104 = arith.constant 0 : i32
      %dma_wait3A_105 = tpu.memref_slice %arg13[%mul3A_0, %dma_wait3A_104] : memref<10112x128xf32, #tpu.memory_space<vmem_shared>> -> memref<632x128xf32, #tpu.memory_space<vmem_shared>>
      tpu.wait_dma2 semaphore(%run_scoped3A : memref<!tpu.dma_semaphore, #tpu.memory_space<semaphore_mem>>) src(%dma_wait3A_105 : memref<632x128xf32, #tpu.memory_space<vmem_shared>>) dst(%dma_wait3A_103 : memref<632x128xf32, #tpu.memory_space<hbm>>)
      tpu.yield
    }) : () -> ()
    return
  }
}

module attributes {stable_mosaic.version = 14 : i64} {
  func.func @_prep_body(%arg0: memref<10000x128xf32, #tpu.memory_space<vmem>>, %arg1: memref<128x128xf32, #tpu.memory_space<vmem>>, %arg2: memref<1x256xf32, #tpu.memory_space<vmem>>, %arg3: memref<10000x128xf32, #tpu.memory_space<vmem>>, %arg4: memref<10000x128xf32, #tpu.memory_space<vmem>>) attributes {dimension_semantics = [], scalar_prefetch = 0 : i64, scratch_operands = 0 : i64, tpu.core_type = #tpu.core_type<tc>} {
    %get3A = arith.constant 0 : index
    %get3A_0 = arith.constant 0 : index
    %get3A_1 = vector.load %arg0[%get3A, %get3A_0] : memref<10000x128xf32, #tpu.memory_space<vmem>>, vector<10000x128xf32>
    %get3A_2 = arith.constant 0 : index
    %get3A_3 = arith.constant 128 : index
    %get3A_4 = vector.load %arg2[%get3A_2, %get3A_3] : memref<1x256xf32, #tpu.memory_space<vmem>>, vector<1x128xf32>
    %get3A_5 = arith.constant 0 : index
    %get3A_6 = arith.constant 0 : index
    %get3A_7 = vector.load %arg1[%get3A_5, %get3A_6] : memref<128x128xf32, #tpu.memory_space<vmem>>, vector<128x128xf32>
    %dot_general3A = arith.constant dense<0.000000e+00> : vector<1x128xf32>
    %dot_general3A_8 = tpu.matmul %get3A_4, %get3A_7, %dot_general3A {dimension_numbers = #tpu.dot_dimension_numbers<[1], [0], [0], [1], [0, 0, 1, 1], [], []>, transpose_lhs_hint = false} : vector<1x128xf32>, vector<128x128xf32>, vector<1x128xf32> -> vector<1x128xf32>
    %mul3A = vector.broadcast %dot_general3A_8 : vector<1x128xf32> to vector<10000x128xf32>
    %mul3A_9 = arith.mulf %get3A_1, %mul3A : vector<10000x128xf32>
    %reduce_sum3A = arith.constant dense<0.000000e+00> : vector<10000xf32>
    %reduce_sum3A_10 = vector.multi_reduction <add>, %mul3A_9, %reduce_sum3A [1] : vector<10000x128xf32> to vector<10000xf32>
    %broadcast_in_dim3A = vector.shape_cast %reduce_sum3A_10 : vector<10000xf32> to vector<10000x1xf32>
    %reduce_max3A = vector.shape_cast %broadcast_in_dim3A : vector<10000x1xf32> to vector<1x10000x1xf32>
    %reduce_max3A_11 = arith.constant dense<0xFF800000> : vector<1xf32>
    %reduce_max3A_12 = vector.multi_reduction <maximumf>, %reduce_max3A, %reduce_max3A_11 [1, 2] : vector<1x10000x1xf32> to vector<1xf32>
    %reduce_max3A_13 = vector.shape_cast %reduce_max3A_12 : vector<1xf32> to vector<1x1x1xf32>
    %reduce_max3A_14 = vector.extract %reduce_max3A_13[0, 0, 0] : f32 from vector<1x1x1xf32>
    %sub3A = vector.broadcast %reduce_max3A_14 : f32 to vector<10000x1xf32>
    %sub3A_15 = arith.subf %broadcast_in_dim3A, %sub3A : vector<10000x1xf32>
    %exp3A = math.exp %sub3A_15 : vector<10000x1xf32>
    %mul3A_16 = vector.broadcast %exp3A : vector<10000x1xf32> to vector<10000x128xf32>
    %mul3A_17 = arith.mulf %mul3A_16, %get3A_1 : vector<10000x128xf32>
    %swap3A = arith.constant 0 : index
    %swap3A_18 = arith.constant 0 : index
    %swap3A_19 = vector.load %arg3[%swap3A, %swap3A_18] : memref<10000x128xf32, #tpu.memory_space<vmem>>, vector<10000x128xf32>
    tpu.vector_store %arg3[%swap3A, %swap3A_18], %mul3A_17 {strides = array<i32>} : memref<10000x128xf32, #tpu.memory_space<vmem>>, vector<10000x128xf32>,
    %mul3A_20 = arith.mulf %get3A_1, %get3A_1 : vector<10000x128xf32>
    %reduce_sum3A_21 = arith.constant dense<0.000000e+00> : vector<10000xf32>
    %reduce_sum3A_22 = vector.multi_reduction <add>, %mul3A_20, %reduce_sum3A_21 [1] : vector<10000x128xf32> to vector<10000xf32>
    %broadcast_in_dim3A_23 = vector.shape_cast %reduce_sum3A_22 : vector<10000xf32> to vector<10000x1xf32>
    %sqrt3A = math.sqrt %broadcast_in_dim3A_23 : vector<10000x1xf32>
    %max3A = arith.constant 9.99999996E-13 : f32
    %max3A_24 = vector.broadcast %max3A : f32 to vector<10000x1xf32>
    %max3A_25 = arith.maximumf %sqrt3A, %max3A_24 : vector<10000x1xf32>
    %div3A = vector.broadcast %max3A_25 : vector<10000x1xf32> to vector<10000x128xf32>
    %div3A_26 = arith.divf %get3A_1, %div3A : vector<10000x128xf32>
    %swap3A_27 = arith.constant 0 : index
    %swap3A_28 = arith.constant 0 : index
    %swap3A_29 = vector.load %arg4[%swap3A_27, %swap3A_28] : memref<10000x128xf32, #tpu.memory_space<vmem>>, vector<10000x128xf32>
    tpu.vector_store %arg4[%swap3A_27, %swap3A_28], %div3A_26 {strides = array<i32>} : memref<10000x128xf32, #tpu.memory_space<vmem>>, vector<10000x128xf32>,
    return
  }
}

module attributes {stable_mosaic.version = 14 : i64} {
  func.func @_finish_body(%arg0: memref<2x10112x128xf32, #tpu.memory_space<vmem>>, %arg1: memref<10000x128xf32, #tpu.memory_space<vmem>>) attributes {dimension_semantics = [], scalar_prefetch = 0 : i64, scratch_operands = 0 : i64, tpu.core_type = #tpu.core_type<tc>} {
    %get3A = arith.constant 0 : index
    %get3A_0 = arith.constant 0 : index
    %get3A_1 = arith.constant 0 : index
    %get3A_2 = vector.load %arg0[%get3A, %get3A_0, %get3A_1] : memref<2x10112x128xf32, #tpu.memory_space<vmem>>, vector<1x10000x128xf32>
    %get3A_3 = vector.shape_cast %get3A_2 : vector<1x10000x128xf32> to vector<10000x128xf32>
    %get3A_4 = arith.constant 1 : index
    %get3A_5 = arith.constant 0 : index
    %get3A_6 = arith.constant 0 : index
    %get3A_7 = vector.load %arg0[%get3A_4, %get3A_5, %get3A_6] : memref<2x10112x128xf32, #tpu.memory_space<vmem>>, vector<1x10000x128xf32>
    %get3A_8 = vector.shape_cast %get3A_7 : vector<1x10000x128xf32> to vector<10000x128xf32>
    %add3A = arith.addf %get3A_3, %get3A_8 : vector<10000x128xf32>
    %mul3A = arith.mulf %add3A, %add3A : vector<10000x128xf32>
    %reduce_sum3A = arith.constant dense<0.000000e+00> : vector<10000xf32>
    %reduce_sum3A_9 = vector.multi_reduction <add>, %mul3A, %reduce_sum3A [1] : vector<10000x128xf32> to vector<10000xf32>
    %broadcast_in_dim3A = vector.shape_cast %reduce_sum3A_9 : vector<10000xf32> to vector<10000x1xf32>
    %sqrt3A = math.sqrt %broadcast_in_dim3A : vector<10000x1xf32>
    %max3A = arith.constant 9.99999996E-13 : f32
    %max3A_10 = vector.broadcast %max3A : f32 to vector<10000x1xf32>
    %max3A_11 = arith.maximumf %sqrt3A, %max3A_10 : vector<10000x1xf32>
    %div3A = vector.broadcast %max3A_11 : vector<10000x1xf32> to vector<10000x128xf32>
    %div3A_12 = arith.divf %add3A, %div3A : vector<10000x128xf32>
    %swap3A = arith.constant 0 : index
    %swap3A_13 = arith.constant 0 : index
    %swap3A_14 = vector.load %arg1[%swap3A, %swap3A_13] : memref<10000x128xf32, #tpu.memory_space<vmem>>, vector<10000x128xf32>
    tpu.vector_store %arg1[%swap3A, %swap3A_13], %div3A_12 {strides = array<i32>} : memref<10000x128xf32, #tpu.memory_space<vmem>>, vector<10000x128xf32>,
    return
  }
}

</mosaic_0001>

<sc_bundles>
// kernel: kernel.5.cloned.1.call-start
scs
__scs_entry_jumppad:
0x0: {  	(pc) =	sbr.rel $0x88, $3  }
0x1: {  	(tag) =	ssettag $0x0;
	lr =	simm.s32 $0x1  }
0x2: {  	[smem:$0x3F9C] =	sst lr;
	_ =	strace $0xD0000000  }
0x3: {  	_ = 	snop  }
0x4: {  	_ = 	snop  }
0x5: {  	_ = 	snop  }
0x6: {  	_ = 	snop  }
0x7: {  	_ = 	snop  }
__scs_overlays_trampoline_lowered:
0x8: {  	[smem:$0x3FAB] =	sst s0  }
0x9: {  	[smem:$0x3FAC] =	sst s1  }
0xa: {  	[smem:$0x3FAD] =	sst s2  }
0xb: {  	[smem:$0x3FAE] =	sst s3  }
0xc: {  	[smem:$0x3FAF] =	sst s4  }
0xd: {  	[smem:$0x3FB0] =	sst s5  }
0xe: {  	[smem:$0x3FB1] =	sst s6  }
0xf: {  	[smem:$0x3FB2] =	sst s7  }
0x10: {  	[smem:$0x3FB3] =	sst s8  }
0x11: {  	[smem:$0x3FB4] =	sst s9;
	s0 =	simm.s32 @!p0 $0x0  }
0x12: {  	s1 =	sld [smem:$0x3F9A];
	s0 =	simm.s32 @p0 $0x1  }
0x13: {  	[smem:$0x3FB5] =	sst s0;
	s0 =	simm.s32 @!p1 $0x0  }
0x14: {  	s2 =	sld [smem:$0x3F99];
	s0 =	simm.s32 @p1 $0x1  }
0x15: {  	[smem:$0x3FB6] =	sst s0;
	s0 =	simm.s32 @!p2 $0x0  }
0x16: {  	s3 =	sld [smem:$0x3FDB];
	s0 =	simm.s32 @p2 $0x1  }
0x17: {  	s4 =	simm.s32 $0x1BF5;
	[smem:$0x3FB8] =	sst s0  }
0x18: {  	s0 =	sld [smem:$0x3F9B];
	_ =	swait.ge [sflag:s4], $0x0  }
0x19: {  	s7 =	sld [smem:$0x3F9C]  }
0x1a: {  	s8 =	sadd.s32 $0xFFFFE003, lr  }
0x1b: {  	s9 =	sadd.s32 $0xFFFFFEF7, lr;
	s5 =	simm.s32 $0xFFFFFFFF;
	p2 =	slt.u32 s8, $0xFFFFF086  }
0x1c: {  	p1 =	slt.u32 s9, $0xF7A;
	s5 =	simm.s32 @!p2 $0x0  }
0x1d: {  	s5 =	simm.s32 @p1 $0x1;
	p0 =	seq.s32 s7, s2  }
0x1e: {  	s7 =	smul.u32 @!p0 $0xF7A, s2;
	p2 =	seq.s32 @!p0 s5, $0x0  }
0x1f: {  	s9 =	smul.u32 $0xF7A, s1;
	s8 =	simm.s32 @!p0 $0x1BF5;
	p2 =	por !p2, p0  }
0x20: {  	[sflag:s8] =	ssyncset.s32 @!p0 $0xFFFFF086;
	s6 =	sadd.s32 @!p0 s3, s7;
	s7 =	simm.s32 @!p0 $0x108  }
0x21: {  	s3 =	sadd.s32 s3, s9;
	s6 =	sadd.s32 @!p0 $0x88, s6;
	s7 =	simm.s32 @p2 $0x1082  }
0x22: {  	[simem:s7], [sflag:s8] =	dma.local @!p0 [hbm:s6], $0xF7A  }
0x23: {  	s9 =	sor.u32 $0xD0000000, s2;
	s6 =	simm.s32 $0x108;
	_ =	swait.ge @!p0 [sflag:s8], $0x0  }
0x24: {  	s3 =	sadd.s32 $0x88, s3;
	s6 =	simm.s32 @!p1 $0x1082;
	[sflag:s4] =	ssyncset.s32 $0xFFFFF086  }
0x25: {  	[simem:s6], [sflag:s4] =	dma.local [hbm:s3], $0xF7A  }
0x26: {  	[smem:$0x3F9C] =	sst s1;
	(tag) =	ssettag s2;
	_ =	strace s9  }
0x27: {  	s1 =	sld [smem:$0x3FAC]  }
0x28: {  	s2 =	sld [smem:$0x3FAD]  }
0x29: {  	s4 =	sld [smem:$0x3FAF]  }
0x2a: {  	p0 =	seq.s32 s5, $0x0;
	s5 =	sld [smem:$0x3FB0]  }
0x2b: {  	s6 =	sld [smem:$0x3FB1]  }
0x2c: {  	s7 =	sld [smem:$0x3FB2]  }
0x2d: {  	s3 =	simm.s32 $0x108;
	s8 =	sld [smem:$0x3FB3]  }
0x2e: {  	s3 =	simm.s32 @!p0 $0x1082;
	s9 =	sld [smem:$0x3FB4]  }
0x2f: {  	lr =	sadd.s32 s0, s3;
	s0 =	sld [smem:$0x3FAB]  }
0x30: {  	s3 =	sld [smem:$0x3FAE]  }
0x31: {  	[smem:$0x3FB7] =	sst s10  }
0x32: {  	s10 =	sld [smem:$0x3FB5];
	_ =	sdelay $0x3  }
0x33: {  	p0 =	seq.s32 s10, $0x1;
	s10 =	sld [smem:$0x3FB7];
	_ =	sdelay $0x3  }
0x34: {  	[smem:$0x3FB7] =	sst s10  }
0x35: {  	s10 =	sld [smem:$0x3FB6];
	_ =	sdelay $0x3  }
0x36: {  	p1 =	seq.s32 s10, $0x1;
	s10 =	sld [smem:$0x3FB7];
	_ =	sdelay $0x3  }
0x37: {  	[smem:$0x3FB7] =	sst s10  }
0x38: {  	s10 =	sld [smem:$0x3FB8]  }
0x39: {  	_ = 	snop;
	(pc) =	sbr.ind lr, $3  }
0x3a: {  	_ = 	snop  }
0x3b: {  	_ = 	snop  }
0x3c: {  	p2 =	seq.s32 s10, $0x1;
	s10 =	sld [smem:$0x3FB7]  }
0x3d: {  	_ =	shalt  }
0x3e: {  	_ =	shalt  }
0x3f: {  	_ =	shalt  }
0x40: {  	_ =	shalt  }
0x41: {  	_ =	shalt  }
0x42: {  	_ =	shalt  }
0x43: {  	_ =	shalt  }
0x44: {  	_ =	shalt  }
0x45: {  	_ =	shalt  }
0x46: {  	_ =	shalt  }
0x47: {  	_ =	shalt  }
0x48: {  	_ =	shalt  }
0x49: {  	_ =	shalt  }
0x4a: {  	_ =	shalt  }
0x4b: {  	_ =	shalt  }
0x4c: {  	_ =	shalt  }
0x4d: {  	_ =	shalt  }
0x4e: {  	_ =	shalt  }
0x4f: {  	_ =	shalt  }
0x50: {  	_ =	shalt  }
0x51: {  	_ =	shalt  }
0x52: {  	_ =	shalt  }
0x53: {  	_ =	shalt  }
0x54: {  	_ =	shalt  }
0x55: {  	_ =	shalt  }
0x56: {  	_ =	shalt  }
0x57: {  	_ =	shalt  }
0x58: {  	_ =	shalt  }
0x59: {  	_ =	shalt  }
0x5a: {  	_ =	shalt  }
0x5b: {  	_ =	shalt  }
0x5c: {  	_ =	shalt  }
0x5d: {  	_ =	shalt  }
0x5e: {  	_ =	shalt  }
0x5f: {  	_ =	shalt  }
0x60: {  	_ =	shalt  }
0x61: {  	_ =	shalt  }
0x62: {  	_ =	shalt  }
0x63: {  	_ =	shalt  }
0x64: {  	_ =	shalt  }
0x65: {  	_ =	shalt  }
0x66: {  	_ =	shalt  }
0x67: {  	_ =	shalt  }
0x68: {  	_ =	shalt  }
0x69: {  	_ =	shalt  }
0x6a: {  	_ =	shalt  }
0x6b: {  	_ =	shalt  }
0x6c: {  	_ =	shalt  }
0x6d: {  	_ =	shalt  }
0x6e: {  	_ =	shalt  }
0x6f: {  	_ =	shalt  }
0x70: {  	_ =	shalt  }
0x71: {  	_ =	shalt  }
0x72: {  	_ =	shalt  }
0x73: {  	_ =	shalt  }
0x74: {  	_ =	shalt  }
0x75: {  	_ =	shalt  }
0x76: {  	_ =	shalt  }
0x77: {  	_ =	shalt  }
0x78: {  	_ =	shalt  }
0x79: {  	_ =	shalt  }
0x7a: {  	_ =	shalt  }
0x7b: {  	_ =	shalt  }
0x7c: {  	_ =	shalt  }
0x7d: {  	_ =	shalt  }
0x7e: {  	_ =	shalt  }
0x7f: {  	_ =	shalt  }
0x80: {  	_ =	shalt  }
0x81: {  	_ =	shalt  }
0x82: {  	_ =	shalt  }
0x83: {  	_ =	shalt  }
0x84: {  	_ =	shalt  }
0x85: {  	_ =	shalt  }
0x86: {  	_ =	shalt  }
0x87: {  	_ =	shalt  }
.Lfunc_end0:
.L_simem_size_0:
called_computation_lowered:
.L_overlay_start_0:
0x88: {  	s2 =	sld [smem:$0x3FD9]  }
0x89: {  	s3 =	sld [smem:$0x3FFE];
	_ =	sdelay $0x1  }
0x8a: {  	s1 =	srdreg.scid  }
0x8b: {  	s0 =	sand.u32 $0x1, s1  }
0x8c: {  	s14 =	sshll.u32 s0, $0xA;
	s2 =	sadd.s32 s3, s2  }
0x8d: {  	s2 =	sadd.s32 s2, s14  }
0x8e: {  	[smem:$0x3FC3] =	sst s2  }
0x8f: {  	_ = 	snop  }
0x90: {  	s2 =	sld [smem:$0x3FD0];
	_ =	sdelay $0x2  }
0x91: {  	s15 =	simm.s32 $0xA;
	s4 =	simm.s32 $0x10  }
0x92: {  	[smem:s4], [sflag:s15] =	dma.local [hbm:s2], $0x1  }
0x93: {  	_ =	swait.eq [sflag:s15], $0x1  }
0x94: {  	[sflag:s15] =	ssyncset.done $0x0  }
0x95: {  	[sflag:s15] =	ssyncadd.s32 $0xFFFFFFFF  }
0x96: {  	s16 =	sld [smem:$0x10];
	(tm) =	ssettm $0x1  }
0x97: {  	s17 =	sld [smem:$0x3FFB];
	_ =	sdelay $0x3  }
0x98: {  	_ =	strace s17  }
0x99: {  	s3 =	sld [smem:$0x3FFC];
	_ =	sdelay $0x3  }
0x9a: {  	_ =	strace s3  }
0x9b: {  	s3 =	sld [smem:$0x3FFD];
	_ =	sdelay $0x3  }
0x9c: {  	_ =	strace s3  }
0x9d: {  	_ =	strace $0x8FFFFFFF  }
0x9e: {  	s18 =	sld [smem:$0x3FDB];
	_ =	sdelay $0x1  }
0x9f: {  	s19 =	simm.s32 $_scs_section_size  }
0xa0: {  	s5 =	simm.s32 $_size__tile_overlayer_lowered;
	s6 =	simm.s32 $_tile_overlayer_lowered  }
0xa1: {  	s22 =	simm.s32 $0x1BFF;
	s21 =	sshll.u32 s6, $0x1;
	s3 =	sadd.s32 s19, s18  }
0xa2: {  	s7 =	simm.s32 $0x0;
	s20 =	sshll.u32 s5, $0x1;
	s5 =	sadd.s32 s21, s3  }
0xa3: {  	[timem:s7], [sflag:s22] =	dma.local [hbm:s5], s20  }
0xa4: {  	_ =	swait.ge [sflag:s22], s20  }
0xa5: {  	s4 =	ssub.s32 $0x0, s20;
	[sflag:s22] =	ssyncset.done $0x0  }
0xa6: {  	[sflag:s22] =	ssyncadd.s32 s4;
	_ =	sdelay $0x1  }
0xa7: {  	s23 =	simm.s32 $0x1B8B  }
0xa8: {  	_ =	swait.ge [sflag:s23], $0x1  }
0xa9: {  	[sflag:s23] =	ssyncset.done $0x0  }
0xaa: {  	s25 =	simm.s32 $0x1B8E;
	s24 =	sld [smem:$0x3FFE];
	[sflag:s23] =	ssyncadd.s32 $0xFFFFFFFF  }
0xab: {  	s26 =	simm.s32 $execute0_lowered;
	[smem:$0x3FD2] =	sst s25  }
0xac: {  	s5 =	sshll.u32 s26, $0x1;
	_ =	strace $0x80000046;
	[dreg:$0x1] =	wrdreg $0xFFFFFFFF  }
0xad: {  	s28 =	simm.s32 $_size_execute0_lowered;
	s3 =	sadd.s32 s3, s5;
	[dreg:$0x0] =	wrdreg $0x0  }
0xae: {  	s5 =	sshll.u32 s28, $0x1;
	[dreg:$0x2] =	wrdreg s3  }
0xaf: {  	[dreg:$0x3] =	wrdreg s5  }
0xb0: {  	[dreg:$0x4] =	wrdreg $0xC0  }
0xb1: {  	_ =	task [dreg:s7], $0x5FFFF  }
0xb2: {  	[dreg:$0x1] =	wrdreg $0xFFFFFFFF  }
0xb3: {  	[dreg:$0x0] =	wrdreg $0x60  }
0xb4: {  	[dreg:$0x2] =	wrdreg s24  }
0xb5: {  	[dreg:$0x3] =	wrdreg s16  }
0xb6: {  	[dreg:$0x4] =	wrdreg $0x90000  }
0xb7: {  	[dreg:$0x5] =	wrdreg $0x9  }
0xb8: {  	_ =	task.clear_ibuf [dreg:s7], $0x6FFFF;
	_ =	strace $0x90000046  }
0xb9: {  	s29 =	simm.s32 $0x9;
	_ =	strace $0x80000048  }
0xba: {  	_ =	swait.ge [sflag:s29], $0x1  }
0xbb: {  	[sflag:s29] =	ssyncadd.s32 $0xFFFFFFFF  }
0xbc: {  	_ =	strace $0x90000048  }
0xbd: {  	_ =	sfence  }
0xbe: {  	s30 =	sld [smem:$0x0];
	_ =	sdelay $0x2  }
0xbf: {  	s31 =	sshll.u32 s1, $0xD;
	s1 =	sshrl.u32 s1, $0x2  }
0xc0: {  	s3 =	sand.u32 $0x4000, s31;
	s1 =	sadd.s32 s1, s30  }
0xc1: {  	s0 =	sor.u32 s3, s0;
	s1 =	sshll.u32 s1, $0x11  }
0xc2: {  	s0 =	sor.u32 s1, s0  }
0xc3: {  	s0 =	sadd.s32 $0x8F2B, s0  }
0xc4: {  	[sflag:s0] =	ssyncadd.remote.s32 $0x1  }
0xc5: {  	_ =	sfence.sel $0xFFFF  }
0xc6: {  	[dreg:$0x0] =	wrdreg $0xFFFFFFFF;
	(pc) =	sbr.abs _section_cstart, $3  }
0xc7: {  	[dreg:$0x1] =	wrdreg $0xFFFFFFFF  }
0xc8: {  	_ =	task.clear_ibuf [dreg:s7], $0x2FFFF;
	_ =	strace $0x9FFFFFFF  }
0xc9: {  	(tm) =	ssettm $0x7FFFFFFF  }
tec
execute0_lowered:
.L_overlay_start_1:
0x0: {  	(tag) =	ssettag $0x1  }
0x1: {  	s0 =	rddreg [dreg:$0x0]  }
0x2: {  	s1 =	rddreg [dreg:$0x1]  }
0x3: {  	s2 =	rddreg [dreg:$0x2]  }
0x4: {  	s4 =	simm.s32 $0x0;
	s3 =	srdreg.scid;
	s12 =	stileid.u32  }
0x5: {  	s16 =	simm.s32 $0x400;
	s17 =	simm.s32 $0xC00;
	s18 =	simm.s32 $0x3  }
0x6: {  	s19 =	simm.s32 $0x80;
	s20 =	simm.s32 $0x1000;
	s15 =	simm.s32 $0xC80  }
0x7: {  	s28 =	simm.s32 $0xD00;
	s29 =	simm.s32 $0x600;
	s30 =	simm.s32 $0xD80  }
0x8: {  	s31 =	simm.s32 $0x680;
	s13 =	simm.s32 $0x0;
	[smem:$0x7FF] =	sst s4  }
0x9: {  	s3 =	sand.u32 $0x1, s3;
	s6 =	smul.u32 $0x13C00, s12;
	s7 =	sadd.s32 $0x1600, s0  }
0xa: {  	s10 =	sadd.s32 $0xB600, s0;
	s8 =	sadd.s32 $0x15600, s0;
	s22 =	smul.u32 $0x4F000, s12  }
0xb: {  	s11 =	smul.u32 $0x500, s12;
	s25 =	sshll.u32 s12, $0x6;
	s12 =	simm.s32 $0x4  }
0xc: {  	s5 =	smul.u32 $0x13C000, s3;
	_ =	strace $0x80000047;
	[dreg:$0x4] =	wrdreg s8  }
0xd: {  	s21 =	ssub.s32 $0x2, s3;
	p0 =	seq.s32 s3, $0x0;
	[dreg:$0x5] =	wrdreg s25  }
0xe: {  	s8 =	sor.u32 $0x1C05, s25;
	s25 =	simm.s32 $0x580;
	s9 =	sshrl.u32 s21, $0x1  }
0xf: {  	s24 =	sshrl.u32 s22, $0x2;
	[dreg:$0x6] =	wrdreg s8;
	s5 =	sadd.s32 s6, s5  }
0x10: {  	s23 =	ssub.s32 s21, s9;
	s6 =	sadd.s32 $0x5000, s11;
	s3 =	sadd.s32 s24, s2  }
0x11: {  	s21 =	simm.s32 $0x5000;
	s24 =	simm.s32 $0x6;
	s5 =	sshrl.u32 s5, $0x3  }
0x12: {  	s6 =	smov.u32 @p0 s11;
	s26 =	smax.u32 s23, $0x1;
	s14 =	sshrl.u32 s3, $0x3  }
0x13: {  	s23 =	simm.s32 $0x1;
	s3 =	simm.s32 $0x700;
	s8 =	sadd.s32 s7, s6  }
0x14: {  	s9 =	sadd.s32 s10, s6;
	s6 =	sor.u32 $0x80, s6;
	[dreg:$0xa] =	wrdreg s26  }
.Ltmp0:
0x15: {  	[dreg:$0xb] =	wrdreg s14;
	s7 =	sadd.s32 s7, s6;
	(pc) =	sbr.rel .LBB2_1-.Ltmp0, $4  }
0x16: {  	s0 =	sadd.s32 s5, s0;
	s6 =	sadd.s32 s10, s6;
	[dreg:$0x7] =	wrdreg s7  }
0x17: {  	s26 =	simm.s32 $0x2;
	s0 =	sadd.s32 $0x17E00, s0;
	[dreg:$0x8] =	wrdreg s6  }
0x18: {  	s5 =	simm.s32 $0xE80;
	s10 =	simm.s32 $0xF00;
	[dreg:$0x9] =	wrdreg s0  }
0x19: {  	s0 =	simm.s32 $0xE00;
	s7 =	simm.s32 $0x780;
	s6 =	simm.s32 $0xF80  }
.LBB2_4:
0x1a: {  	_ =	swait.ge [sflag:s26], $0x4000  }
0x1b: {  	[sflag:s26] =	ssyncset.done $0x0  }
0x1c: {  	[sflag:s26] =	ssyncadd.s32 $0xFFFFC000  }
0x1d: {  	[spmem:s2] =	stream.indirect.scatter.add.f32 [tilespmem:s21], [sflag:$0x6], $0x80, s6, s19, $0xb8;
	[tilespmem:$0x1CC00] =	vst v63  }
0x1e: {  	_ =	swait.ge [sflag:s24], $0x4000  }
0x1f: {  	[sflag:s24] =	ssyncset.done $0x0  }
0x20: {  	[sflag:s24] =	ssyncadd.s32 $0xFFFFC000  }
0x21: {  	[bflag:$0x0] =	sbarrier.arrive $0xFFFF  }
0x22: {  	s11 =	rddreg [dreg:$0x5]  }
0x23: {  	s13 =	rddreg [dreg:$0x9]  }
0x24: {  	s14 =	rddreg [dreg:$0xb];
	s11 =	sor.u32 $0x1C06, s11  }
0x25: {  	[hbm:s13], [sflag:s11] =	dma.local [spmem:s14], $0x2780  }
0x26: {  	_ =	swait.ge [sflag:s24], $0x2780  }
0x27: {  	s11 =	rddreg [dreg:$0xc]  }
0x28: {  	s22 =	rddreg [dreg:$0xa];
	s13 =	sadd.s32 $0x1, s11  }
0x29: {  	p0 =	sne.s32 s13, s22  }
.Ltmp1:
0x2a: {  	_ = 	snop;
	(pc) =	sbr.rel @!p0 .LBB2_5-.Ltmp1, $3  }
0x2b: {  	_ =	sdelay $0x1  }
0x2c: {  	[sflag:s24] =	ssyncset.done $0x0  }
0x2d: {  	[sflag:s24] =	ssyncadd.s32 $0xFFFFD880  }
.LBB2_1:
0x2e: {  	[dreg:$0xc] =	wrdreg s13  }
0x2f: {  	s11 =	rddreg [dreg:$0x4]  }
0x30: {  	s22 =	rddreg [dreg:$0x6]  }
0x31: {  	[spmem:s14], [sflag:s22] =	dma.local [hbm:s11], $0x2780  }
0x32: {  	[tilespmem:s4], [sflag:$0x3] =	stream.linear.gather [hbm4b:s8+s4], $0x400, $0x38;
	[tilespmem:$0x1CC00] =	vst v63  }
0x33: {  	s22 =	simm.s32 $0x800  }
0x34: {  	[tilespmem:s22], [sflag:$0x3] =	stream.linear.gather [hbm4b:s9+s4], $0x400, $0x38;
	[tilespmem:$0x1CC00] =	vst v63  }
0x35: {  	s13 =	rddreg [dreg:$0x7]  }
0x36: {  	[tilespmem:s16], [sflag:$0x4] =	stream.linear.gather [hbm4b:s13+s4], $0x400, $0x38;
	[tilespmem:$0x1CC00] =	vst v63  }
0x37: {  	s14 =	rddreg [dreg:$0x8]  }
0x38: {  	[tilespmem:s17], [sflag:$0x4] =	stream.linear.gather [hbm4b:s14+s4], $0x400, $0x38;
	[tilespmem:$0x1CC00] =	vst v63  }
0x39: {  	_ =	swait.ge [sflag:s18], $0x400  }
0x3a: {  	[sflag:s18] =	ssyncset.done $0x0  }
0x3b: {  	[sflag:s18] =	ssyncadd.s32 $0xFFFFFC00  }
0x3c: {  	_ =	swait.ge [sflag:s18], $0x400  }
0x3d: {  	[sflag:s18] =	ssyncset.done $0x0  }
0x3e: {  	[sflag:s18] =	ssyncadd.s32 $0xFFFFFC00  }
0x3f: {  	[tilespmem:s20], [sflag:$0x1] =	stream.indirect.gather [hbm4b:s1+s19], $0x80, s4, s19, $0xb8;
	[tilespmem:$0x1CC00] =	vst v63  }
0x40: {  	s22 =	simm.s32 $0x5  }
0x41: {  	[tilespmem:s21], [sflag:$0x2] =	stream.indirect.gather [hbm4b:s1+s19], $0x80, s19, s19, $0xb8;
	[tilespmem:$0x1CC00] =	vst v63  }
0x42: {  	_ =	swait.ge [sflag:s22], $0x2780  }
0x43: {  	[sflag:s22] =	ssyncset.done $0x0  }
0x44: {  	[sflag:s22] =	ssyncadd.s32 $0xFFFFD880  }
0x45: {  	s11 =	simm.s32 $0xFFFFFC00;
	[bflag:$0x0] =	sbarrier.arrive $0xFFFF  }
.LBB2_2:
0x46: {  	_ =	swait.ge [sflag:s23], $0x4000  }
0x47: {  	[sflag:s23] =	ssyncset.done $0x0  }
0x48: {  	s13 =	simm.s32 $0x800;
	[sflag:s23] =	ssyncadd.s32 $0xFFFFC000  }
0x49: {  	[spmem:s2] =	stream.indirect.scatter.add.f32 [tilespmem:s20], [sflag:$0x6], $0x80, s13, s19, $0xb8;
	[tilespmem:$0x1CC00] =	vst v63  }
0x4a: {  	_ =	swait.ge [sflag:s24], $0x4000  }
0x4b: {  	[sflag:s24] =	ssyncset.done $0x0  }
0x4c: {  	s22 =	simm.s32 $0x100;
	[sflag:s24] =	ssyncadd.s32 $0xFFFFC000  }
0x4d: {  	[tilespmem:s20], [sflag:$0x1] =	stream.indirect.gather [hbm4b:s1+s19], $0x80, s22, s19, $0xb8;
	[tilespmem:$0x1CC00] =	vst v63  }
0x4e: {  	_ =	swait.ge [sflag:s26], $0x4000  }
0x4f: {  	[sflag:s26] =	ssyncset.done $0x0  }
0x50: {  	s14 =	simm.s32 $0x880;
	[sflag:s26] =	ssyncadd.s32 $0xFFFFC000  }
0x51: {  	[spmem:s2] =	stream.indirect.scatter.add.f32 [tilespmem:s21], [sflag:$0x6], $0x80, s14, s19, $0xb8;
	[tilespmem:$0x1CC00] =	vst v63  }
0x52: {  	_ =	swait.ge [sflag:s24], $0x4000  }
0x53: {  	[sflag:s24] =	ssyncset.done $0x0  }
0x54: {  	s22 =	simm.s32 $0x180;
	[sflag:s24] =	ssyncadd.s32 $0xFFFFC000  }
0x55: {  	[tilespmem:s21], [sflag:$0x2] =	stream.indirect.gather [hbm4b:s1+s19], $0x80, s22, s19, $0xb8;
	[tilespmem:$0x1CC00] =	vst v63  }
0x56: {  	_ =	swait.ge [sflag:s23], $0x4000  }
0x57: {  	[sflag:s23] =	ssyncset.done $0x0  }
0x58: {  	s14 =	simm.s32 $0x900;
	[sflag:s23] =	ssyncadd.s32 $0xFFFFC000  }
0x59: {  	[spmem:s2] =	stream.indirect.scatter.add.f32 [tilespmem:s20], [sflag:$0x6], $0x80, s14, s19, $0xb8;
	[tilespmem:$0x1CC00] =	vst v63  }
0x5a: {  	_ =	swait.ge [sflag:s24], $0x4000  }
0x5b: {  	[sflag:s24] =	ssyncset.done $0x0  }
0x5c: {  	s22 =	simm.s32 $0x200;
	[sflag:s24] =	ssyncadd.s32 $0xFFFFC000  }
0x5d: {  	[tilespmem:s20], [sflag:$0x1] =	stream.indirect.gather [hbm4b:s1+s19], $0x80, s22, s19, $0xb8;
	[tilespmem:$0x1CC00] =	vst v63  }
0x5e: {  	_ =	swait.ge [sflag:s26], $0x4000  }
0x5f: {  	[sflag:s26] =	ssyncset.done $0x0  }
0x60: {  	s14 =	simm.s32 $0x980;
	[sflag:s26] =	ssyncadd.s32 $0xFFFFC000  }
0x61: {  	[spmem:s2] =	stream.indirect.scatter.add.f32 [tilespmem:s21], [sflag:$0x6], $0x80, s14, s19, $0xb8;
	[tilespmem:$0x1CC00] =	vst v63  }
0x62: {  	_ =	swait.ge [sflag:s24], $0x4000  }
0x63: {  	[sflag:s24] =	ssyncset.done $0x0  }
0x64: {  	s22 =	simm.s32 $0x280;
	[sflag:s24] =	ssyncadd.s32 $0xFFFFC000  }
0x65: {  	[tilespmem:s21], [sflag:$0x2] =	stream.indirect.gather [hbm4b:s1+s19], $0x80, s22, s19, $0xb8;
	[tilespmem:$0x1CC00] =	vst v63  }
0x66: {  	_ =	swait.ge [sflag:s23], $0x4000  }
0x67: {  	[sflag:s23] =	ssyncset.done $0x0  }
0x68: {  	s14 =	simm.s32 $0xA00;
	[sflag:s23] =	ssyncadd.s32 $0xFFFFC000  }
0x69: {  	[spmem:s2] =	stream.indirect.scatter.add.f32 [tilespmem:s20], [sflag:$0x6], $0x80, s14, s19, $0xb8;
	[tilespmem:$0x1CC00] =	vst v63  }
0x6a: {  	_ =	swait.ge [sflag:s24], $0x4000  }
0x6b: {  	[sflag:s24] =	ssyncset.done $0x0  }
0x6c: {  	s22 =	simm.s32 $0x300;
	[sflag:s24] =	ssyncadd.s32 $0xFFFFC000  }
0x6d: {  	[tilespmem:s20], [sflag:$0x1] =	stream.indirect.gather [hbm4b:s1+s19], $0x80, s22, s19, $0xb8;
	[tilespmem:$0x1CC00] =	vst v63  }
0x6e: {  	_ =	swait.ge [sflag:s26], $0x4000  }
0x6f: {  	[sflag:s26] =	ssyncset.done $0x0  }
0x70: {  	s14 =	simm.s32 $0xA80;
	[sflag:s26] =	ssyncadd.s32 $0xFFFFC000  }
0x71: {  	[spmem:s2] =	stream.indirect.scatter.add.f32 [tilespmem:s21], [sflag:$0x6], $0x80, s14, s19, $0xb8;
	[tilespmem:$0x1CC00] =	vst v63  }
0x72: {  	_ =	swait.ge [sflag:s24], $0x4000  }
0x73: {  	[sflag:s24] =	ssyncset.done $0x0  }
0x74: {  	s22 =	simm.s32 $0x380;
	[sflag:s24] =	ssyncadd.s32 $0xFFFFC000  }
0x75: {  	[tilespmem:s21], [sflag:$0x2] =	stream.indirect.gather [hbm4b:s1+s19], $0x80, s22, s19, $0xb8;
	[tilespmem:$0x1CC00] =	vst v63  }
0x76: {  	_ =	swait.ge [sflag:s23], $0x4000  }
0x77: {  	[sflag:s23] =	ssyncset.done $0x0  }
0x78: {  	s14 =	simm.s32 $0xB00;
	[sflag:s23] =	ssyncadd.s32 $0xFFFFC000  }
0x79: {  	[spmem:s2] =	stream.indirect.scatter.add.f32 [tilespmem:s20], [sflag:$0x6], $0x80, s14, s19, $0xb8;
	[tilespmem:$0x1CC00] =	vst v63  }
0x7a: {  	_ =	swait.ge [sflag:s24], $0x4000  }
0x7b: {  	[sflag:s24] =	ssyncset.done $0x0  }
0x7c: {  	[sflag:s24] =	ssyncadd.s32 $0xFFFFC000  }
0x7d: {  	_ =	swait.ge [sflag:s12], $0x400  }
0x7e: {  	[sflag:s12] =	ssyncset.done $0x0  }
0x7f: {  	[sflag:s12] =	ssyncadd.s32 $0xFFFFFC00  }
0x80: {  	_ =	swait.ge [sflag:s12], $0x400  }
0x81: {  	[sflag:s12] =	ssyncset.done $0x0  }
0x82: {  	[sflag:s12] =	ssyncadd.s32 $0xFFFFFC00  }
0x83: {  	[tilespmem:s20], [sflag:$0x1] =	stream.indirect.gather [hbm4b:s1+s19], $0x80, s16, s19, $0xb8;
	[tilespmem:$0x1CC00] =	vst v63  }
0x84: {  	_ =	swait.ge [sflag:s26], $0x4000  }
0x85: {  	[sflag:s26] =	ssyncset.done $0x0  }
0x86: {  	s22 =	simm.s32 $0xB80;
	[sflag:s26] =	ssyncadd.s32 $0xFFFFC000  }
0x87: {  	[spmem:s2] =	stream.indirect.scatter.add.f32 [tilespmem:s21], [sflag:$0x6], $0x80, s22, s19, $0xb8;
	[tilespmem:$0x1CC00] =	vst v63  }
0x88: {  	_ =	swait.ge [sflag:s24], $0x4000  }
0x89: {  	p0 =	seq.s32 s11, $0x0;
	[sflag:s24] =	ssyncset.done $0x0  }
0x8a: {  	s13 =	sadd.s32 @!p0 s11, s8;
	s14 =	simm.s32 $0x480;
	[sflag:s24] =	ssyncadd.s32 $0xFFFFC000  }
0x8b: {  	[tilespmem:s21], [sflag:$0x2] =	stream.indirect.gather [hbm4b:s1+s19], $0x80, s14, s19, $0xb8;
	[tilespmem:$0x1CC00] =	vst v63  }
0x8c: {  	s13 =	sadd.s32 @!p0 $0x500, s13;
	s22 =	simm.s32 @!p0 $0x0  }
0x8d: {  	[tilespmem:s22], [sflag:$0x3] =	stream.linear.gather @!p0 [hbm4b:s13+s22], $0x400, $0x38;
	[tilespmem:$0x1CC00] =	vst v63  }
0x8e: {  	s13 =	sadd.s32 @!p0 s11, s9  }
0x8f: {  	s14 =	simm.s32 @!p0 $0x800;
	s13 =	sadd.s32 @!p0 $0x500, s13  }
0x90: {  	[tilespmem:s14], [sflag:$0x3] =	stream.linear.gather @!p0 [hbm4b:s13+s22], $0x400, $0x38;
	[tilespmem:$0x1CC00] =	vst v63  }
0x91: {  	_ =	swait.ge [sflag:s23], $0x4000  }
0x92: {  	[sflag:s23] =	ssyncset.done $0x0  }
0x93: {  	[sflag:s23] =	ssyncadd.s32 $0xFFFFC000  }
0x94: {  	[spmem:s2] =	stream.indirect.scatter.add.f32 [tilespmem:s20], [sflag:$0x6], $0x80, s17, s19, $0xb8;
	[tilespmem:$0x1CC00] =	vst v63  }
0x95: {  	_ =	swait.ge [sflag:s24], $0x4000  }
0x96: {  	[sflag:s24] =	ssyncset.done $0x0  }
0x97: {  	s22 =	simm.s32 $0x500;
	[sflag:s24] =	ssyncadd.s32 $0xFFFFC000  }
0x98: {  	[tilespmem:s20], [sflag:$0x1] =	stream.indirect.gather [hbm4b:s1+s19], $0x80, s22, s19, $0xb8;
	[tilespmem:$0x1CC00] =	vst v63  }
0x99: {  	_ =	swait.ge [sflag:s26], $0x4000  }
0x9a: {  	[sflag:s26] =	ssyncset.done $0x0  }
0x9b: {  	[sflag:s26] =	ssyncadd.s32 $0xFFFFC000  }
0x9c: {  	[spmem:s2] =	stream.indirect.scatter.add.f32 [tilespmem:s21], [sflag:$0x6], $0x80, s15, s19, $0xb8;
	[tilespmem:$0x1CC00] =	vst v63  }
0x9d: {  	_ =	swait.ge [sflag:s24], $0x4000  }
0x9e: {  	[sflag:s24] =	ssyncset.done $0x0  }
0x9f: {  	[sflag:s24] =	ssyncadd.s32 $0xFFFFC000  }
0xa0: {  	[tilespmem:s21], [sflag:$0x2] =	stream.indirect.gather [hbm4b:s1+s19], $0x80, s25, s19, $0xb8;
	[tilespmem:$0x1CC00] =	vst v63  }
0xa1: {  	_ =	swait.ge [sflag:s23], $0x4000  }
0xa2: {  	[sflag:s23] =	ssyncset.done $0x0  }
0xa3: {  	[sflag:s23] =	ssyncadd.s32 $0xFFFFC000  }
0xa4: {  	[spmem:s2] =	stream.indirect.scatter.add.f32 [tilespmem:s20], [sflag:$0x6], $0x80, s28, s19, $0xb8;
	[tilespmem:$0x1CC00] =	vst v63  }
0xa5: {  	_ =	swait.ge [sflag:s24], $0x4000  }
0xa6: {  	[sflag:s24] =	ssyncset.done $0x0  }
0xa7: {  	[sflag:s24] =	ssyncadd.s32 $0xFFFFC000  }
0xa8: {  	[tilespmem:s20], [sflag:$0x1] =	stream.indirect.gather [hbm4b:s1+s19], $0x80, s29, s19, $0xb8;
	[tilespmem:$0x1CC00] =	vst v63  }
0xa9: {  	_ =	swait.ge [sflag:s26], $0x4000  }
0xaa: {  	[sflag:s26] =	ssyncset.done $0x0  }
0xab: {  	[sflag:s26] =	ssyncadd.s32 $0xFFFFC000  }
0xac: {  	[spmem:s2] =	stream.indirect.scatter.add.f32 [tilespmem:s21], [sflag:$0x6], $0x80, s30, s19, $0xb8;
	[tilespmem:$0x1CC00] =	vst v63  }
0xad: {  	_ =	swait.ge [sflag:s24], $0x4000  }
0xae: {  	[sflag:s24] =	ssyncset.done $0x0  }
0xaf: {  	[sflag:s24] =	ssyncadd.s32 $0xFFFFC000  }
0xb0: {  	[tilespmem:s21], [sflag:$0x2] =	stream.indirect.gather [hbm4b:s1+s19], $0x80, s31, s19, $0xb8;
	[tilespmem:$0x1CC00] =	vst v63  }
0xb1: {  	_ =	swait.ge [sflag:s23], $0x4000  }
0xb2: {  	[sflag:s23] =	ssyncset.done $0x0  }
0xb3: {  	[sflag:s23] =	ssyncadd.s32 $0xFFFFC000  }
0xb4: {  	[spmem:s2] =	stream.indirect.scatter.add.f32 [tilespmem:s20], [sflag:$0x6], $0x80, s0, s19, $0xb8;
	[tilespmem:$0x1CC00] =	vst v63  }
0xb5: {  	_ =	swait.ge [sflag:s24], $0x4000  }
0xb6: {  	[sflag:s24] =	ssyncset.done $0x0  }
0xb7: {  	[sflag:s24] =	ssyncadd.s32 $0xFFFFC000  }
0xb8: {  	[tilespmem:s20], [sflag:$0x1] =	stream.indirect.gather [hbm4b:s1+s19], $0x80, s3, s19, $0xb8;
	[tilespmem:$0x1CC00] =	vst v63  }
0xb9: {  	_ =	swait.ge [sflag:s26], $0x4000  }
0xba: {  	[sflag:s26] =	ssyncset.done $0x0  }
0xbb: {  	[sflag:s26] =	ssyncadd.s32 $0xFFFFC000  }
0xbc: {  	[spmem:s2] =	stream.indirect.scatter.add.f32 [tilespmem:s21], [sflag:$0x6], $0x80, s5, s19, $0xb8;
	[tilespmem:$0x1CC00] =	vst v63  }
0xbd: {  	_ =	swait.ge [sflag:s24], $0x4000  }
0xbe: {  	[sflag:s24] =	ssyncset.done $0x0  }
0xbf: {  	[sflag:s24] =	ssyncadd.s32 $0xFFFFC000  }
0xc0: {  	[tilespmem:s21], [sflag:$0x2] =	stream.indirect.gather [hbm4b:s1+s19], $0x80, s7, s19, $0xb8;
	[tilespmem:$0x1CC00] =	vst v63  }
0xc1: {  	_ =	swait.ge [sflag:s23], $0x4000  }
0xc2: {  	[sflag:s23] =	ssyncset.done $0x0  }
.Ltmp2:
0xc3: {  	[sflag:s23] =	ssyncadd.s32 $0xFFFFC000;
	(pc) =	sbr.rel @p0 .LBB2_4-.Ltmp2, $4  }
0xc4: {  	[spmem:s2] =	stream.indirect.scatter.add.f32 [tilespmem:s20], [sflag:$0x6], $0x80, s10, s19, $0xb8;
	[tilespmem:$0x1CC00] =	vst v63  }
0xc5: {  	_ =	swait.ge [sflag:s24], $0x4000  }
0xc6: {  	[sflag:s24] =	ssyncset.done $0x0  }
0xc7: {  	[sflag:s24] =	ssyncadd.s32 $0xFFFFC000  }
0xc8: {  	_ =	swait.ge [sflag:s18], $0x400  }
0xc9: {  	[sflag:s18] =	ssyncset.done $0x0  }
0xca: {  	[sflag:s18] =	ssyncadd.s32 $0xFFFFFC00  }
0xcb: {  	_ =	swait.ge [sflag:s18], $0x400  }
0xcc: {  	[sflag:s18] =	ssyncset.done $0x0  }
0xcd: {  	[sflag:s18] =	ssyncadd.s32 $0xFFFFFC00  }
0xce: {  	[tilespmem:s20], [sflag:$0x1] =	stream.indirect.gather [hbm4b:s1+s19], $0x80, s4, s19, $0xb8;
	[tilespmem:$0x1CC00] =	vst v63  }
0xcf: {  	_ =	swait.ge [sflag:s26], $0x4000  }
0xd0: {  	[sflag:s26] =	ssyncset.done $0x0  }
0xd1: {  	[sflag:s26] =	ssyncadd.s32 $0xFFFFC000  }
0xd2: {  	[spmem:s2] =	stream.indirect.scatter.add.f32 [tilespmem:s21], [sflag:$0x6], $0x80, s6, s19, $0xb8;
	[tilespmem:$0x1CC00] =	vst v63  }
0xd3: {  	_ =	swait.ge [sflag:s24], $0x4000  }
0xd4: {  	[sflag:s24] =	ssyncset.done $0x0  }
0xd5: {  	[sflag:s24] =	ssyncadd.s32 $0xFFFFC000  }
0xd6: {  	[tilespmem:s21], [sflag:$0x2] =	stream.indirect.gather [hbm4b:s1+s19], $0x80, s19, s19, $0xb8;
	[tilespmem:$0x1CC00] =	vst v63  }
.Ltmp3:
0xd7: {  	s13 =	sadd.s32 s11, s8;
	(pc) =	sbr.rel .LBB2_2-.Ltmp3, $4  }
0xd8: {  	s22 =	sadd.s32 s11, s9;
	s13 =	sadd.s32 $0x580, s13  }
0xd9: {  	[tilespmem:s16], [sflag:$0x4] =	stream.linear.gather [hbm4b:s13+s4], $0x400, $0x38;
	[tilespmem:$0x1CC00] =	vst v63  }
0xda: {  	s11 =	sadd.s32 $0x100, s11;
	s13 =	sadd.s32 $0x580, s22  }
0xdb: {  	[tilespmem:s17], [sflag:$0x4] =	stream.linear.gather [hbm4b:s13+s4], $0x400, $0x38;
	[tilespmem:$0x1CC00] =	vst v63  }
.LBB2_5:
0xdc: {  	_ =	sfence.sel $0x180000  }
0xdd: {  	[bflag:$0x0] =	sbarrier.arrive $0xFFFF  }
0xde: {  	_ =	strace $0x90000047  }
0xdf: {  	s0 =	stileid.u32;
	[bflag:$0x2] =	sbarrier.arrive $0xFFFF  }
0xe0: {  	p0 =	sne.s32 s0, $0x0;
	s0 =	rddreg [dreg:$0x3]  }
0xe1: {  	s0 =	sadd.s32 @!p0 $0x100000, s0  }
0xe2: {  	[sflag:s0] =	ssyncadd.tile.s32 @!p0 $0x1;
	_ =	shalt  }
.Lfunc_end2:
_tile_overlayer_lowered:
.L_overlay_start_2:
0xe3: {  	(tag) =	ssettag $0x2  }
0xe4: {  	s0 =	rddreg [dreg:$0x0];
	s2 =	stileid.u32  }
0xe5: {  	s1 =	rddreg [dreg:$0x1];
	p0 =	sne.s32 s2, $0x0  }
0xe6: {  	s3 =	rddreg [dreg:$0x2];
	[bflag:$0x3] =	sbarrier.arrive $0xFFFF;
	s2 =	simm.s32 @!p0 $0x1C06  }
0xe7: {  	[timem:s3], [sflag:s2] =	dma.local @!p0 [hbm:s0], s1  }
0xe8: {  	s0 =	simm.s32 @!p0 $0x6  }
0xe9: {  	_ =	swait.ge @!p0 [sflag:s0], s1  }
0xea: {  	s1 =	ssub.s32 @!p0 $0x0, s1;
	[sflag:s0] =	ssyncset.done @!p0 $0x0  }
0xeb: {  	[sflag:s0] =	ssyncadd.s32 @!p0 s1  }
0xec: {  	[bflag:$0x3] =	sbarrier.arrive $0xFFFF  }
0xed: {  	_ =	shalt  }

</sc_bundles>
